<compile_context>
chip_gen: v7x
topology: tpu7x:2x2x1
jax: 0.10.2.dev20260603
libtpu: 0.0.44.dev20260713+nightly
codegen_flags: <defaults>
</compile_context>

<pallas_src>
import functools

import jax
import jax.numpy as jnp
from jax.experimental import pallas as pl
from jax.experimental.pallas import tpu as pltpu

_CONF_THR = 0.05
_NMS_THR = 0.5
_SELECT_TOPK = 1000
_NMS_KEEP = 100
_NEG = -1e9

_KP = 1024
_BK = 128
_NBLK = _KP // _BK


def _nms_kernel(p_ref, keep_ref, sup_ref, kscr_ref):
    P = p_ref[0]
    x1 = P[0:1, :] * 512.0
    y1 = P[1:2, :] * 512.0
    w = jnp.abs(P[2:3, :]) * 64.0 + 1.0
    h = jnp.abs(P[3:4, :]) * 64.0 + 1.0
    x2 = x1 + w
    y2 = y1 + h
    lab = P[4:5, :]
    sc = P[5:6, :]

    validf = jnp.where(sc > (_NEG / 2.0), 1.0, 0.0)

    mx = jnp.maximum(jnp.maximum(x1 * validf, y1 * validf),
                     jnp.maximum(x2 * validf, y2 * validf))
    max_coord = jnp.max(mx, axis=1, keepdims=True)

    off = lab * (max_coord + 1.0)
    x1o = x1 + off
    y1o = y1 + off
    x2o = x2 + off
    y2o = y2 + off
    area = (x2o - x1o) * (y2o - y1o)

    zero = jnp.zeros_like(x1o)
    Q8 = jnp.concatenate([x1o, y1o, x2o, y2o, area, zero, zero, zero], axis=0)
    QT = Q8.T

    for rb in range(_NBLK):
        lo = rb * _BK
        QTb = QT[lo:lo + _BK, :]
        x1c = QTb[:, 0:1]
        y1c = QTb[:, 1:2]
        x2c = QTb[:, 2:3]
        y2c = QTb[:, 3:4]
        ac = QTb[:, 4:5]
        ltx = jnp.maximum(x1c, x1o)
        lty = jnp.maximum(y1c, y1o)
        rbx = jnp.minimum(x2c, x2o)
        rby = jnp.minimum(y2c, y2o)
        wx = jnp.maximum(rbx - ltx, 0.0)
        wy = jnp.maximum(rby - lty, 0.0)
        inter = wx * wy
        union = ac + area - inter
        iou = inter / (union + 1e-9)
        jidx = jax.lax.broadcasted_iota(jnp.int32, (_BK, _KP), 1)
        iidx = jax.lax.broadcasted_iota(jnp.int32, (_BK, _KP), 0) + lo
        supf = jnp.where((iou > _NMS_THR) & (jidx > iidx), 1.0, 0.0)
        sup_ref[lo:lo + _BK, :] = supf

    kscr_ref[0:1, :] = validf
    lidx = jax.lax.broadcasted_iota(jnp.int32, (1, _BK), 1)

    for b in range(_NBLK):
        lo = b * _BK
        kb0 = kscr_ref[0:1, lo:lo + _BK]

        def body(g, kb, lo=lo):
            base = pl.multiple_of(lo + g * 8, 8)
            rows8 = sup_ref[pl.ds(base, 8), lo:lo + _BK]
            for r in range(8):
                i = g * 8 + r
                row = rows8[r:r + 1, :]
                ki = jnp.sum(kb * jnp.where(lidx == i, 1.0, 0.0),
                             axis=1, keepdims=True)
                kb = kb * (1.0 - ki * row)
            return kb

        kb = jax.lax.fori_loop(0, _BK // 8, body, kb0)
        kscr_ref[0:1, lo:lo + _BK] = kb
        SUPb = sup_ref[lo:lo + _BK, :]
        lat = jax.lax.dot_general(
            kb, SUPb, (((1,), (0,)), ((), ())),
            preferred_element_type=jnp.float32,
            precision=jax.lax.Precision.HIGHEST)
        kscr_ref[0:1, :] = kscr_ref[0:1, :] * (1.0 - jnp.minimum(lat, 1.0))

    keep_ref[0] = kscr_ref[0:1, :]


def _run_nms(packed):
    B = packed.shape[0]
    return pl.pallas_call(
        _nms_kernel,
        grid=(B,),
        in_specs=[pl.BlockSpec((1, 8, _KP), lambda i: (i, 0, 0))],
        out_specs=pl.BlockSpec((1, 1, _KP), lambda i: (i, 0, 0)),
        out_shape=jax.ShapeDtypeStruct((B, 1, _KP), jnp.float32),
        scratch_shapes=[
            pltpu.VMEM((_KP, _KP), jnp.float32),
            pltpu.VMEM((8, _KP), jnp.float32),
        ],
    )(packed)


@jax.jit
def kernel(pscores, pboxes, plabels):
    B, N = pscores.shape
    scores_m = jnp.where(pscores > _CONF_THR, pscores, _NEG)
    top_s, top_i = jax.lax.top_k(scores_m, _SELECT_TOPK)
    top_praw = jnp.take_along_axis(pboxes, top_i[..., None], axis=1)
    top_l = jnp.take_along_axis(plabels, top_i, axis=1)

    pad = _KP - _SELECT_TOPK
    coords = jnp.moveaxis(top_praw, 2, 1)
    rows = jnp.concatenate([
        coords,
        top_l[:, None, :].astype(jnp.float32),
        top_s[:, None, :],
        jnp.zeros((B, 2, _SELECT_TOPK), jnp.float32),
    ], axis=1)
    packed = jnp.pad(rows, ((0, 0), (0, 0), (0, pad)),
                     constant_values=0.0)
    packed = packed.at[:, 5, _SELECT_TOPK:].set(_NEG)

    keepf = _run_nms(packed)[:, 0, :_SELECT_TOPK]
    keep = keepf > 0.5

    kscores = jnp.where(keep, top_s, _NEG)
    out_s, sel = jax.lax.top_k(kscores, _NMS_KEEP)

    lt = top_praw[..., :2] * 512.0
    wh = jnp.abs(top_praw[..., 2:]) * 64.0 + 1.0
    top_boxes = jnp.concatenate([lt, lt + wh], axis=-1)

    out_b = jnp.take_along_axis(top_boxes, sel[..., None], axis=1)
    out_l = jnp.take_along_axis(top_l, sel, axis=1)
    ids_batch = jnp.broadcast_to(jnp.arange(B, dtype=top_l.dtype)[:, None],
                                 out_s.shape)
    return ids_batch, out_b, out_l, out_s

# --- scband reference (transcript-rebuilt; emitter-appended) ---
"""Pipeline reference for scband-predicting-base-83743272337962 (READ-ONLY COPY).

The authoritative reference and input builder live on the scoring server;
editing this copy changes nothing except your own understanding.
"""

import jax, jax.numpy as jnp
import numpy as np

PRED_CONF_THR = 0.05
PRED_NMS_THR = 0.5
PRED_SELECT_TOPK = 1000
PRED_NMS_KEEP = 100
NEG = -1e9


def _pairwise_iou(b):
    area = (b[:, 2] - b[:, 0]) * (b[:, 3] - b[:, 1])
    lt = jnp.maximum(b[:, None, :2], b[None, :, :2])
    rb = jnp.minimum(b[:, None, 2:], b[None, :, 2:])
    wh = jnp.clip(rb - lt, 0.0, None)
    inter = wh[..., 0] * wh[..., 1]
    union = area[:, None] + area[None, :] - inter
    return inter / (union + 1e-9)


def _nms_single(boxes, scores, labels):
    # batched_nms: offset boxes by class id so different classes never overlap
    valid = scores > (NEG / 2.0)
    max_coord = jnp.max(jnp.where(valid[:, None], boxes, 0.0))
    off = labels.astype(boxes.dtype) * (max_coord + 1.0)
    boxes_off = boxes + off[:, None]
    order = jnp.argsort(-scores)
    bo = boxes_off[order]
    so = scores[order]
    vo = valid[order]
    b_orig = boxes[order]
    l_orig = labels[order]
    iou = _pairwise_iou(bo)
    n = so.shape[0]
    idxs = jnp.arange(n)

    def body(keep, i):
        sup = (iou[i] > PRED_NMS_THR) & (idxs > i) & keep[i]
        return keep & (~sup), None

    keep, _ = jax.lax.scan(body, vo, jnp.arange(n))
    kscores = jnp.where(keep, so, NEG)
    top_s, top_i = jax.lax.top_k(kscores, PRED_NMS_KEEP)
    return top_s, b_orig[top_i], l_orig[top_i]


def setup_inputs(seed: int = 0):
    key = jax.random.key(seed)
    k1, k2, k3 = jax.random.split(key, 3)
    pscores = jax.random.uniform(k1, (4, 20000), dtype=jnp.float32)
    pboxes = jax.random.uniform(k2, (4, 20000, 4), dtype=jnp.float32)
    plabels = jax.random.randint(k3, (4, 20000), 0, 20, dtype=jnp.int64) if jax.config.jax_enable_x64 else jax.random.randint(k3, (4, 20000), 0, 20, dtype=jnp.int32)
    return {"pscores": pscores, "pboxes": pboxes, "plabels": plabels}


def reference(pscores, pboxes, plabels):
    # build valid ltrb boxes from raw floats
    lt = pboxes[..., :2] * 512.0
    wh = jnp.abs(pboxes[..., 2:]) * 64.0 + 1.0
    boxes = jnp.concatenate([lt, lt + wh], axis=-1)
    # confidence threshold mask
    mask_pos = pscores > PRED_CONF_THR
    scores_m = jnp.where(mask_pos, pscores, NEG)
    # pre-NMS top-k selection per image
    top_scores, top_idx = jax.lax.top_k(scores_m, PRED_SELECT_TOPK)
    top_boxes = jnp.take_along_axis(boxes, top_idx[..., None], axis=1)
    top_labels = jnp.take_along_axis(plabels, top_idx, axis=1)
    # per-image class-aware NMS (batch_nms_v2)
    out_s, out_b, out_l = jax.vmap(_nms_single)(top_boxes, top_scores, top_labels)
    B = pscores.shape[0]
    ids_batch = jnp.broadcast_to(jnp.arange(B)[:, None], out_s.shape)
    return ids_batch, out_b, out_l, out_s

if __name__ == "__main__":
    import jax
    _d = setup_inputs()
    print(jax.jit(kernel)(*tuple(_d.values())))

</pallas_src>

<mosaic_0001>
module attributes {stable_mosaic.version = 14 : i64} {
  func.func @_nms_kernel(%arg0: i32, %arg1: memref<1x8x1024xf32, #tpu.memory_space<vmem>>, %arg2: memref<1x1x1024xf32, #tpu.memory_space<vmem>>, %arg3: memref<1024x1024xf32, #tpu.memory_space<vmem>>, %arg4: memref<8x1024xf32, #tpu.memory_space<vmem>>) attributes {dimension_semantics = [#tpu.dimension_semantics<arbitrary>], iteration_bounds = array<i64: 4>, scalar_prefetch = 0 : i64, scratch_operands = 2 : i64, tpu.core_type = #tpu.core_type<tc>, window_params = [{transform_indices = @transform_0, window_bounds = array<i64: 1, 8, 1024>}, {transform_indices = @transform_1, window_bounds = array<i64: 1, 1, 1024>}]} {
    %get3A = arith.constant 0 : index
    %get3A_0 = arith.constant 0 : index
    %get3A_1 = arith.constant 0 : index
    %get3A_2 = vector.load %arg1[%get3A, %get3A_0, %get3A_1] : memref<1x8x1024xf32, #tpu.memory_space<vmem>>, vector<1x8x1024xf32>
    %get3A_3 = vector.shape_cast %get3A_2 : vector<1x8x1024xf32> to vector<8x1024xf32>
    %slice3A = vector.extract_strided_slice %get3A_3 {offsets = [0, 0], sizes = [1, 1024], strides = [1, 1]} : vector<8x1024xf32> to vector<1x1024xf32>
    %mul3A = arith.constant 5.120000e+02 : f32
    %mul3A_4 = vector.broadcast %mul3A : f32 to vector<1x1024xf32>
    %mul3A_5 = arith.mulf %slice3A, %mul3A_4 : vector<1x1024xf32>
    %slice3A_6 = vector.extract_strided_slice %get3A_3 {offsets = [1, 0], sizes = [1, 1024], strides = [1, 1]} : vector<8x1024xf32> to vector<1x1024xf32>
    %mul3A_7 = arith.constant 5.120000e+02 : f32
    %mul3A_8 = vector.broadcast %mul3A_7 : f32 to vector<1x1024xf32>
    %mul3A_9 = arith.mulf %slice3A_6, %mul3A_8 : vector<1x1024xf32>
    %slice3A_10 = vector.extract_strided_slice %get3A_3 {offsets = [2, 0], sizes = [1, 1024], strides = [1, 1]} : vector<8x1024xf32> to vector<1x1024xf32>
    %abs3A = math.absf %slice3A_10 : vector<1x1024xf32>
    %mul3A_11 = arith.constant 6.400000e+01 : f32
    %mul3A_12 = vector.broadcast %mul3A_11 : f32 to vector<1x1024xf32>
    %mul3A_13 = arith.mulf %abs3A, %mul3A_12 : vector<1x1024xf32>
    %add3A = arith.constant 1.000000e+00 : f32
    %add3A_14 = vector.broadcast %add3A : f32 to vector<1x1024xf32>
    %add3A_15 = arith.addf %mul3A_13, %add3A_14 : vector<1x1024xf32>
    %slice3A_16 = vector.extract_strided_slice %get3A_3 {offsets = [3, 0], sizes = [1, 1024], strides = [1, 1]} : vector<8x1024xf32> to vector<1x1024xf32>
    %abs3A_17 = math.absf %slice3A_16 : vector<1x1024xf32>
    %mul3A_18 = arith.constant 6.400000e+01 : f32
    %mul3A_19 = vector.broadcast %mul3A_18 : f32 to vector<1x1024xf32>
    %mul3A_20 = arith.mulf %abs3A_17, %mul3A_19 : vector<1x1024xf32>
    %add3A_21 = arith.constant 1.000000e+00 : f32
    %add3A_22 = vector.broadcast %add3A_21 : f32 to vector<1x1024xf32>
    %add3A_23 = arith.addf %mul3A_20, %add3A_22 : vector<1x1024xf32>
    %add3A_24 = arith.addf %mul3A_5, %add3A_15 : vector<1x1024xf32>
    %add3A_25 = arith.addf %mul3A_9, %add3A_23 : vector<1x1024xf32>
    %slice3A_26 = vector.extract_strided_slice %get3A_3 {offsets = [4, 0], sizes = [1, 1024], strides = [1, 1]} : vector<8x1024xf32> to vector<1x1024xf32>
    %slice3A_27 = vector.extract_strided_slice %get3A_3 {offsets = [5, 0], sizes = [1, 1024], strides = [1, 1]} : vector<8x1024xf32> to vector<1x1024xf32>
    %gt3A = arith.constant -5.000000e+08 : f32
    %gt3A_28 = vector.broadcast %gt3A : f32 to vector<1x1024xf32>
    %gt3A_29 = arith.cmpf ogt, %slice3A_27, %gt3A_28 : vector<1x1024xf32>
    %jit3A = arith.constant 1.000000e+00 : f32
    %jit3A_30 = arith.constant 0.000000e+00 : f32
    %broadcast_in_dim3A = vector.broadcast %jit3A : f32 to vector<1x1024xf32>
    %broadcast_in_dim3A_31 = vector.broadcast %jit3A_30 : f32 to vector<1x1024xf32>
    %select_n3A = arith.select %gt3A_29, %broadcast_in_dim3A, %broadcast_in_dim3A_31 : vector<1x1024xi1>, vector<1x1024xf32>
    %mul3A_32 = arith.mulf %mul3A_5, %select_n3A : vector<1x1024xf32>
    %mul3A_33 = arith.mulf %mul3A_9, %select_n3A : vector<1x1024xf32>
    %max3A = arith.maximumf %mul3A_32, %mul3A_33 : vector<1x1024xf32>
    %mul3A_34 = arith.mulf %add3A_24, %select_n3A : vector<1x1024xf32>
    %mul3A_35 = arith.mulf %add3A_25, %select_n3A : vector<1x1024xf32>
    %max3A_36 = arith.maximumf %mul3A_34, %mul3A_35 : vector<1x1024xf32>
    %max3A_37 = arith.maximumf %max3A, %max3A_36 : vector<1x1024xf32>
    %reduce_max3A = arith.constant dense<0xFF800000> : vector<1xf32>
    %reduce_max3A_38 = vector.multi_reduction <maximumf>, %max3A_37, %reduce_max3A [1] : vector<1x1024xf32> to vector<1xf32>
    %broadcast_in_dim3A_39 = vector.shape_cast %reduce_max3A_38 : vector<1xf32> to vector<1x1xf32>
    %add3A_40 = arith.constant 1.000000e+00 : f32
    %add3A_41 = vector.broadcast %add3A_40 : f32 to vector<1x1xf32>
    %add3A_42 = arith.addf %broadcast_in_dim3A_39, %add3A_41 : vector<1x1xf32>
    %mul3A_43 = vector.broadcast %add3A_42 : vector<1x1xf32> to vector<1x1024xf32>
    %mul3A_44 = arith.mulf %slice3A_26, %mul3A_43 : vector<1x1024xf32>
    %add3A_45 = arith.addf %mul3A_5, %mul3A_44 : vector<1x1024xf32>
    %add3A_46 = arith.addf %mul3A_9, %mul3A_44 : vector<1x1024xf32>
    %add3A_47 = arith.addf %add3A_24, %mul3A_44 : vector<1x1024xf32>
    %add3A_48 = arith.addf %add3A_25, %mul3A_44 : vector<1x1024xf32>
    %sub3A = arith.subf %add3A_47, %add3A_45 : vector<1x1024xf32>
    %sub3A_49 = arith.subf %add3A_48, %add3A_46 : vector<1x1024xf32>
    %mul3A_50 = arith.mulf %sub3A, %sub3A_49 : vector<1x1024xf32>
    %broadcast_in_dim3A_51 = arith.constant 0.000000e+00 : f32
    %broadcast_in_dim3A_52 = vector.broadcast %broadcast_in_dim3A_51 : f32 to vector<1x1024xf32>
    %concatenate3A = tpu.concatenate %add3A_45, %add3A_46, %add3A_47, %add3A_48, %mul3A_50, %broadcast_in_dim3A_52, %broadcast_in_dim3A_52, %broadcast_in_dim3A_52 in 0 : vector<1x1024xf32>, vector<1x1024xf32>, vector<1x1024xf32>, vector<1x1024xf32>, vector<1x1024xf32>, vector<1x1024xf32>, vector<1x1024xf32>, vector<1x1024xf32> -> vector<8x1024xf32>
    %transpose3A = tpu.transpose %concatenate3A, [1, 0] : vector<8x1024xf32> -> vector<1024x8xf32>
    %slice3A_53 = vector.extract_strided_slice %transpose3A {offsets = [0, 0], sizes = [128, 8], strides = [1, 1]} : vector<1024x8xf32> to vector<128x8xf32>
    %slice3A_54 = vector.extract_strided_slice %slice3A_53 {offsets = [0, 0], sizes = [128, 1], strides = [1, 1]} : vector<128x8xf32> to vector<128x1xf32>
    %slice3A_55 = vector.extract_strided_slice %slice3A_53 {offsets = [0, 1], sizes = [128, 1], strides = [1, 1]} : vector<128x8xf32> to vector<128x1xf32>
    %slice3A_56 = vector.extract_strided_slice %slice3A_53 {offsets = [0, 2], sizes = [128, 1], strides = [1, 1]} : vector<128x8xf32> to vector<128x1xf32>
    %slice3A_57 = vector.extract_strided_slice %slice3A_53 {offsets = [0, 3], sizes = [128, 1], strides = [1, 1]} : vector<128x8xf32> to vector<128x1xf32>
    %slice3A_58 = vector.extract_strided_slice %slice3A_53 {offsets = [0, 4], sizes = [128, 1], strides = [1, 1]} : vector<128x8xf32> to vector<128x1xf32>
    %max3A_59 = vector.broadcast %slice3A_54 : vector<128x1xf32> to vector<128x1024xf32>
    %max3A_60 = vector.broadcast %add3A_45 : vector<1x1024xf32> to vector<128x1024xf32>
    %max3A_61 = arith.maximumf %max3A_59, %max3A_60 : vector<128x1024xf32>
    %max3A_62 = vector.broadcast %slice3A_55 : vector<128x1xf32> to vector<128x1024xf32>
    %max3A_63 = vector.broadcast %add3A_46 : vector<1x1024xf32> to vector<128x1024xf32>
    %max3A_64 = arith.maximumf %max3A_62, %max3A_63 : vector<128x1024xf32>
    %min3A = vector.broadcast %slice3A_56 : vector<128x1xf32> to vector<128x1024xf32>
    %min3A_65 = vector.broadcast %add3A_47 : vector<1x1024xf32> to vector<128x1024xf32>
    %min3A_66 = arith.minimumf %min3A, %min3A_65 : vector<128x1024xf32>
    %min3A_67 = vector.broadcast %slice3A_57 : vector<128x1xf32> to vector<128x1024xf32>
    %min3A_68 = vector.broadcast %add3A_48 : vector<1x1024xf32> to vector<128x1024xf32>
    %min3A_69 = arith.minimumf %min3A_67, %min3A_68 : vector<128x1024xf32>
    %sub3A_70 = arith.subf %min3A_66, %max3A_61 : vector<128x1024xf32>
    %max3A_71 = arith.constant 0.000000e+00 : f32
    %max3A_72 = vector.broadcast %max3A_71 : f32 to vector<128x1024xf32>
    %max3A_73 = arith.maximumf %sub3A_70, %max3A_72 : vector<128x1024xf32>
    %sub3A_74 = arith.subf %min3A_69, %max3A_64 : vector<128x1024xf32>
    %max3A_75 = arith.constant 0.000000e+00 : f32
    %max3A_76 = vector.broadcast %max3A_75 : f32 to vector<128x1024xf32>
    %max3A_77 = arith.maximumf %sub3A_74, %max3A_76 : vector<128x1024xf32>
    %mul3A_78 = arith.mulf %max3A_73, %max3A_77 : vector<128x1024xf32>
    %add3A_79 = vector.broadcast %slice3A_58 : vector<128x1xf32> to vector<128x1024xf32>
    %add3A_80 = vector.broadcast %mul3A_50 : vector<1x1024xf32> to vector<128x1024xf32>
    %add3A_81 = arith.addf %add3A_79, %add3A_80 : vector<128x1024xf32>
    %sub3A_82 = arith.subf %add3A_81, %mul3A_78 : vector<128x1024xf32>
    %add3A_83 = arith.constant 9.99999971E-10 : f32
    %add3A_84 = vector.broadcast %add3A_83 : f32 to vector<128x1024xf32>
    %add3A_85 = arith.addf %sub3A_82, %add3A_84 : vector<128x1024xf32>
    %div3A = arith.divf %mul3A_78, %add3A_85 : vector<128x1024xf32>
    %iota3A = tpu.iota {dimensions = array<i32: 1>} : vector<128x1024xi32>
    %iota3A_86 = tpu.iota {dimensions = array<i32: 0>} : vector<128x1024xi32>
    %add3A_87 = arith.constant 0 : i32
    %add3A_88 = vector.broadcast %add3A_87 : i32 to vector<128x1024xi32>
    %add3A_89 = arith.addi %iota3A_86, %add3A_88 : vector<128x1024xi32>
    %gt3A_90 = arith.constant 5.000000e-01 : f32
    %gt3A_91 = vector.broadcast %gt3A_90 : f32 to vector<128x1024xf32>
    %gt3A_92 = arith.cmpf ogt, %div3A, %gt3A_91 : vector<128x1024xf32>
    %gt3A_93 = arith.cmpi sgt, %iota3A, %add3A_89 : vector<128x1024xi32>
    %and3A = arith.andi %gt3A_92, %gt3A_93 : vector<128x1024xi1>
    %jit3A_94 = arith.constant 1.000000e+00 : f32
    %jit3A_95 = arith.constant 0.000000e+00 : f32
    %broadcast_in_dim3A_96 = vector.broadcast %jit3A_94 : f32 to vector<128x1024xf32>
    %broadcast_in_dim3A_97 = vector.broadcast %jit3A_95 : f32 to vector<128x1024xf32>
    %select_n3A_98 = arith.select %and3A, %broadcast_in_dim3A_96, %broadcast_in_dim3A_97 : vector<128x1024xi1>, vector<128x1024xf32>
    %swap3A = arith.constant 0 : index
    %swap3A_99 = arith.constant 0 : index
    %swap3A_100 = vector.load %arg3[%swap3A, %swap3A_99] : memref<1024x1024xf32, #tpu.memory_space<vmem>>, vector<128x1024xf32>
    tpu.vector_store %arg3[%swap3A, %swap3A_99], %select_n3A_98 {strides = array<i32>} : memref<1024x1024xf32, #tpu.memory_space<vmem>>, vector<128x1024xf32>,
    %slice3A_101 = vector.extract_strided_slice %transpose3A {offsets = [128, 0], sizes = [128, 8], strides = [1, 1]} : vector<1024x8xf32> to vector<128x8xf32>
    %slice3A_102 = vector.extract_strided_slice %slice3A_101 {offsets = [0, 0], sizes = [128, 1], strides = [1, 1]} : vector<128x8xf32> to vector<128x1xf32>
    %slice3A_103 = vector.extract_strided_slice %slice3A_101 {offsets = [0, 1], sizes = [128, 1], strides = [1, 1]} : vector<128x8xf32> to vector<128x1xf32>
    %slice3A_104 = vector.extract_strided_slice %slice3A_101 {offsets = [0, 2], sizes = [128, 1], strides = [1, 1]} : vector<128x8xf32> to vector<128x1xf32>
    %slice3A_105 = vector.extract_strided_slice %slice3A_101 {offsets = [0, 3], sizes = [128, 1], strides = [1, 1]} : vector<128x8xf32> to vector<128x1xf32>
    %slice3A_106 = vector.extract_strided_slice %slice3A_101 {offsets = [0, 4], sizes = [128, 1], strides = [1, 1]} : vector<128x8xf32> to vector<128x1xf32>
    %max3A_107 = vector.broadcast %slice3A_102 : vector<128x1xf32> to vector<128x1024xf32>
    %max3A_108 = vector.broadcast %add3A_45 : vector<1x1024xf32> to vector<128x1024xf32>
    %max3A_109 = arith.maximumf %max3A_107, %max3A_108 : vector<128x1024xf32>
    %max3A_110 = vector.broadcast %slice3A_103 : vector<128x1xf32> to vector<128x1024xf32>
    %max3A_111 = vector.broadcast %add3A_46 : vector<1x1024xf32> to vector<128x1024xf32>
    %max3A_112 = arith.maximumf %max3A_110, %max3A_111 : vector<128x1024xf32>
    %min3A_113 = vector.broadcast %slice3A_104 : vector<128x1xf32> to vector<128x1024xf32>
    %min3A_114 = vector.broadcast %add3A_47 : vector<1x1024xf32> to vector<128x1024xf32>
    %min3A_115 = arith.minimumf %min3A_113, %min3A_114 : vector<128x1024xf32>
    %min3A_116 = vector.broadcast %slice3A_105 : vector<128x1xf32> to vector<128x1024xf32>
    %min3A_117 = vector.broadcast %add3A_48 : vector<1x1024xf32> to vector<128x1024xf32>
    %min3A_118 = arith.minimumf %min3A_116, %min3A_117 : vector<128x1024xf32>
    %sub3A_119 = arith.subf %min3A_115, %max3A_109 : vector<128x1024xf32>
    %max3A_120 = arith.constant 0.000000e+00 : f32
    %max3A_121 = vector.broadcast %max3A_120 : f32 to vector<128x1024xf32>
    %max3A_122 = arith.maximumf %sub3A_119, %max3A_121 : vector<128x1024xf32>
    %sub3A_123 = arith.subf %min3A_118, %max3A_112 : vector<128x1024xf32>
    %max3A_124 = arith.constant 0.000000e+00 : f32
    %max3A_125 = vector.broadcast %max3A_124 : f32 to vector<128x1024xf32>
    %max3A_126 = arith.maximumf %sub3A_123, %max3A_125 : vector<128x1024xf32>
    %mul3A_127 = arith.mulf %max3A_122, %max3A_126 : vector<128x1024xf32>
    %add3A_128 = vector.broadcast %slice3A_106 : vector<128x1xf32> to vector<128x1024xf32>
    %add3A_129 = vector.broadcast %mul3A_50 : vector<1x1024xf32> to vector<128x1024xf32>
    %add3A_130 = arith.addf %add3A_128, %add3A_129 : vector<128x1024xf32>
    %sub3A_131 = arith.subf %add3A_130, %mul3A_127 : vector<128x1024xf32>
    %add3A_132 = arith.constant 9.99999971E-10 : f32
    %add3A_133 = vector.broadcast %add3A_132 : f32 to vector<128x1024xf32>
    %add3A_134 = arith.addf %sub3A_131, %add3A_133 : vector<128x1024xf32>
    %div3A_135 = arith.divf %mul3A_127, %add3A_134 : vector<128x1024xf32>
    %iota3A_136 = tpu.iota {dimensions = array<i32: 1>} : vector<128x1024xi32>
    %iota3A_137 = tpu.iota {dimensions = array<i32: 0>} : vector<128x1024xi32>
    %add3A_138 = arith.constant 128 : i32
    %add3A_139 = vector.broadcast %add3A_138 : i32 to vector<128x1024xi32>
    %add3A_140 = arith.addi %iota3A_137, %add3A_139 : vector<128x1024xi32>
    %gt3A_141 = arith.constant 5.000000e-01 : f32
    %gt3A_142 = vector.broadcast %gt3A_141 : f32 to vector<128x1024xf32>
    %gt3A_143 = arith.cmpf ogt, %div3A_135, %gt3A_142 : vector<128x1024xf32>
    %gt3A_144 = arith.cmpi sgt, %iota3A_136, %add3A_140 : vector<128x1024xi32>
    %and3A_145 = arith.andi %gt3A_143, %gt3A_144 : vector<128x1024xi1>
    %jit3A_146 = arith.constant 1.000000e+00 : f32
    %jit3A_147 = arith.constant 0.000000e+00 : f32
    %broadcast_in_dim3A_148 = vector.broadcast %jit3A_146 : f32 to vector<128x1024xf32>
    %broadcast_in_dim3A_149 = vector.broadcast %jit3A_147 : f32 to vector<128x1024xf32>
    %select_n3A_150 = arith.select %and3A_145, %broadcast_in_dim3A_148, %broadcast_in_dim3A_149 : vector<128x1024xi1>, vector<128x1024xf32>
    %swap3A_151 = arith.constant 128 : index
    %swap3A_152 = arith.constant 0 : index
    %swap3A_153 = vector.load %arg3[%swap3A_151, %swap3A_152] : memref<1024x1024xf32, #tpu.memory_space<vmem>>, vector<128x1024xf32>
    tpu.vector_store %arg3[%swap3A_151, %swap3A_152], %select_n3A_150 {strides = array<i32>} : memref<1024x1024xf32, #tpu.memory_space<vmem>>, vector<128x1024xf32>,
    %slice3A_154 = vector.extract_strided_slice %transpose3A {offsets = [256, 0], sizes = [128, 8], strides = [1, 1]} : vector<1024x8xf32> to vector<128x8xf32>
    %slice3A_155 = vector.extract_strided_slice %slice3A_154 {offsets = [0, 0], sizes = [128, 1], strides = [1, 1]} : vector<128x8xf32> to vector<128x1xf32>
    %slice3A_156 = vector.extract_strided_slice %slice3A_154 {offsets = [0, 1], sizes = [128, 1], strides = [1, 1]} : vector<128x8xf32> to vector<128x1xf32>
    %slice3A_157 = vector.extract_strided_slice %slice3A_154 {offsets = [0, 2], sizes = [128, 1], strides = [1, 1]} : vector<128x8xf32> to vector<128x1xf32>
    %slice3A_158 = vector.extract_strided_slice %slice3A_154 {offsets = [0, 3], sizes = [128, 1], strides = [1, 1]} : vector<128x8xf32> to vector<128x1xf32>
    %slice3A_159 = vector.extract_strided_slice %slice3A_154 {offsets = [0, 4], sizes = [128, 1], strides = [1, 1]} : vector<128x8xf32> to vector<128x1xf32>
    %max3A_160 = vector.broadcast %slice3A_155 : vector<128x1xf32> to vector<128x1024xf32>
    %max3A_161 = vector.broadcast %add3A_45 : vector<1x1024xf32> to vector<128x1024xf32>
    %max3A_162 = arith.maximumf %max3A_160, %max3A_161 : vector<128x1024xf32>
    %max3A_163 = vector.broadcast %slice3A_156 : vector<128x1xf32> to vector<128x1024xf32>
    %max3A_164 = vector.broadcast %add3A_46 : vector<1x1024xf32> to vector<128x1024xf32>
    %max3A_165 = arith.maximumf %max3A_163, %max3A_164 : vector<128x1024xf32>
    %min3A_166 = vector.broadcast %slice3A_157 : vector<128x1xf32> to vector<128x1024xf32>
    %min3A_167 = vector.broadcast %add3A_47 : vector<1x1024xf32> to vector<128x1024xf32>
    %min3A_168 = arith.minimumf %min3A_166, %min3A_167 : vector<128x1024xf32>
    %min3A_169 = vector.broadcast %slice3A_158 : vector<128x1xf32> to vector<128x1024xf32>
    %min3A_170 = vector.broadcast %add3A_48 : vector<1x1024xf32> to vector<128x1024xf32>
    %min3A_171 = arith.minimumf %min3A_169, %min3A_170 : vector<128x1024xf32>
    %sub3A_172 = arith.subf %min3A_168, %max3A_162 : vector<128x1024xf32>
    %max3A_173 = arith.constant 0.000000e+00 : f32
    %max3A_174 = vector.broadcast %max3A_173 : f32 to vector<128x1024xf32>
    %max3A_175 = arith.maximumf %sub3A_172, %max3A_174 : vector<128x1024xf32>
    %sub3A_176 = arith.subf %min3A_171, %max3A_165 : vector<128x1024xf32>
    %max3A_177 = arith.constant 0.000000e+00 : f32
    %max3A_178 = vector.broadcast %max3A_177 : f32 to vector<128x1024xf32>
    %max3A_179 = arith.maximumf %sub3A_176, %max3A_178 : vector<128x1024xf32>
    %mul3A_180 = arith.mulf %max3A_175, %max3A_179 : vector<128x1024xf32>
    %add3A_181 = vector.broadcast %slice3A_159 : vector<128x1xf32> to vector<128x1024xf32>
    %add3A_182 = vector.broadcast %mul3A_50 : vector<1x1024xf32> to vector<128x1024xf32>
    %add3A_183 = arith.addf %add3A_181, %add3A_182 : vector<128x1024xf32>
    %sub3A_184 = arith.subf %add3A_183, %mul3A_180 : vector<128x1024xf32>
    %add3A_185 = arith.constant 9.99999971E-10 : f32
    %add3A_186 = vector.broadcast %add3A_185 : f32 to vector<128x1024xf32>
    %add3A_187 = arith.addf %sub3A_184, %add3A_186 : vector<128x1024xf32>
    %div3A_188 = arith.divf %mul3A_180, %add3A_187 : vector<128x1024xf32>
    %iota3A_189 = tpu.iota {dimensions = array<i32: 1>} : vector<128x1024xi32>
    %iota3A_190 = tpu.iota {dimensions = array<i32: 0>} : vector<128x1024xi32>
    %add3A_191 = arith.constant 256 : i32
    %add3A_192 = vector.broadcast %add3A_191 : i32 to vector<128x1024xi32>
    %add3A_193 = arith.addi %iota3A_190, %add3A_192 : vector<128x1024xi32>
    %gt3A_194 = arith.constant 5.000000e-01 : f32
    %gt3A_195 = vector.broadcast %gt3A_194 : f32 to vector<128x1024xf32>
    %gt3A_196 = arith.cmpf ogt, %div3A_188, %gt3A_195 : vector<128x1024xf32>
    %gt3A_197 = arith.cmpi sgt, %iota3A_189, %add3A_193 : vector<128x1024xi32>
    %and3A_198 = arith.andi %gt3A_196, %gt3A_197 : vector<128x1024xi1>
    %jit3A_199 = arith.constant 1.000000e+00 : f32
    %jit3A_200 = arith.constant 0.000000e+00 : f32
    %broadcast_in_dim3A_201 = vector.broadcast %jit3A_199 : f32 to vector<128x1024xf32>
    %broadcast_in_dim3A_202 = vector.broadcast %jit3A_200 : f32 to vector<128x1024xf32>
    %select_n3A_203 = arith.select %and3A_198, %broadcast_in_dim3A_201, %broadcast_in_dim3A_202 : vector<128x1024xi1>, vector<128x1024xf32>
    %swap3A_204 = arith.constant 256 : index
    %swap3A_205 = arith.constant 0 : index
    %swap3A_206 = vector.load %arg3[%swap3A_204, %swap3A_205] : memref<1024x1024xf32, #tpu.memory_space<vmem>>, vector<128x1024xf32>
    tpu.vector_store %arg3[%swap3A_204, %swap3A_205], %select_n3A_203 {strides = array<i32>} : memref<1024x1024xf32, #tpu.memory_space<vmem>>, vector<128x1024xf32>,
    %slice3A_207 = vector.extract_strided_slice %transpose3A {offsets = [384, 0], sizes = [128, 8], strides = [1, 1]} : vector<1024x8xf32> to vector<128x8xf32>
    %slice3A_208 = vector.extract_strided_slice %slice3A_207 {offsets = [0, 0], sizes = [128, 1], strides = [1, 1]} : vector<128x8xf32> to vector<128x1xf32>
    %slice3A_209 = vector.extract_strided_slice %slice3A_207 {offsets = [0, 1], sizes = [128, 1], strides = [1, 1]} : vector<128x8xf32> to vector<128x1xf32>
    %slice3A_210 = vector.extract_strided_slice %slice3A_207 {offsets = [0, 2], sizes = [128, 1], strides = [1, 1]} : vector<128x8xf32> to vector<128x1xf32>
    %slice3A_211 = vector.extract_strided_slice %slice3A_207 {offsets = [0, 3], sizes = [128, 1], strides = [1, 1]} : vector<128x8xf32> to vector<128x1xf32>
    %slice3A_212 = vector.extract_strided_slice %slice3A_207 {offsets = [0, 4], sizes = [128, 1], strides = [1, 1]} : vector<128x8xf32> to vector<128x1xf32>
    %max3A_213 = vector.broadcast %slice3A_208 : vector<128x1xf32> to vector<128x1024xf32>
    %max3A_214 = vector.broadcast %add3A_45 : vector<1x1024xf32> to vector<128x1024xf32>
    %max3A_215 = arith.maximumf %max3A_213, %max3A_214 : vector<128x1024xf32>
    %max3A_216 = vector.broadcast %slice3A_209 : vector<128x1xf32> to vector<128x1024xf32>
    %max3A_217 = vector.broadcast %add3A_46 : vector<1x1024xf32> to vector<128x1024xf32>
    %max3A_218 = arith.maximumf %max3A_216, %max3A_217 : vector<128x1024xf32>
    %min3A_219 = vector.broadcast %slice3A_210 : vector<128x1xf32> to vector<128x1024xf32>
    %min3A_220 = vector.broadcast %add3A_47 : vector<1x1024xf32> to vector<128x1024xf32>
    %min3A_221 = arith.minimumf %min3A_219, %min3A_220 : vector<128x1024xf32>
    %min3A_222 = vector.broadcast %slice3A_211 : vector<128x1xf32> to vector<128x1024xf32>
    %min3A_223 = vector.broadcast %add3A_48 : vector<1x1024xf32> to vector<128x1024xf32>
    %min3A_224 = arith.minimumf %min3A_222, %min3A_223 : vector<128x1024xf32>
    %sub3A_225 = arith.subf %min3A_221, %max3A_215 : vector<128x1024xf32>
    %max3A_226 = arith.constant 0.000000e+00 : f32
    %max3A_227 = vector.broadcast %max3A_226 : f32 to vector<128x1024xf32>
    %max3A_228 = arith.maximumf %sub3A_225, %max3A_227 : vector<128x1024xf32>
    %sub3A_229 = arith.subf %min3A_224, %max3A_218 : vector<128x1024xf32>
    %max3A_230 = arith.constant 0.000000e+00 : f32
    %max3A_231 = vector.broadcast %max3A_230 : f32 to vector<128x1024xf32>
    %max3A_232 = arith.maximumf %sub3A_229, %max3A_231 : vector<128x1024xf32>
    %mul3A_233 = arith.mulf %max3A_228, %max3A_232 : vector<128x1024xf32>
    %add3A_234 = vector.broadcast %slice3A_212 : vector<128x1xf32> to vector<128x1024xf32>
    %add3A_235 = vector.broadcast %mul3A_50 : vector<1x1024xf32> to vector<128x1024xf32>
    %add3A_236 = arith.addf %add3A_234, %add3A_235 : vector<128x1024xf32>
    %sub3A_237 = arith.subf %add3A_236, %mul3A_233 : vector<128x1024xf32>
    %add3A_238 = arith.constant 9.99999971E-10 : f32
    %add3A_239 = vector.broadcast %add3A_238 : f32 to vector<128x1024xf32>
    %add3A_240 = arith.addf %sub3A_237, %add3A_239 : vector<128x1024xf32>
    %div3A_241 = arith.divf %mul3A_233, %add3A_240 : vector<128x1024xf32>
    %iota3A_242 = tpu.iota {dimensions = array<i32: 1>} : vector<128x1024xi32>
    %iota3A_243 = tpu.iota {dimensions = array<i32: 0>} : vector<128x1024xi32>
    %add3A_244 = arith.constant 384 : i32
    %add3A_245 = vector.broadcast %add3A_244 : i32 to vector<128x1024xi32>
    %add3A_246 = arith.addi %iota3A_243, %add3A_245 : vector<128x1024xi32>
    %gt3A_247 = arith.constant 5.000000e-01 : f32
    %gt3A_248 = vector.broadcast %gt3A_247 : f32 to vector<128x1024xf32>
    %gt3A_249 = arith.cmpf ogt, %div3A_241, %gt3A_248 : vector<128x1024xf32>
    %gt3A_250 = arith.cmpi sgt, %iota3A_242, %add3A_246 : vector<128x1024xi32>
    %and3A_251 = arith.andi %gt3A_249, %gt3A_250 : vector<128x1024xi1>
    %jit3A_252 = arith.constant 1.000000e+00 : f32
    %jit3A_253 = arith.constant 0.000000e+00 : f32
    %broadcast_in_dim3A_254 = vector.broadcast %jit3A_252 : f32 to vector<128x1024xf32>
    %broadcast_in_dim3A_255 = vector.broadcast %jit3A_253 : f32 to vector<128x1024xf32>
    %select_n3A_256 = arith.select %and3A_251, %broadcast_in_dim3A_254, %broadcast_in_dim3A_255 : vector<128x1024xi1>, vector<128x1024xf32>
    %swap3A_257 = arith.constant 384 : index
    %swap3A_258 = arith.constant 0 : index
    %swap3A_259 = vector.load %arg3[%swap3A_257, %swap3A_258] : memref<1024x1024xf32, #tpu.memory_space<vmem>>, vector<128x1024xf32>
    tpu.vector_store %arg3[%swap3A_257, %swap3A_258], %select_n3A_256 {strides = array<i32>} : memref<1024x1024xf32, #tpu.memory_space<vmem>>, vector<128x1024xf32>,
    %slice3A_260 = vector.extract_strided_slice %transpose3A {offsets = [512, 0], sizes = [128, 8], strides = [1, 1]} : vector<1024x8xf32> to vector<128x8xf32>
    %slice3A_261 = vector.extract_strided_slice %slice3A_260 {offsets = [0, 0], sizes = [128, 1], strides = [1, 1]} : vector<128x8xf32> to vector<128x1xf32>
    %slice3A_262 = vector.extract_strided_slice %slice3A_260 {offsets = [0, 1], sizes = [128, 1], strides = [1, 1]} : vector<128x8xf32> to vector<128x1xf32>
    %slice3A_263 = vector.extract_strided_slice %slice3A_260 {offsets = [0, 2], sizes = [128, 1], strides = [1, 1]} : vector<128x8xf32> to vector<128x1xf32>
    %slice3A_264 = vector.extract_strided_slice %slice3A_260 {offsets = [0, 3], sizes = [128, 1], strides = [1, 1]} : vector<128x8xf32> to vector<128x1xf32>
    %slice3A_265 = vector.extract_strided_slice %slice3A_260 {offsets = [0, 4], sizes = [128, 1], strides = [1, 1]} : vector<128x8xf32> to vector<128x1xf32>
    %max3A_266 = vector.broadcast %slice3A_261 : vector<128x1xf32> to vector<128x1024xf32>
    %max3A_267 = vector.broadcast %add3A_45 : vector<1x1024xf32> to vector<128x1024xf32>
    %max3A_268 = arith.maximumf %max3A_266, %max3A_267 : vector<128x1024xf32>
    %max3A_269 = vector.broadcast %slice3A_262 : vector<128x1xf32> to vector<128x1024xf32>
    %max3A_270 = vector.broadcast %add3A_46 : vector<1x1024xf32> to vector<128x1024xf32>
    %max3A_271 = arith.maximumf %max3A_269, %max3A_270 : vector<128x1024xf32>
    %min3A_272 = vector.broadcast %slice3A_263 : vector<128x1xf32> to vector<128x1024xf32>
    %min3A_273 = vector.broadcast %add3A_47 : vector<1x1024xf32> to vector<128x1024xf32>
    %min3A_274 = arith.minimumf %min3A_272, %min3A_273 : vector<128x1024xf32>
    %min3A_275 = vector.broadcast %slice3A_264 : vector<128x1xf32> to vector<128x1024xf32>
    %min3A_276 = vector.broadcast %add3A_48 : vector<1x1024xf32> to vector<128x1024xf32>
    %min3A_277 = arith.minimumf %min3A_275, %min3A_276 : vector<128x1024xf32>
    %sub3A_278 = arith.subf %min3A_274, %max3A_268 : vector<128x1024xf32>
    %max3A_279 = arith.constant 0.000000e+00 : f32
    %max3A_280 = vector.broadcast %max3A_279 : f32 to vector<128x1024xf32>
    %max3A_281 = arith.maximumf %sub3A_278, %max3A_280 : vector<128x1024xf32>
    %sub3A_282 = arith.subf %min3A_277, %max3A_271 : vector<128x1024xf32>
    %max3A_283 = arith.constant 0.000000e+00 : f32
    %max3A_284 = vector.broadcast %max3A_283 : f32 to vector<128x1024xf32>
    %max3A_285 = arith.maximumf %sub3A_282, %max3A_284 : vector<128x1024xf32>
    %mul3A_286 = arith.mulf %max3A_281, %max3A_285 : vector<128x1024xf32>
    %add3A_287 = vector.broadcast %slice3A_265 : vector<128x1xf32> to vector<128x1024xf32>
    %add3A_288 = vector.broadcast %mul3A_50 : vector<1x1024xf32> to vector<128x1024xf32>
    %add3A_289 = arith.addf %add3A_287, %add3A_288 : vector<128x1024xf32>
    %sub3A_290 = arith.subf %add3A_289, %mul3A_286 : vector<128x1024xf32>
    %add3A_291 = arith.constant 9.99999971E-10 : f32
    %add3A_292 = vector.broadcast %add3A_291 : f32 to vector<128x1024xf32>
    %add3A_293 = arith.addf %sub3A_290, %add3A_292 : vector<128x1024xf32>
    %div3A_294 = arith.divf %mul3A_286, %add3A_293 : vector<128x1024xf32>
    %iota3A_295 = tpu.iota {dimensions = array<i32: 1>} : vector<128x1024xi32>
    %iota3A_296 = tpu.iota {dimensions = array<i32: 0>} : vector<128x1024xi32>
    %add3A_297 = arith.constant 512 : i32
    %add3A_298 = vector.broadcast %add3A_297 : i32 to vector<128x1024xi32>
    %add3A_299 = arith.addi %iota3A_296, %add3A_298 : vector<128x1024xi32>
    %gt3A_300 = arith.constant 5.000000e-01 : f32
    %gt3A_301 = vector.broadcast %gt3A_300 : f32 to vector<128x1024xf32>
    %gt3A_302 = arith.cmpf ogt, %div3A_294, %gt3A_301 : vector<128x1024xf32>
    %gt3A_303 = arith.cmpi sgt, %iota3A_295, %add3A_299 : vector<128x1024xi32>
    %and3A_304 = arith.andi %gt3A_302, %gt3A_303 : vector<128x1024xi1>
    %jit3A_305 = arith.constant 1.000000e+00 : f32
    %jit3A_306 = arith.constant 0.000000e+00 : f32
    %broadcast_in_dim3A_307 = vector.broadcast %jit3A_305 : f32 to vector<128x1024xf32>
    %broadcast_in_dim3A_308 = vector.broadcast %jit3A_306 : f32 to vector<128x1024xf32>
    %select_n3A_309 = arith.select %and3A_304, %broadcast_in_dim3A_307, %broadcast_in_dim3A_308 : vector<128x1024xi1>, vector<128x1024xf32>
    %swap3A_310 = arith.constant 512 : index
    %swap3A_311 = arith.constant 0 : index
    %swap3A_312 = vector.load %arg3[%swap3A_310, %swap3A_311] : memref<1024x1024xf32, #tpu.memory_space<vmem>>, vector<128x1024xf32>
    tpu.vector_store %arg3[%swap3A_310, %swap3A_311], %select_n3A_309 {strides = array<i32>} : memref<1024x1024xf32, #tpu.memory_space<vmem>>, vector<128x1024xf32>,
    %slice3A_313 = vector.extract_strided_slice %transpose3A {offsets = [640, 0], sizes = [128, 8], strides = [1, 1]} : vector<1024x8xf32> to vector<128x8xf32>
    %slice3A_314 = vector.extract_strided_slice %slice3A_313 {offsets = [0, 0], sizes = [128, 1], strides = [1, 1]} : vector<128x8xf32> to vector<128x1xf32>
    %slice3A_315 = vector.extract_strided_slice %slice3A_313 {offsets = [0, 1], sizes = [128, 1], strides = [1, 1]} : vector<128x8xf32> to vector<128x1xf32>
    %slice3A_316 = vector.extract_strided_slice %slice3A_313 {offsets = [0, 2], sizes = [128, 1], strides = [1, 1]} : vector<128x8xf32> to vector<128x1xf32>
    %slice3A_317 = vector.extract_strided_slice %slice3A_313 {offsets = [0, 3], sizes = [128, 1], strides = [1, 1]} : vector<128x8xf32> to vector<128x1xf32>
    %slice3A_318 = vector.extract_strided_slice %slice3A_313 {offsets = [0, 4], sizes = [128, 1], strides = [1, 1]} : vector<128x8xf32> to vector<128x1xf32>
    %max3A_319 = vector.broadcast %slice3A_314 : vector<128x1xf32> to vector<128x1024xf32>
    %max3A_320 = vector.broadcast %add3A_45 : vector<1x1024xf32> to vector<128x1024xf32>
    %max3A_321 = arith.maximumf %max3A_319, %max3A_320 : vector<128x1024xf32>
    %max3A_322 = vector.broadcast %slice3A_315 : vector<128x1xf32> to vector<128x1024xf32>
    %max3A_323 = vector.broadcast %add3A_46 : vector<1x1024xf32> to vector<128x1024xf32>
    %max3A_324 = arith.maximumf %max3A_322, %max3A_323 : vector<128x1024xf32>
    %min3A_325 = vector.broadcast %slice3A_316 : vector<128x1xf32> to vector<128x1024xf32>
    %min3A_326 = vector.broadcast %add3A_47 : vector<1x1024xf32> to vector<128x1024xf32>
    %min3A_327 = arith.minimumf %min3A_325, %min3A_326 : vector<128x1024xf32>
    %min3A_328 = vector.broadcast %slice3A_317 : vector<128x1xf32> to vector<128x1024xf32>
    %min3A_329 = vector.broadcast %add3A_48 : vector<1x1024xf32> to vector<128x1024xf32>
    %min3A_330 = arith.minimumf %min3A_328, %min3A_329 : vector<128x1024xf32>
    %sub3A_331 = arith.subf %min3A_327, %max3A_321 : vector<128x1024xf32>
    %max3A_332 = arith.constant 0.000000e+00 : f32
    %max3A_333 = vector.broadcast %max3A_332 : f32 to vector<128x1024xf32>
    %max3A_334 = arith.maximumf %sub3A_331, %max3A_333 : vector<128x1024xf32>
    %sub3A_335 = arith.subf %min3A_330, %max3A_324 : vector<128x1024xf32>
    %max3A_336 = arith.constant 0.000000e+00 : f32
    %max3A_337 = vector.broadcast %max3A_336 : f32 to vector<128x1024xf32>
    %max3A_338 = arith.maximumf %sub3A_335, %max3A_337 : vector<128x1024xf32>
    %mul3A_339 = arith.mulf %max3A_334, %max3A_338 : vector<128x1024xf32>
    %add3A_340 = vector.broadcast %slice3A_318 : vector<128x1xf32> to vector<128x1024xf32>
    %add3A_341 = vector.broadcast %mul3A_50 : vector<1x1024xf32> to vector<128x1024xf32>
    %add3A_342 = arith.addf %add3A_340, %add3A_341 : vector<128x1024xf32>
    %sub3A_343 = arith.subf %add3A_342, %mul3A_339 : vector<128x1024xf32>
    %add3A_344 = arith.constant 9.99999971E-10 : f32
    %add3A_345 = vector.broadcast %add3A_344 : f32 to vector<128x1024xf32>
    %add3A_346 = arith.addf %sub3A_343, %add3A_345 : vector<128x1024xf32>
    %div3A_347 = arith.divf %mul3A_339, %add3A_346 : vector<128x1024xf32>
    %iota3A_348 = tpu.iota {dimensions = array<i32: 1>} : vector<128x1024xi32>
    %iota3A_349 = tpu.iota {dimensions = array<i32: 0>} : vector<128x1024xi32>
    %add3A_350 = arith.constant 640 : i32
    %add3A_351 = vector.broadcast %add3A_350 : i32 to vector<128x1024xi32>
    %add3A_352 = arith.addi %iota3A_349, %add3A_351 : vector<128x1024xi32>
    %gt3A_353 = arith.constant 5.000000e-01 : f32
    %gt3A_354 = vector.broadcast %gt3A_353 : f32 to vector<128x1024xf32>
    %gt3A_355 = arith.cmpf ogt, %div3A_347, %gt3A_354 : vector<128x1024xf32>
    %gt3A_356 = arith.cmpi sgt, %iota3A_348, %add3A_352 : vector<128x1024xi32>
    %and3A_357 = arith.andi %gt3A_355, %gt3A_356 : vector<128x1024xi1>
    %jit3A_358 = arith.constant 1.000000e+00 : f32
    %jit3A_359 = arith.constant 0.000000e+00 : f32
    %broadcast_in_dim3A_360 = vector.broadcast %jit3A_358 : f32 to vector<128x1024xf32>
    %broadcast_in_dim3A_361 = vector.broadcast %jit3A_359 : f32 to vector<128x1024xf32>
    %select_n3A_362 = arith.select %and3A_357, %broadcast_in_dim3A_360, %broadcast_in_dim3A_361 : vector<128x1024xi1>, vector<128x1024xf32>
    %swap3A_363 = arith.constant 640 : index
    %swap3A_364 = arith.constant 0 : index
    %swap3A_365 = vector.load %arg3[%swap3A_363, %swap3A_364] : memref<1024x1024xf32, #tpu.memory_space<vmem>>, vector<128x1024xf32>
    tpu.vector_store %arg3[%swap3A_363, %swap3A_364], %select_n3A_362 {strides = array<i32>} : memref<1024x1024xf32, #tpu.memory_space<vmem>>, vector<128x1024xf32>,
    %slice3A_366 = vector.extract_strided_slice %transpose3A {offsets = [768, 0], sizes = [128, 8], strides = [1, 1]} : vector<1024x8xf32> to vector<128x8xf32>
    %slice3A_367 = vector.extract_strided_slice %slice3A_366 {offsets = [0, 0], sizes = [128, 1], strides = [1, 1]} : vector<128x8xf32> to vector<128x1xf32>
    %slice3A_368 = vector.extract_strided_slice %slice3A_366 {offsets = [0, 1], sizes = [128, 1], strides = [1, 1]} : vector<128x8xf32> to vector<128x1xf32>
    %slice3A_369 = vector.extract_strided_slice %slice3A_366 {offsets = [0, 2], sizes = [128, 1], strides = [1, 1]} : vector<128x8xf32> to vector<128x1xf32>
    %slice3A_370 = vector.extract_strided_slice %slice3A_366 {offsets = [0, 3], sizes = [128, 1], strides = [1, 1]} : vector<128x8xf32> to vector<128x1xf32>
    %slice3A_371 = vector.extract_strided_slice %slice3A_366 {offsets = [0, 4], sizes = [128, 1], strides = [1, 1]} : vector<128x8xf32> to vector<128x1xf32>
    %max3A_372 = vector.broadcast %slice3A_367 : vector<128x1xf32> to vector<128x1024xf32>
    %max3A_373 = vector.broadcast %add3A_45 : vector<1x1024xf32> to vector<128x1024xf32>
    %max3A_374 = arith.maximumf %max3A_372, %max3A_373 : vector<128x1024xf32>
    %max3A_375 = vector.broadcast %slice3A_368 : vector<128x1xf32> to vector<128x1024xf32>
    %max3A_376 = vector.broadcast %add3A_46 : vector<1x1024xf32> to vector<128x1024xf32>
    %max3A_377 = arith.maximumf %max3A_375, %max3A_376 : vector<128x1024xf32>
    %min3A_378 = vector.broadcast %slice3A_369 : vector<128x1xf32> to vector<128x1024xf32>
    %min3A_379 = vector.broadcast %add3A_47 : vector<1x1024xf32> to vector<128x1024xf32>
    %min3A_380 = arith.minimumf %min3A_378, %min3A_379 : vector<128x1024xf32>
    %min3A_381 = vector.broadcast %slice3A_370 : vector<128x1xf32> to vector<128x1024xf32>
    %min3A_382 = vector.broadcast %add3A_48 : vector<1x1024xf32> to vector<128x1024xf32>
    %min3A_383 = arith.minimumf %min3A_381, %min3A_382 : vector<128x1024xf32>
    %sub3A_384 = arith.subf %min3A_380, %max3A_374 : vector<128x1024xf32>
    %max3A_385 = arith.constant 0.000000e+00 : f32
    %max3A_386 = vector.broadcast %max3A_385 : f32 to vector<128x1024xf32>
    %max3A_387 = arith.maximumf %sub3A_384, %max3A_386 : vector<128x1024xf32>
    %sub3A_388 = arith.subf %min3A_383, %max3A_377 : vector<128x1024xf32>
    %max3A_389 = arith.constant 0.000000e+00 : f32
    %max3A_390 = vector.broadcast %max3A_389 : f32 to vector<128x1024xf32>
    %max3A_391 = arith.maximumf %sub3A_388, %max3A_390 : vector<128x1024xf32>
    %mul3A_392 = arith.mulf %max3A_387, %max3A_391 : vector<128x1024xf32>
    %add3A_393 = vector.broadcast %slice3A_371 : vector<128x1xf32> to vector<128x1024xf32>
    %add3A_394 = vector.broadcast %mul3A_50 : vector<1x1024xf32> to vector<128x1024xf32>
    %add3A_395 = arith.addf %add3A_393, %add3A_394 : vector<128x1024xf32>
    %sub3A_396 = arith.subf %add3A_395, %mul3A_392 : vector<128x1024xf32>
    %add3A_397 = arith.constant 9.99999971E-10 : f32
    %add3A_398 = vector.broadcast %add3A_397 : f32 to vector<128x1024xf32>
    %add3A_399 = arith.addf %sub3A_396, %add3A_398 : vector<128x1024xf32>
    %div3A_400 = arith.divf %mul3A_392, %add3A_399 : vector<128x1024xf32>
    %iota3A_401 = tpu.iota {dimensions = array<i32: 1>} : vector<128x1024xi32>
    %iota3A_402 = tpu.iota {dimensions = array<i32: 0>} : vector<128x1024xi32>
    %add3A_403 = arith.constant 768 : i32
    %add3A_404 = vector.broadcast %add3A_403 : i32 to vector<128x1024xi32>
    %add3A_405 = arith.addi %iota3A_402, %add3A_404 : vector<128x1024xi32>
    %gt3A_406 = arith.constant 5.000000e-01 : f32
    %gt3A_407 = vector.broadcast %gt3A_406 : f32 to vector<128x1024xf32>
    %gt3A_408 = arith.cmpf ogt, %div3A_400, %gt3A_407 : vector<128x1024xf32>
    %gt3A_409 = arith.cmpi sgt, %iota3A_401, %add3A_405 : vector<128x1024xi32>
    %and3A_410 = arith.andi %gt3A_408, %gt3A_409 : vector<128x1024xi1>
    %jit3A_411 = arith.constant 1.000000e+00 : f32
    %jit3A_412 = arith.constant 0.000000e+00 : f32
    %broadcast_in_dim3A_413 = vector.broadcast %jit3A_411 : f32 to vector<128x1024xf32>
    %broadcast_in_dim3A_414 = vector.broadcast %jit3A_412 : f32 to vector<128x1024xf32>
    %select_n3A_415 = arith.select %and3A_410, %broadcast_in_dim3A_413, %broadcast_in_dim3A_414 : vector<128x1024xi1>, vector<128x1024xf32>
    %swap3A_416 = arith.constant 768 : index
    %swap3A_417 = arith.constant 0 : index
    %swap3A_418 = vector.load %arg3[%swap3A_416, %swap3A_417] : memref<1024x1024xf32, #tpu.memory_space<vmem>>, vector<128x1024xf32>
    tpu.vector_store %arg3[%swap3A_416, %swap3A_417], %select_n3A_415 {strides = array<i32>} : memref<1024x1024xf32, #tpu.memory_space<vmem>>, vector<128x1024xf32>,
    %slice3A_419 = vector.extract_strided_slice %transpose3A {offsets = [896, 0], sizes = [128, 8], strides = [1, 1]} : vector<1024x8xf32> to vector<128x8xf32>
    %slice3A_420 = vector.extract_strided_slice %slice3A_419 {offsets = [0, 0], sizes = [128, 1], strides = [1, 1]} : vector<128x8xf32> to vector<128x1xf32>
    %slice3A_421 = vector.extract_strided_slice %slice3A_419 {offsets = [0, 1], sizes = [128, 1], strides = [1, 1]} : vector<128x8xf32> to vector<128x1xf32>
    %slice3A_422 = vector.extract_strided_slice %slice3A_419 {offsets = [0, 2], sizes = [128, 1], strides = [1, 1]} : vector<128x8xf32> to vector<128x1xf32>
    %slice3A_423 = vector.extract_strided_slice %slice3A_419 {offsets = [0, 3], sizes = [128, 1], strides = [1, 1]} : vector<128x8xf32> to vector<128x1xf32>
    %slice3A_424 = vector.extract_strided_slice %slice3A_419 {offsets = [0, 4], sizes = [128, 1], strides = [1, 1]} : vector<128x8xf32> to vector<128x1xf32>
    %max3A_425 = vector.broadcast %slice3A_420 : vector<128x1xf32> to vector<128x1024xf32>
    %max3A_426 = vector.broadcast %add3A_45 : vector<1x1024xf32> to vector<128x1024xf32>
    %max3A_427 = arith.maximumf %max3A_425, %max3A_426 : vector<128x1024xf32>
    %max3A_428 = vector.broadcast %slice3A_421 : vector<128x1xf32> to vector<128x1024xf32>
    %max3A_429 = vector.broadcast %add3A_46 : vector<1x1024xf32> to vector<128x1024xf32>
    %max3A_430 = arith.maximumf %max3A_428, %max3A_429 : vector<128x1024xf32>
    %min3A_431 = vector.broadcast %slice3A_422 : vector<128x1xf32> to vector<128x1024xf32>
    %min3A_432 = vector.broadcast %add3A_47 : vector<1x1024xf32> to vector<128x1024xf32>
    %min3A_433 = arith.minimumf %min3A_431, %min3A_432 : vector<128x1024xf32>
    %min3A_434 = vector.broadcast %slice3A_423 : vector<128x1xf32> to vector<128x1024xf32>
    %min3A_435 = vector.broadcast %add3A_48 : vector<1x1024xf32> to vector<128x1024xf32>
    %min3A_436 = arith.minimumf %min3A_434, %min3A_435 : vector<128x1024xf32>
    %sub3A_437 = arith.subf %min3A_433, %max3A_427 : vector<128x1024xf32>
    %max3A_438 = arith.constant 0.000000e+00 : f32
    %max3A_439 = vector.broadcast %max3A_438 : f32 to vector<128x1024xf32>
    %max3A_440 = arith.maximumf %sub3A_437, %max3A_439 : vector<128x1024xf32>
    %sub3A_441 = arith.subf %min3A_436, %max3A_430 : vector<128x1024xf32>
    %max3A_442 = arith.constant 0.000000e+00 : f32
    %max3A_443 = vector.broadcast %max3A_442 : f32 to vector<128x1024xf32>
    %max3A_444 = arith.maximumf %sub3A_441, %max3A_443 : vector<128x1024xf32>
    %mul3A_445 = arith.mulf %max3A_440, %max3A_444 : vector<128x1024xf32>
    %add3A_446 = vector.broadcast %slice3A_424 : vector<128x1xf32> to vector<128x1024xf32>
    %add3A_447 = vector.broadcast %mul3A_50 : vector<1x1024xf32> to vector<128x1024xf32>
    %add3A_448 = arith.addf %add3A_446, %add3A_447 : vector<128x1024xf32>
    %sub3A_449 = arith.subf %add3A_448, %mul3A_445 : vector<128x1024xf32>
    %add3A_450 = arith.constant 9.99999971E-10 : f32
    %add3A_451 = vector.broadcast %add3A_450 : f32 to vector<128x1024xf32>
    %add3A_452 = arith.addf %sub3A_449, %add3A_451 : vector<128x1024xf32>
    %div3A_453 = arith.divf %mul3A_445, %add3A_452 : vector<128x1024xf32>
    %iota3A_454 = tpu.iota {dimensions = array<i32: 1>} : vector<128x1024xi32>
    %iota3A_455 = tpu.iota {dimensions = array<i32: 0>} : vector<128x1024xi32>
    %add3A_456 = arith.constant 896 : i32
    %add3A_457 = vector.broadcast %add3A_456 : i32 to vector<128x1024xi32>
    %add3A_458 = arith.addi %iota3A_455, %add3A_457 : vector<128x1024xi32>
    %gt3A_459 = arith.constant 5.000000e-01 : f32
    %gt3A_460 = vector.broadcast %gt3A_459 : f32 to vector<128x1024xf32>
    %gt3A_461 = arith.cmpf ogt, %div3A_453, %gt3A_460 : vector<128x1024xf32>
    %gt3A_462 = arith.cmpi sgt, %iota3A_454, %add3A_458 : vector<128x1024xi32>
    %and3A_463 = arith.andi %gt3A_461, %gt3A_462 : vector<128x1024xi1>
    %jit3A_464 = arith.constant 1.000000e+00 : f32
    %jit3A_465 = arith.constant 0.000000e+00 : f32
    %broadcast_in_dim3A_466 = vector.broadcast %jit3A_464 : f32 to vector<128x1024xf32>
    %broadcast_in_dim3A_467 = vector.broadcast %jit3A_465 : f32 to vector<128x1024xf32>
    %select_n3A_468 = arith.select %and3A_463, %broadcast_in_dim3A_466, %broadcast_in_dim3A_467 : vector<128x1024xi1>, vector<128x1024xf32>
    %swap3A_469 = arith.constant 896 : index
    %swap3A_470 = arith.constant 0 : index
    %swap3A_471 = vector.load %arg3[%swap3A_469, %swap3A_470] : memref<1024x1024xf32, #tpu.memory_space<vmem>>, vector<128x1024xf32>
    tpu.vector_store %arg3[%swap3A_469, %swap3A_470], %select_n3A_468 {strides = array<i32>} : memref<1024x1024xf32, #tpu.memory_space<vmem>>, vector<128x1024xf32>,
    %swap3A_472 = arith.constant 0 : index
    %swap3A_473 = arith.constant 0 : index
    %swap3A_474 = vector.load %arg4[%swap3A_472, %swap3A_473] : memref<8x1024xf32, #tpu.memory_space<vmem>>, vector<1x1024xf32>
    tpu.vector_store %arg4[%swap3A_472, %swap3A_473], %select_n3A {strides = array<i32>} : memref<8x1024xf32, #tpu.memory_space<vmem>>, vector<1x1024xf32>,
    %iota3A_475 = tpu.iota {dimensions = array<i32: 1>} : vector<1x128xi32>
    %get3A_476 = arith.constant 0 : index
    %get3A_477 = arith.constant 0 : index
    %get3A_478 = vector.load %arg4[%get3A_476, %get3A_477] : memref<8x1024xf32, #tpu.memory_space<vmem>>, vector<1x128xf32>
    %scan3A = arith.constant 0 : i32
    %scan3A_479 = arith.constant 16 : i32
    %scan3A_480 = arith.addi %scan3A, %scan3A_479 : i32
    %scan3A_481 = arith.constant 1 : i32
    %scan3A_482 = scf.for %scan3A_723 = %scan3A to %scan3A_480 step %scan3A_481 iter_args(%scan3A_724 = %get3A_478) -> (vector<1x128xf32>)  : i32 {
      %mul3A_725 = arith.constant 8 : i32
      %mul3A_726 = arith.muli %scan3A_723, %mul3A_725 : i32
      %add3A_727 = arith.constant 0 : i32
      %add3A_728 = arith.addi %add3A_727, %mul3A_726 : i32
      %multiple_of3A = tpu.assume_multiple %add3A_728, 8 : i32
      %get3A_729 = arith.index_cast %multiple_of3A : i32 to index
      %get3A_730 = arith.constant 0 : index
      %get3A_731 = vector.load %arg3[%get3A_729, %get3A_730] : memref<1024x1024xf32, #tpu.memory_space<vmem>>, vector<8x128xf32>
      %mul3A_732 = arith.constant 8 : i32
      %mul3A_733 = arith.muli %scan3A_723, %mul3A_732 : i32
      %add3A_734 = arith.constant 0 : i32
      %add3A_735 = arith.addi %mul3A_733, %add3A_734 : i32
      %slice3A_736 = vector.extract_strided_slice %get3A_731 {offsets = [0, 0], sizes = [1, 128], strides = [1, 1]} : vector<8x128xf32> to vector<1x128xf32>
      %eq3A = vector.broadcast %add3A_735 : i32 to vector<1x128xi32>
      %eq3A_737 = arith.cmpi eq, %iota3A_475, %eq3A : vector<1x128xi32>
      %jit3A_738 = arith.constant 1.000000e+00 : f32
      %jit3A_739 = arith.constant 0.000000e+00 : f32
      %broadcast_in_dim3A_740 = vector.broadcast %jit3A_738 : f32 to vector<1x128xf32>
      %broadcast_in_dim3A_741 = vector.broadcast %jit3A_739 : f32 to vector<1x128xf32>
      %select_n3A_742 = arith.select %eq3A_737, %broadcast_in_dim3A_740, %broadcast_in_dim3A_741 : vector<1x128xi1>, vector<1x128xf32>
      %mul3A_743 = arith.mulf %scan3A_724, %select_n3A_742 : vector<1x128xf32>
      %reduce_sum3A = arith.constant dense<0.000000e+00> : vector<1xf32>
      %reduce_sum3A_744 = vector.multi_reduction <add>, %mul3A_743, %reduce_sum3A [1] : vector<1x128xf32> to vector<1xf32>
      %broadcast_in_dim3A_745 = vector.shape_cast %reduce_sum3A_744 : vector<1xf32> to vector<1x1xf32>
      %mul3A_746 = vector.broadcast %broadcast_in_dim3A_745 : vector<1x1xf32> to vector<1x128xf32>
      %mul3A_747 = arith.mulf %mul3A_746, %slice3A_736 : vector<1x128xf32>
      %sub3A_748 = arith.constant 1.000000e+00 : f32
      %sub3A_749 = vector.broadcast %sub3A_748 : f32 to vector<1x128xf32>
      %sub3A_750 = arith.subf %sub3A_749, %mul3A_747 : vector<1x128xf32>
      %mul3A_751 = arith.mulf %scan3A_724, %sub3A_750 : vector<1x128xf32>
      %mul3A_752 = arith.constant 8 : i32
      %mul3A_753 = arith.muli %scan3A_723, %mul3A_752 : i32
      %add3A_754 = arith.constant 1 : i32
      %add3A_755 = arith.addi %mul3A_753, %add3A_754 : i32
      %slice3A_756 = vector.extract_strided_slice %get3A_731 {offsets = [1, 0], sizes = [1, 128], strides = [1, 1]} : vector<8x128xf32> to vector<1x128xf32>
      %eq3A_757 = vector.broadcast %add3A_755 : i32 to vector<1x128xi32>
      %eq3A_758 = arith.cmpi eq, %iota3A_475, %eq3A_757 : vector<1x128xi32>
      %jit3A_759 = arith.constant 1.000000e+00 : f32
      %jit3A_760 = arith.constant 0.000000e+00 : f32
      %broadcast_in_dim3A_761 = vector.broadcast %jit3A_759 : f32 to vector<1x128xf32>
      %broadcast_in_dim3A_762 = vector.broadcast %jit3A_760 : f32 to vector<1x128xf32>
      %select_n3A_763 = arith.select %eq3A_758, %broadcast_in_dim3A_761, %broadcast_in_dim3A_762 : vector<1x128xi1>, vector<1x128xf32>
      %mul3A_764 = arith.mulf %mul3A_751, %select_n3A_763 : vector<1x128xf32>
      %reduce_sum3A_765 = arith.constant dense<0.000000e+00> : vector<1xf32>
      %reduce_sum3A_766 = vector.multi_reduction <add>, %mul3A_764, %reduce_sum3A_765 [1] : vector<1x128xf32> to vector<1xf32>
      %broadcast_in_dim3A_767 = vector.shape_cast %reduce_sum3A_766 : vector<1xf32> to vector<1x1xf32>
      %mul3A_768 = vector.broadcast %broadcast_in_dim3A_767 : vector<1x1xf32> to vector<1x128xf32>
      %mul3A_769 = arith.mulf %mul3A_768, %slice3A_756 : vector<1x128xf32>
      %sub3A_770 = arith.constant 1.000000e+00 : f32
      %sub3A_771 = vector.broadcast %sub3A_770 : f32 to vector<1x128xf32>
      %sub3A_772 = arith.subf %sub3A_771, %mul3A_769 : vector<1x128xf32>
      %mul3A_773 = arith.mulf %mul3A_751, %sub3A_772 : vector<1x128xf32>
      %mul3A_774 = arith.constant 8 : i32
      %mul3A_775 = arith.muli %scan3A_723, %mul3A_774 : i32
      %add3A_776 = arith.constant 2 : i32
      %add3A_777 = arith.addi %mul3A_775, %add3A_776 : i32
      %slice3A_778 = vector.extract_strided_slice %get3A_731 {offsets = [2, 0], sizes = [1, 128], strides = [1, 1]} : vector<8x128xf32> to vector<1x128xf32>
      %eq3A_779 = vector.broadcast %add3A_777 : i32 to vector<1x128xi32>
      %eq3A_780 = arith.cmpi eq, %iota3A_475, %eq3A_779 : vector<1x128xi32>
      %jit3A_781 = arith.constant 1.000000e+00 : f32
      %jit3A_782 = arith.constant 0.000000e+00 : f32
      %broadcast_in_dim3A_783 = vector.broadcast %jit3A_781 : f32 to vector<1x128xf32>
      %broadcast_in_dim3A_784 = vector.broadcast %jit3A_782 : f32 to vector<1x128xf32>
      %select_n3A_785 = arith.select %eq3A_780, %broadcast_in_dim3A_783, %broadcast_in_dim3A_784 : vector<1x128xi1>, vector<1x128xf32>
      %mul3A_786 = arith.mulf %mul3A_773, %select_n3A_785 : vector<1x128xf32>
      %reduce_sum3A_787 = arith.constant dense<0.000000e+00> : vector<1xf32>
      %reduce_sum3A_788 = vector.multi_reduction <add>, %mul3A_786, %reduce_sum3A_787 [1] : vector<1x128xf32> to vector<1xf32>
      %broadcast_in_dim3A_789 = vector.shape_cast %reduce_sum3A_788 : vector<1xf32> to vector<1x1xf32>
      %mul3A_790 = vector.broadcast %broadcast_in_dim3A_789 : vector<1x1xf32> to vector<1x128xf32>
      %mul3A_791 = arith.mulf %mul3A_790, %slice3A_778 : vector<1x128xf32>
      %sub3A_792 = arith.constant 1.000000e+00 : f32
      %sub3A_793 = vector.broadcast %sub3A_792 : f32 to vector<1x128xf32>
      %sub3A_794 = arith.subf %sub3A_793, %mul3A_791 : vector<1x128xf32>
      %mul3A_795 = arith.mulf %mul3A_773, %sub3A_794 : vector<1x128xf32>
      %mul3A_796 = arith.constant 8 : i32
      %mul3A_797 = arith.muli %scan3A_723, %mul3A_796 : i32
      %add3A_798 = arith.constant 3 : i32
      %add3A_799 = arith.addi %mul3A_797, %add3A_798 : i32
      %slice3A_800 = vector.extract_strided_slice %get3A_731 {offsets = [3, 0], sizes = [1, 128], strides = [1, 1]} : vector<8x128xf32> to vector<1x128xf32>
      %eq3A_801 = vector.broadcast %add3A_799 : i32 to vector<1x128xi32>
      %eq3A_802 = arith.cmpi eq, %iota3A_475, %eq3A_801 : vector<1x128xi32>
      %jit3A_803 = arith.constant 1.000000e+00 : f32
      %jit3A_804 = arith.constant 0.000000e+00 : f32
      %broadcast_in_dim3A_805 = vector.broadcast %jit3A_803 : f32 to vector<1x128xf32>
      %broadcast_in_dim3A_806 = vector.broadcast %jit3A_804 : f32 to vector<1x128xf32>
      %select_n3A_807 = arith.select %eq3A_802, %broadcast_in_dim3A_805, %broadcast_in_dim3A_806 : vector<1x128xi1>, vector<1x128xf32>
      %mul3A_808 = arith.mulf %mul3A_795, %select_n3A_807 : vector<1x128xf32>
      %reduce_sum3A_809 = arith.constant dense<0.000000e+00> : vector<1xf32>
      %reduce_sum3A_810 = vector.multi_reduction <add>, %mul3A_808, %reduce_sum3A_809 [1] : vector<1x128xf32> to vector<1xf32>
      %broadcast_in_dim3A_811 = vector.shape_cast %reduce_sum3A_810 : vector<1xf32> to vector<1x1xf32>
      %mul3A_812 = vector.broadcast %broadcast_in_dim3A_811 : vector<1x1xf32> to vector<1x128xf32>
      %mul3A_813 = arith.mulf %mul3A_812, %slice3A_800 : vector<1x128xf32>
      %sub3A_814 = arith.constant 1.000000e+00 : f32
      %sub3A_815 = vector.broadcast %sub3A_814 : f32 to vector<1x128xf32>
      %sub3A_816 = arith.subf %sub3A_815, %mul3A_813 : vector<1x128xf32>
      %mul3A_817 = arith.mulf %mul3A_795, %sub3A_816 : vector<1x128xf32>
      %mul3A_818 = arith.constant 8 : i32
      %mul3A_819 = arith.muli %scan3A_723, %mul3A_818 : i32
      %add3A_820 = arith.constant 4 : i32
      %add3A_821 = arith.addi %mul3A_819, %add3A_820 : i32
      %slice3A_822 = vector.extract_strided_slice %get3A_731 {offsets = [4, 0], sizes = [1, 128], strides = [1, 1]} : vector<8x128xf32> to vector<1x128xf32>
      %eq3A_823 = vector.broadcast %add3A_821 : i32 to vector<1x128xi32>
      %eq3A_824 = arith.cmpi eq, %iota3A_475, %eq3A_823 : vector<1x128xi32>
      %jit3A_825 = arith.constant 1.000000e+00 : f32
      %jit3A_826 = arith.constant 0.000000e+00 : f32
      %broadcast_in_dim3A_827 = vector.broadcast %jit3A_825 : f32 to vector<1x128xf32>
      %broadcast_in_dim3A_828 = vector.broadcast %jit3A_826 : f32 to vector<1x128xf32>
      %select_n3A_829 = arith.select %eq3A_824, %broadcast_in_dim3A_827, %broadcast_in_dim3A_828 : vector<1x128xi1>, vector<1x128xf32>
      %mul3A_830 = arith.mulf %mul3A_817, %select_n3A_829 : vector<1x128xf32>
      %reduce_sum3A_831 = arith.constant dense<0.000000e+00> : vector<1xf32>
      %reduce_sum3A_832 = vector.multi_reduction <add>, %mul3A_830, %reduce_sum3A_831 [1] : vector<1x128xf32> to vector<1xf32>
      %broadcast_in_dim3A_833 = vector.shape_cast %reduce_sum3A_832 : vector<1xf32> to vector<1x1xf32>
      %mul3A_834 = vector.broadcast %broadcast_in_dim3A_833 : vector<1x1xf32> to vector<1x128xf32>
      %mul3A_835 = arith.mulf %mul3A_834, %slice3A_822 : vector<1x128xf32>
      %sub3A_836 = arith.constant 1.000000e+00 : f32
      %sub3A_837 = vector.broadcast %sub3A_836 : f32 to vector<1x128xf32>
      %sub3A_838 = arith.subf %sub3A_837, %mul3A_835 : vector<1x128xf32>
      %mul3A_839 = arith.mulf %mul3A_817, %sub3A_838 : vector<1x128xf32>
      %mul3A_840 = arith.constant 8 : i32
      %mul3A_841 = arith.muli %scan3A_723, %mul3A_840 : i32
      %add3A_842 = arith.constant 5 : i32
      %add3A_843 = arith.addi %mul3A_841, %add3A_842 : i32
      %slice3A_844 = vector.extract_strided_slice %get3A_731 {offsets = [5, 0], sizes = [1, 128], strides = [1, 1]} : vector<8x128xf32> to vector<1x128xf32>
      %eq3A_845 = vector.broadcast %add3A_843 : i32 to vector<1x128xi32>
      %eq3A_846 = arith.cmpi eq, %iota3A_475, %eq3A_845 : vector<1x128xi32>
      %jit3A_847 = arith.constant 1.000000e+00 : f32
      %jit3A_848 = arith.constant 0.000000e+00 : f32
      %broadcast_in_dim3A_849 = vector.broadcast %jit3A_847 : f32 to vector<1x128xf32>
      %broadcast_in_dim3A_850 = vector.broadcast %jit3A_848 : f32 to vector<1x128xf32>
      %select_n3A_851 = arith.select %eq3A_846, %broadcast_in_dim3A_849, %broadcast_in_dim3A_850 : vector<1x128xi1>, vector<1x128xf32>
      %mul3A_852 = arith.mulf %mul3A_839, %select_n3A_851 : vector<1x128xf32>
      %reduce_sum3A_853 = arith.constant dense<0.000000e+00> : vector<1xf32>
      %reduce_sum3A_854 = vector.multi_reduction <add>, %mul3A_852, %reduce_sum3A_853 [1] : vector<1x128xf32> to vector<1xf32>
      %broadcast_in_dim3A_855 = vector.shape_cast %reduce_sum3A_854 : vector<1xf32> to vector<1x1xf32>
      %mul3A_856 = vector.broadcast %broadcast_in_dim3A_855 : vector<1x1xf32> to vector<1x128xf32>
      %mul3A_857 = arith.mulf %mul3A_856, %slice3A_844 : vector<1x128xf32>
      %sub3A_858 = arith.constant 1.000000e+00 : f32
      %sub3A_859 = vector.broadcast %sub3A_858 : f32 to vector<1x128xf32>
      %sub3A_860 = arith.subf %sub3A_859, %mul3A_857 : vector<1x128xf32>
      %mul3A_861 = arith.mulf %mul3A_839, %sub3A_860 : vector<1x128xf32>
      %mul3A_862 = arith.constant 8 : i32
      %mul3A_863 = arith.muli %scan3A_723, %mul3A_862 : i32
      %add3A_864 = arith.constant 6 : i32
      %add3A_865 = arith.addi %mul3A_863, %add3A_864 : i32
      %slice3A_866 = vector.extract_strided_slice %get3A_731 {offsets = [6, 0], sizes = [1, 128], strides = [1, 1]} : vector<8x128xf32> to vector<1x128xf32>
      %eq3A_867 = vector.broadcast %add3A_865 : i32 to vector<1x128xi32>
      %eq3A_868 = arith.cmpi eq, %iota3A_475, %eq3A_867 : vector<1x128xi32>
      %jit3A_869 = arith.constant 1.000000e+00 : f32
      %jit3A_870 = arith.constant 0.000000e+00 : f32
      %broadcast_in_dim3A_871 = vector.broadcast %jit3A_869 : f32 to vector<1x128xf32>
      %broadcast_in_dim3A_872 = vector.broadcast %jit3A_870 : f32 to vector<1x128xf32>
      %select_n3A_873 = arith.select %eq3A_868, %broadcast_in_dim3A_871, %broadcast_in_dim3A_872 : vector<1x128xi1>, vector<1x128xf32>
      %mul3A_874 = arith.mulf %mul3A_861, %select_n3A_873 : vector<1x128xf32>
      %reduce_sum3A_875 = arith.constant dense<0.000000e+00> : vector<1xf32>
      %reduce_sum3A_876 = vector.multi_reduction <add>, %mul3A_874, %reduce_sum3A_875 [1] : vector<1x128xf32> to vector<1xf32>
      %broadcast_in_dim3A_877 = vector.shape_cast %reduce_sum3A_876 : vector<1xf32> to vector<1x1xf32>
      %mul3A_878 = vector.broadcast %broadcast_in_dim3A_877 : vector<1x1xf32> to vector<1x128xf32>
      %mul3A_879 = arith.mulf %mul3A_878, %slice3A_866 : vector<1x128xf32>
      %sub3A_880 = arith.constant 1.000000e+00 : f32
      %sub3A_881 = vector.broadcast %sub3A_880 : f32 to vector<1x128xf32>
      %sub3A_882 = arith.subf %sub3A_881, %mul3A_879 : vector<1x128xf32>
      %mul3A_883 = arith.mulf %mul3A_861, %sub3A_882 : vector<1x128xf32>
      %mul3A_884 = arith.constant 8 : i32
      %mul3A_885 = arith.muli %scan3A_723, %mul3A_884 : i32
      %add3A_886 = arith.constant 7 : i32
      %add3A_887 = arith.addi %mul3A_885, %add3A_886 : i32
      %slice3A_888 = vector.extract_strided_slice %get3A_731 {offsets = [7, 0], sizes = [1, 128], strides = [1, 1]} : vector<8x128xf32> to vector<1x128xf32>
      %eq3A_889 = vector.broadcast %add3A_887 : i32 to vector<1x128xi32>
      %eq3A_890 = arith.cmpi eq, %iota3A_475, %eq3A_889 : vector<1x128xi32>
      %jit3A_891 = arith.constant 1.000000e+00 : f32
      %jit3A_892 = arith.constant 0.000000e+00 : f32
      %broadcast_in_dim3A_893 = vector.broadcast %jit3A_891 : f32 to vector<1x128xf32>
      %broadcast_in_dim3A_894 = vector.broadcast %jit3A_892 : f32 to vector<1x128xf32>
      %select_n3A_895 = arith.select %eq3A_890, %broadcast_in_dim3A_893, %broadcast_in_dim3A_894 : vector<1x128xi1>, vector<1x128xf32>
      %mul3A_896 = arith.mulf %mul3A_883, %select_n3A_895 : vector<1x128xf32>
      %reduce_sum3A_897 = arith.constant dense<0.000000e+00> : vector<1xf32>
      %reduce_sum3A_898 = vector.multi_reduction <add>, %mul3A_896, %reduce_sum3A_897 [1] : vector<1x128xf32> to vector<1xf32>
      %broadcast_in_dim3A_899 = vector.shape_cast %reduce_sum3A_898 : vector<1xf32> to vector<1x1xf32>
      %mul3A_900 = vector.broadcast %broadcast_in_dim3A_899 : vector<1x1xf32> to vector<1x128xf32>
      %mul3A_901 = arith.mulf %mul3A_900, %slice3A_888 : vector<1x128xf32>
      %sub3A_902 = arith.constant 1.000000e+00 : f32
      %sub3A_903 = vector.broadcast %sub3A_902 : f32 to vector<1x128xf32>
      %sub3A_904 = arith.subf %sub3A_903, %mul3A_901 : vector<1x128xf32>
      %mul3A_905 = arith.mulf %mul3A_883, %sub3A_904 : vector<1x128xf32>
      scf.yield %mul3A_905 : vector<1x128xf32>
    }
    %scan3A_483 = arith.constant 16 : i32
    %swap3A_484 = arith.constant 0 : index
    %swap3A_485 = arith.constant 0 : index
    %swap3A_486 = vector.load %arg4[%swap3A_484, %swap3A_485] : memref<8x1024xf32, #tpu.memory_space<vmem>>, vector<1x128xf32>
    tpu.vector_store %arg4[%swap3A_484, %swap3A_485], %scan3A_482 {strides = array<i32>} : memref<8x1024xf32, #tpu.memory_space<vmem>>, vector<1x128xf32>,
    %get3A_487 = arith.constant 0 : index
    %get3A_488 = arith.constant 0 : index
    %get3A_489 = vector.load %arg3[%get3A_487, %get3A_488] : memref<1024x1024xf32, #tpu.memory_space<vmem>>, vector<128x1024xf32>
    %dot_general3A = arith.constant dense<0.000000e+00> : vector<1x1024xf32>
    %dot_general3A_490 = tpu.matmul %scan3A_482, %get3A_489, %dot_general3A {dimension_numbers = #tpu.dot_dimension_numbers<[1], [0], [0], [1], [0, 0, 1, 1], [], []>, precision = #tpu.contract_precision<fp32>, transpose_lhs_hint = false} : vector<1x128xf32>, vector<128x1024xf32>, vector<1x1024xf32> -> vector<1x1024xf32>
    %get3A_491 = arith.constant 0 : index
    %get3A_492 = arith.constant 0 : index
    %get3A_493 = vector.load %arg4[%get3A_491, %get3A_492] : memref<8x1024xf32, #tpu.memory_space<vmem>>, vector<1x1024xf32>
    %min3A_494 = arith.constant 1.000000e+00 : f32
    %min3A_495 = vector.broadcast %min3A_494 : f32 to vector<1x1024xf32>
    %min3A_496 = arith.minimumf %dot_general3A_490, %min3A_495 : vector<1x1024xf32>
    %sub3A_497 = arith.constant 1.000000e+00 : f32
    %sub3A_498 = vector.broadcast %sub3A_497 : f32 to vector<1x1024xf32>
    %sub3A_499 = arith.subf %sub3A_498, %min3A_496 : vector<1x1024xf32>
    %mul3A_500 = arith.mulf %get3A_493, %sub3A_499 : vector<1x1024xf32>
    %swap3A_501 = arith.constant 0 : index
    %swap3A_502 = arith.constant 0 : index
    %swap3A_503 = vector.load %arg4[%swap3A_501, %swap3A_502] : memref<8x1024xf32, #tpu.memory_space<vmem>>, vector<1x1024xf32>
    tpu.vector_store %arg4[%swap3A_501, %swap3A_502], %mul3A_500 {strides = array<i32>} : memref<8x1024xf32, #tpu.memory_space<vmem>>, vector<1x1024xf32>,
    %get3A_504 = arith.constant 0 : index
    %get3A_505 = arith.constant 128 : index
    %get3A_506 = vector.load %arg4[%get3A_504, %get3A_505] : memref<8x1024xf32, #tpu.memory_space<vmem>>, vector<1x128xf32>
    %scan3A_507 = arith.constant 0 : i32
    %scan3A_508 = arith.constant 16 : i32
    %scan3A_509 = arith.addi %scan3A_507, %scan3A_508 : i32
    %scan3A_510 = arith.constant 1 : i32
    %scan3A_511 = scf.for %scan3A_723 = %scan3A_507 to %scan3A_509 step %scan3A_510 iter_args(%scan3A_724 = %get3A_506) -> (vector<1x128xf32>)  : i32 {
      %mul3A_725 = arith.constant 8 : i32
      %mul3A_726 = arith.muli %scan3A_723, %mul3A_725 : i32
      %add3A_727 = arith.constant 128 : i32
      %add3A_728 = arith.addi %add3A_727, %mul3A_726 : i32
      %multiple_of3A = tpu.assume_multiple %add3A_728, 8 : i32
      %get3A_729 = arith.index_cast %multiple_of3A : i32 to index
      %get3A_730 = arith.constant 128 : index
      %get3A_731 = vector.load %arg3[%get3A_729, %get3A_730] : memref<1024x1024xf32, #tpu.memory_space<vmem>>, vector<8x128xf32>
      %mul3A_732 = arith.constant 8 : i32
      %mul3A_733 = arith.muli %scan3A_723, %mul3A_732 : i32
      %add3A_734 = arith.constant 0 : i32
      %add3A_735 = arith.addi %mul3A_733, %add3A_734 : i32
      %slice3A_736 = vector.extract_strided_slice %get3A_731 {offsets = [0, 0], sizes = [1, 128], strides = [1, 1]} : vector<8x128xf32> to vector<1x128xf32>
      %eq3A = vector.broadcast %add3A_735 : i32 to vector<1x128xi32>
      %eq3A_737 = arith.cmpi eq, %iota3A_475, %eq3A : vector<1x128xi32>
      %jit3A_738 = arith.constant 1.000000e+00 : f32
      %jit3A_739 = arith.constant 0.000000e+00 : f32
      %broadcast_in_dim3A_740 = vector.broadcast %jit3A_738 : f32 to vector<1x128xf32>
      %broadcast_in_dim3A_741 = vector.broadcast %jit3A_739 : f32 to vector<1x128xf32>
      %select_n3A_742 = arith.select %eq3A_737, %broadcast_in_dim3A_740, %broadcast_in_dim3A_741 : vector<1x128xi1>, vector<1x128xf32>
      %mul3A_743 = arith.mulf %scan3A_724, %select_n3A_742 : vector<1x128xf32>
      %reduce_sum3A = arith.constant dense<0.000000e+00> : vector<1xf32>
      %reduce_sum3A_744 = vector.multi_reduction <add>, %mul3A_743, %reduce_sum3A [1] : vector<1x128xf32> to vector<1xf32>
      %broadcast_in_dim3A_745 = vector.shape_cast %reduce_sum3A_744 : vector<1xf32> to vector<1x1xf32>
      %mul3A_746 = vector.broadcast %broadcast_in_dim3A_745 : vector<1x1xf32> to vector<1x128xf32>
      %mul3A_747 = arith.mulf %mul3A_746, %slice3A_736 : vector<1x128xf32>
      %sub3A_748 = arith.constant 1.000000e+00 : f32
      %sub3A_749 = vector.broadcast %sub3A_748 : f32 to vector<1x128xf32>
      %sub3A_750 = arith.subf %sub3A_749, %mul3A_747 : vector<1x128xf32>
      %mul3A_751 = arith.mulf %scan3A_724, %sub3A_750 : vector<1x128xf32>
      %mul3A_752 = arith.constant 8 : i32
      %mul3A_753 = arith.muli %scan3A_723, %mul3A_752 : i32
      %add3A_754 = arith.constant 1 : i32
      %add3A_755 = arith.addi %mul3A_753, %add3A_754 : i32
      %slice3A_756 = vector.extract_strided_slice %get3A_731 {offsets = [1, 0], sizes = [1, 128], strides = [1, 1]} : vector<8x128xf32> to vector<1x128xf32>
      %eq3A_757 = vector.broadcast %add3A_755 : i32 to vector<1x128xi32>
      %eq3A_758 = arith.cmpi eq, %iota3A_475, %eq3A_757 : vector<1x128xi32>
      %jit3A_759 = arith.constant 1.000000e+00 : f32
      %jit3A_760 = arith.constant 0.000000e+00 : f32
      %broadcast_in_dim3A_761 = vector.broadcast %jit3A_759 : f32 to vector<1x128xf32>
      %broadcast_in_dim3A_762 = vector.broadcast %jit3A_760 : f32 to vector<1x128xf32>
      %select_n3A_763 = arith.select %eq3A_758, %broadcast_in_dim3A_761, %broadcast_in_dim3A_762 : vector<1x128xi1>, vector<1x128xf32>
      %mul3A_764 = arith.mulf %mul3A_751, %select_n3A_763 : vector<1x128xf32>
      %reduce_sum3A_765 = arith.constant dense<0.000000e+00> : vector<1xf32>
      %reduce_sum3A_766 = vector.multi_reduction <add>, %mul3A_764, %reduce_sum3A_765 [1] : vector<1x128xf32> to vector<1xf32>
      %broadcast_in_dim3A_767 = vector.shape_cast %reduce_sum3A_766 : vector<1xf32> to vector<1x1xf32>
      %mul3A_768 = vector.broadcast %broadcast_in_dim3A_767 : vector<1x1xf32> to vector<1x128xf32>
      %mul3A_769 = arith.mulf %mul3A_768, %slice3A_756 : vector<1x128xf32>
      %sub3A_770 = arith.constant 1.000000e+00 : f32
      %sub3A_771 = vector.broadcast %sub3A_770 : f32 to vector<1x128xf32>
      %sub3A_772 = arith.subf %sub3A_771, %mul3A_769 : vector<1x128xf32>
      %mul3A_773 = arith.mulf %mul3A_751, %sub3A_772 : vector<1x128xf32>
      %mul3A_774 = arith.constant 8 : i32
      %mul3A_775 = arith.muli %scan3A_723, %mul3A_774 : i32
      %add3A_776 = arith.constant 2 : i32
      %add3A_777 = arith.addi %mul3A_775, %add3A_776 : i32
      %slice3A_778 = vector.extract_strided_slice %get3A_731 {offsets = [2, 0], sizes = [1, 128], strides = [1, 1]} : vector<8x128xf32> to vector<1x128xf32>
      %eq3A_779 = vector.broadcast %add3A_777 : i32 to vector<1x128xi32>
      %eq3A_780 = arith.cmpi eq, %iota3A_475, %eq3A_779 : vector<1x128xi32>
      %jit3A_781 = arith.constant 1.000000e+00 : f32
      %jit3A_782 = arith.constant 0.000000e+00 : f32
      %broadcast_in_dim3A_783 = vector.broadcast %jit3A_781 : f32 to vector<1x128xf32>
      %broadcast_in_dim3A_784 = vector.broadcast %jit3A_782 : f32 to vector<1x128xf32>
      %select_n3A_785 = arith.select %eq3A_780, %broadcast_in_dim3A_783, %broadcast_in_dim3A_784 : vector<1x128xi1>, vector<1x128xf32>
      %mul3A_786 = arith.mulf %mul3A_773, %select_n3A_785 : vector<1x128xf32>
      %reduce_sum3A_787 = arith.constant dense<0.000000e+00> : vector<1xf32>
      %reduce_sum3A_788 = vector.multi_reduction <add>, %mul3A_786, %reduce_sum3A_787 [1] : vector<1x128xf32> to vector<1xf32>
      %broadcast_in_dim3A_789 = vector.shape_cast %reduce_sum3A_788 : vector<1xf32> to vector<1x1xf32>
      %mul3A_790 = vector.broadcast %broadcast_in_dim3A_789 : vector<1x1xf32> to vector<1x128xf32>
      %mul3A_791 = arith.mulf %mul3A_790, %slice3A_778 : vector<1x128xf32>
      %sub3A_792 = arith.constant 1.000000e+00 : f32
      %sub3A_793 = vector.broadcast %sub3A_792 : f32 to vector<1x128xf32>
      %sub3A_794 = arith.subf %sub3A_793, %mul3A_791 : vector<1x128xf32>
      %mul3A_795 = arith.mulf %mul3A_773, %sub3A_794 : vector<1x128xf32>
      %mul3A_796 = arith.constant 8 : i32
      %mul3A_797 = arith.muli %scan3A_723, %mul3A_796 : i32
      %add3A_798 = arith.constant 3 : i32
      %add3A_799 = arith.addi %mul3A_797, %add3A_798 : i32
      %slice3A_800 = vector.extract_strided_slice %get3A_731 {offsets = [3, 0], sizes = [1, 128], strides = [1, 1]} : vector<8x128xf32> to vector<1x128xf32>
      %eq3A_801 = vector.broadcast %add3A_799 : i32 to vector<1x128xi32>
      %eq3A_802 = arith.cmpi eq, %iota3A_475, %eq3A_801 : vector<1x128xi32>
      %jit3A_803 = arith.constant 1.000000e+00 : f32
      %jit3A_804 = arith.constant 0.000000e+00 : f32
      %broadcast_in_dim3A_805 = vector.broadcast %jit3A_803 : f32 to vector<1x128xf32>
      %broadcast_in_dim3A_806 = vector.broadcast %jit3A_804 : f32 to vector<1x128xf32>
      %select_n3A_807 = arith.select %eq3A_802, %broadcast_in_dim3A_805, %broadcast_in_dim3A_806 : vector<1x128xi1>, vector<1x128xf32>
      %mul3A_808 = arith.mulf %mul3A_795, %select_n3A_807 : vector<1x128xf32>
      %reduce_sum3A_809 = arith.constant dense<0.000000e+00> : vector<1xf32>
      %reduce_sum3A_810 = vector.multi_reduction <add>, %mul3A_808, %reduce_sum3A_809 [1] : vector<1x128xf32> to vector<1xf32>
      %broadcast_in_dim3A_811 = vector.shape_cast %reduce_sum3A_810 : vector<1xf32> to vector<1x1xf32>
      %mul3A_812 = vector.broadcast %broadcast_in_dim3A_811 : vector<1x1xf32> to vector<1x128xf32>
      %mul3A_813 = arith.mulf %mul3A_812, %slice3A_800 : vector<1x128xf32>
      %sub3A_814 = arith.constant 1.000000e+00 : f32
      %sub3A_815 = vector.broadcast %sub3A_814 : f32 to vector<1x128xf32>
      %sub3A_816 = arith.subf %sub3A_815, %mul3A_813 : vector<1x128xf32>
      %mul3A_817 = arith.mulf %mul3A_795, %sub3A_816 : vector<1x128xf32>
      %mul3A_818 = arith.constant 8 : i32
      %mul3A_819 = arith.muli %scan3A_723, %mul3A_818 : i32
      %add3A_820 = arith.constant 4 : i32
      %add3A_821 = arith.addi %mul3A_819, %add3A_820 : i32
      %slice3A_822 = vector.extract_strided_slice %get3A_731 {offsets = [4, 0], sizes = [1, 128], strides = [1, 1]} : vector<8x128xf32> to vector<1x128xf32>
      %eq3A_823 = vector.broadcast %add3A_821 : i32 to vector<1x128xi32>
      %eq3A_824 = arith.cmpi eq, %iota3A_475, %eq3A_823 : vector<1x128xi32>
      %jit3A_825 = arith.constant 1.000000e+00 : f32
      %jit3A_826 = arith.constant 0.000000e+00 : f32
      %broadcast_in_dim3A_827 = vector.broadcast %jit3A_825 : f32 to vector<1x128xf32>
      %broadcast_in_dim3A_828 = vector.broadcast %jit3A_826 : f32 to vector<1x128xf32>
      %select_n3A_829 = arith.select %eq3A_824, %broadcast_in_dim3A_827, %broadcast_in_dim3A_828 : vector<1x128xi1>, vector<1x128xf32>
      %mul3A_830 = arith.mulf %mul3A_817, %select_n3A_829 : vector<1x128xf32>
      %reduce_sum3A_831 = arith.constant dense<0.000000e+00> : vector<1xf32>
      %reduce_sum3A_832 = vector.multi_reduction <add>, %mul3A_830, %reduce_sum3A_831 [1] : vector<1x128xf32> to vector<1xf32>
      %broadcast_in_dim3A_833 = vector.shape_cast %reduce_sum3A_832 : vector<1xf32> to vector<1x1xf32>
      %mul3A_834 = vector.broadcast %broadcast_in_dim3A_833 : vector<1x1xf32> to vector<1x128xf32>
      %mul3A_835 = arith.mulf %mul3A_834, %slice3A_822 : vector<1x128xf32>
      %sub3A_836 = arith.constant 1.000000e+00 : f32
      %sub3A_837 = vector.broadcast %sub3A_836 : f32 to vector<1x128xf32>
      %sub3A_838 = arith.subf %sub3A_837, %mul3A_835 : vector<1x128xf32>
      %mul3A_839 = arith.mulf %mul3A_817, %sub3A_838 : vector<1x128xf32>
      %mul3A_840 = arith.constant 8 : i32
      %mul3A_841 = arith.muli %scan3A_723, %mul3A_840 : i32
      %add3A_842 = arith.constant 5 : i32
      %add3A_843 = arith.addi %mul3A_841, %add3A_842 : i32
      %slice3A_844 = vector.extract_strided_slice %get3A_731 {offsets = [5, 0], sizes = [1, 128], strides = [1, 1]} : vector<8x128xf32> to vector<1x128xf32>
      %eq3A_845 = vector.broadcast %add3A_843 : i32 to vector<1x128xi32>
      %eq3A_846 = arith.cmpi eq, %iota3A_475, %eq3A_845 : vector<1x128xi32>
      %jit3A_847 = arith.constant 1.000000e+00 : f32
      %jit3A_848 = arith.constant 0.000000e+00 : f32
      %broadcast_in_dim3A_849 = vector.broadcast %jit3A_847 : f32 to vector<1x128xf32>
      %broadcast_in_dim3A_850 = vector.broadcast %jit3A_848 : f32 to vector<1x128xf32>
      %select_n3A_851 = arith.select %eq3A_846, %broadcast_in_dim3A_849, %broadcast_in_dim3A_850 : vector<1x128xi1>, vector<1x128xf32>
      %mul3A_852 = arith.mulf %mul3A_839, %select_n3A_851 : vector<1x128xf32>
      %reduce_sum3A_853 = arith.constant dense<0.000000e+00> : vector<1xf32>
      %reduce_sum3A_854 = vector.multi_reduction <add>, %mul3A_852, %reduce_sum3A_853 [1] : vector<1x128xf32> to vector<1xf32>
      %broadcast_in_dim3A_855 = vector.shape_cast %reduce_sum3A_854 : vector<1xf32> to vector<1x1xf32>
      %mul3A_856 = vector.broadcast %broadcast_in_dim3A_855 : vector<1x1xf32> to vector<1x128xf32>
      %mul3A_857 = arith.mulf %mul3A_856, %slice3A_844 : vector<1x128xf32>
      %sub3A_858 = arith.constant 1.000000e+00 : f32
      %sub3A_859 = vector.broadcast %sub3A_858 : f32 to vector<1x128xf32>
      %sub3A_860 = arith.subf %sub3A_859, %mul3A_857 : vector<1x128xf32>
      %mul3A_861 = arith.mulf %mul3A_839, %sub3A_860 : vector<1x128xf32>
      %mul3A_862 = arith.constant 8 : i32
      %mul3A_863 = arith.muli %scan3A_723, %mul3A_862 : i32
      %add3A_864 = arith.constant 6 : i32
      %add3A_865 = arith.addi %mul3A_863, %add3A_864 : i32
      %slice3A_866 = vector.extract_strided_slice %get3A_731 {offsets = [6, 0], sizes = [1, 128], strides = [1, 1]} : vector<8x128xf32> to vector<1x128xf32>
      %eq3A_867 = vector.broadcast %add3A_865 : i32 to vector<1x128xi32>
      %eq3A_868 = arith.cmpi eq, %iota3A_475, %eq3A_867 : vector<1x128xi32>
      %jit3A_869 = arith.constant 1.000000e+00 : f32
      %jit3A_870 = arith.constant 0.000000e+00 : f32
      %broadcast_in_dim3A_871 = vector.broadcast %jit3A_869 : f32 to vector<1x128xf32>
      %broadcast_in_dim3A_872 = vector.broadcast %jit3A_870 : f32 to vector<1x128xf32>
      %select_n3A_873 = arith.select %eq3A_868, %broadcast_in_dim3A_871, %broadcast_in_dim3A_872 : vector<1x128xi1>, vector<1x128xf32>
      %mul3A_874 = arith.mulf %mul3A_861, %select_n3A_873 : vector<1x128xf32>
      %reduce_sum3A_875 = arith.constant dense<0.000000e+00> : vector<1xf32>
      %reduce_sum3A_876 = vector.multi_reduction <add>, %mul3A_874, %reduce_sum3A_875 [1] : vector<1x128xf32> to vector<1xf32>
      %broadcast_in_dim3A_877 = vector.shape_cast %reduce_sum3A_876 : vector<1xf32> to vector<1x1xf32>
      %mul3A_878 = vector.broadcast %broadcast_in_dim3A_877 : vector<1x1xf32> to vector<1x128xf32>
      %mul3A_879 = arith.mulf %mul3A_878, %slice3A_866 : vector<1x128xf32>
      %sub3A_880 = arith.constant 1.000000e+00 : f32
      %sub3A_881 = vector.broadcast %sub3A_880 : f32 to vector<1x128xf32>
      %sub3A_882 = arith.subf %sub3A_881, %mul3A_879 : vector<1x128xf32>
      %mul3A_883 = arith.mulf %mul3A_861, %sub3A_882 : vector<1x128xf32>
      %mul3A_884 = arith.constant 8 : i32
      %mul3A_885 = arith.muli %scan3A_723, %mul3A_884 : i32
      %add3A_886 = arith.constant 7 : i32
      %add3A_887 = arith.addi %mul3A_885, %add3A_886 : i32
      %slice3A_888 = vector.extract_strided_slice %get3A_731 {offsets = [7, 0], sizes = [1, 128], strides = [1, 1]} : vector<8x128xf32> to vector<1x128xf32>
      %eq3A_889 = vector.broadcast %add3A_887 : i32 to vector<1x128xi32>
      %eq3A_890 = arith.cmpi eq, %iota3A_475, %eq3A_889 : vector<1x128xi32>
      %jit3A_891 = arith.constant 1.000000e+00 : f32
      %jit3A_892 = arith.constant 0.000000e+00 : f32
      %broadcast_in_dim3A_893 = vector.broadcast %jit3A_891 : f32 to vector<1x128xf32>
      %broadcast_in_dim3A_894 = vector.broadcast %jit3A_892 : f32 to vector<1x128xf32>
      %select_n3A_895 = arith.select %eq3A_890, %broadcast_in_dim3A_893, %broadcast_in_dim3A_894 : vector<1x128xi1>, vector<1x128xf32>
      %mul3A_896 = arith.mulf %mul3A_883, %select_n3A_895 : vector<1x128xf32>
      %reduce_sum3A_897 = arith.constant dense<0.000000e+00> : vector<1xf32>
      %reduce_sum3A_898 = vector.multi_reduction <add>, %mul3A_896, %reduce_sum3A_897 [1] : vector<1x128xf32> to vector<1xf32>
      %broadcast_in_dim3A_899 = vector.shape_cast %reduce_sum3A_898 : vector<1xf32> to vector<1x1xf32>
      %mul3A_900 = vector.broadcast %broadcast_in_dim3A_899 : vector<1x1xf32> to vector<1x128xf32>
      %mul3A_901 = arith.mulf %mul3A_900, %slice3A_888 : vector<1x128xf32>
      %sub3A_902 = arith.constant 1.000000e+00 : f32
      %sub3A_903 = vector.broadcast %sub3A_902 : f32 to vector<1x128xf32>
      %sub3A_904 = arith.subf %sub3A_903, %mul3A_901 : vector<1x128xf32>
      %mul3A_905 = arith.mulf %mul3A_883, %sub3A_904 : vector<1x128xf32>
      scf.yield %mul3A_905 : vector<1x128xf32>
    }
    %scan3A_512 = arith.constant 16 : i32
    %swap3A_513 = arith.constant 0 : index
    %swap3A_514 = arith.constant 128 : index
    %swap3A_515 = vector.load %arg4[%swap3A_513, %swap3A_514] : memref<8x1024xf32, #tpu.memory_space<vmem>>, vector<1x128xf32>
    tpu.vector_store %arg4[%swap3A_513, %swap3A_514], %scan3A_511 {strides = array<i32>} : memref<8x1024xf32, #tpu.memory_space<vmem>>, vector<1x128xf32>,
    %get3A_516 = arith.constant 128 : index
    %get3A_517 = arith.constant 0 : index
    %get3A_518 = vector.load %arg3[%get3A_516, %get3A_517] : memref<1024x1024xf32, #tpu.memory_space<vmem>>, vector<128x1024xf32>
    %dot_general3A_519 = arith.constant dense<0.000000e+00> : vector<1x1024xf32>
    %dot_general3A_520 = tpu.matmul %scan3A_511, %get3A_518, %dot_general3A_519 {dimension_numbers = #tpu.dot_dimension_numbers<[1], [0], [0], [1], [0, 0, 1, 1], [], []>, precision = #tpu.contract_precision<fp32>, transpose_lhs_hint = false} : vector<1x128xf32>, vector<128x1024xf32>, vector<1x1024xf32> -> vector<1x1024xf32>
    %get3A_521 = arith.constant 0 : index
    %get3A_522 = arith.constant 0 : index
    %get3A_523 = vector.load %arg4[%get3A_521, %get3A_522] : memref<8x1024xf32, #tpu.memory_space<vmem>>, vector<1x1024xf32>
    %min3A_524 = arith.constant 1.000000e+00 : f32
    %min3A_525 = vector.broadcast %min3A_524 : f32 to vector<1x1024xf32>
    %min3A_526 = arith.minimumf %dot_general3A_520, %min3A_525 : vector<1x1024xf32>
    %sub3A_527 = arith.constant 1.000000e+00 : f32
    %sub3A_528 = vector.broadcast %sub3A_527 : f32 to vector<1x1024xf32>
    %sub3A_529 = arith.subf %sub3A_528, %min3A_526 : vector<1x1024xf32>
    %mul3A_530 = arith.mulf %get3A_523, %sub3A_529 : vector<1x1024xf32>
    %swap3A_531 = arith.constant 0 : index
    %swap3A_532 = arith.constant 0 : index
    %swap3A_533 = vector.load %arg4[%swap3A_531, %swap3A_532] : memref<8x1024xf32, #tpu.memory_space<vmem>>, vector<1x1024xf32>
    tpu.vector_store %arg4[%swap3A_531, %swap3A_532], %mul3A_530 {strides = array<i32>} : memref<8x1024xf32, #tpu.memory_space<vmem>>, vector<1x1024xf32>,
    %get3A_534 = arith.constant 0 : index
    %get3A_535 = arith.constant 256 : index
    %get3A_536 = vector.load %arg4[%get3A_534, %get3A_535] : memref<8x1024xf32, #tpu.memory_space<vmem>>, vector<1x128xf32>
    %scan3A_537 = arith.constant 0 : i32
    %scan3A_538 = arith.constant 16 : i32
    %scan3A_539 = arith.addi %scan3A_537, %scan3A_538 : i32
    %scan3A_540 = arith.constant 1 : i32
    %scan3A_541 = scf.for %scan3A_723 = %scan3A_537 to %scan3A_539 step %scan3A_540 iter_args(%scan3A_724 = %get3A_536) -> (vector<1x128xf32>)  : i32 {
      %mul3A_725 = arith.constant 8 : i32
      %mul3A_726 = arith.muli %scan3A_723, %mul3A_725 : i32
      %add3A_727 = arith.constant 256 : i32
      %add3A_728 = arith.addi %add3A_727, %mul3A_726 : i32
      %multiple_of3A = tpu.assume_multiple %add3A_728, 8 : i32
      %get3A_729 = arith.index_cast %multiple_of3A : i32 to index
      %get3A_730 = arith.constant 256 : index
      %get3A_731 = vector.load %arg3[%get3A_729, %get3A_730] : memref<1024x1024xf32, #tpu.memory_space<vmem>>, vector<8x128xf32>
      %mul3A_732 = arith.constant 8 : i32
      %mul3A_733 = arith.muli %scan3A_723, %mul3A_732 : i32
      %add3A_734 = arith.constant 0 : i32
      %add3A_735 = arith.addi %mul3A_733, %add3A_734 : i32
      %slice3A_736 = vector.extract_strided_slice %get3A_731 {offsets = [0, 0], sizes = [1, 128], strides = [1, 1]} : vector<8x128xf32> to vector<1x128xf32>
      %eq3A = vector.broadcast %add3A_735 : i32 to vector<1x128xi32>
      %eq3A_737 = arith.cmpi eq, %iota3A_475, %eq3A : vector<1x128xi32>
      %jit3A_738 = arith.constant 1.000000e+00 : f32
      %jit3A_739 = arith.constant 0.000000e+00 : f32
      %broadcast_in_dim3A_740 = vector.broadcast %jit3A_738 : f32 to vector<1x128xf32>
      %broadcast_in_dim3A_741 = vector.broadcast %jit3A_739 : f32 to vector<1x128xf32>
      %select_n3A_742 = arith.select %eq3A_737, %broadcast_in_dim3A_740, %broadcast_in_dim3A_741 : vector<1x128xi1>, vector<1x128xf32>
      %mul3A_743 = arith.mulf %scan3A_724, %select_n3A_742 : vector<1x128xf32>
      %reduce_sum3A = arith.constant dense<0.000000e+00> : vector<1xf32>
      %reduce_sum3A_744 = vector.multi_reduction <add>, %mul3A_743, %reduce_sum3A [1] : vector<1x128xf32> to vector<1xf32>
      %broadcast_in_dim3A_745 = vector.shape_cast %reduce_sum3A_744 : vector<1xf32> to vector<1x1xf32>
      %mul3A_746 = vector.broadcast %broadcast_in_dim3A_745 : vector<1x1xf32> to vector<1x128xf32>
      %mul3A_747 = arith.mulf %mul3A_746, %slice3A_736 : vector<1x128xf32>
      %sub3A_748 = arith.constant 1.000000e+00 : f32
      %sub3A_749 = vector.broadcast %sub3A_748 : f32 to vector<1x128xf32>
      %sub3A_750 = arith.subf %sub3A_749, %mul3A_747 : vector<1x128xf32>
      %mul3A_751 = arith.mulf %scan3A_724, %sub3A_750 : vector<1x128xf32>
      %mul3A_752 = arith.constant 8 : i32
      %mul3A_753 = arith.muli %scan3A_723, %mul3A_752 : i32
      %add3A_754 = arith.constant 1 : i32
      %add3A_755 = arith.addi %mul3A_753, %add3A_754 : i32
      %slice3A_756 = vector.extract_strided_slice %get3A_731 {offsets = [1, 0], sizes = [1, 128], strides = [1, 1]} : vector<8x128xf32> to vector<1x128xf32>
      %eq3A_757 = vector.broadcast %add3A_755 : i32 to vector<1x128xi32>
      %eq3A_758 = arith.cmpi eq, %iota3A_475, %eq3A_757 : vector<1x128xi32>
      %jit3A_759 = arith.constant 1.000000e+00 : f32
      %jit3A_760 = arith.constant 0.000000e+00 : f32
      %broadcast_in_dim3A_761 = vector.broadcast %jit3A_759 : f32 to vector<1x128xf32>
      %broadcast_in_dim3A_762 = vector.broadcast %jit3A_760 : f32 to vector<1x128xf32>
      %select_n3A_763 = arith.select %eq3A_758, %broadcast_in_dim3A_761, %broadcast_in_dim3A_762 : vector<1x128xi1>, vector<1x128xf32>
      %mul3A_764 = arith.mulf %mul3A_751, %select_n3A_763 : vector<1x128xf32>
      %reduce_sum3A_765 = arith.constant dense<0.000000e+00> : vector<1xf32>
      %reduce_sum3A_766 = vector.multi_reduction <add>, %mul3A_764, %reduce_sum3A_765 [1] : vector<1x128xf32> to vector<1xf32>
      %broadcast_in_dim3A_767 = vector.shape_cast %reduce_sum3A_766 : vector<1xf32> to vector<1x1xf32>
      %mul3A_768 = vector.broadcast %broadcast_in_dim3A_767 : vector<1x1xf32> to vector<1x128xf32>
      %mul3A_769 = arith.mulf %mul3A_768, %slice3A_756 : vector<1x128xf32>
      %sub3A_770 = arith.constant 1.000000e+00 : f32
      %sub3A_771 = vector.broadcast %sub3A_770 : f32 to vector<1x128xf32>
      %sub3A_772 = arith.subf %sub3A_771, %mul3A_769 : vector<1x128xf32>
      %mul3A_773 = arith.mulf %mul3A_751, %sub3A_772 : vector<1x128xf32>
      %mul3A_774 = arith.constant 8 : i32
      %mul3A_775 = arith.muli %scan3A_723, %mul3A_774 : i32
      %add3A_776 = arith.constant 2 : i32
      %add3A_777 = arith.addi %mul3A_775, %add3A_776 : i32
      %slice3A_778 = vector.extract_strided_slice %get3A_731 {offsets = [2, 0], sizes = [1, 128], strides = [1, 1]} : vector<8x128xf32> to vector<1x128xf32>
      %eq3A_779 = vector.broadcast %add3A_777 : i32 to vector<1x128xi32>
      %eq3A_780 = arith.cmpi eq, %iota3A_475, %eq3A_779 : vector<1x128xi32>
      %jit3A_781 = arith.constant 1.000000e+00 : f32
      %jit3A_782 = arith.constant 0.000000e+00 : f32
      %broadcast_in_dim3A_783 = vector.broadcast %jit3A_781 : f32 to vector<1x128xf32>
      %broadcast_in_dim3A_784 = vector.broadcast %jit3A_782 : f32 to vector<1x128xf32>
      %select_n3A_785 = arith.select %eq3A_780, %broadcast_in_dim3A_783, %broadcast_in_dim3A_784 : vector<1x128xi1>, vector<1x128xf32>
      %mul3A_786 = arith.mulf %mul3A_773, %select_n3A_785 : vector<1x128xf32>
      %reduce_sum3A_787 = arith.constant dense<0.000000e+00> : vector<1xf32>
      %reduce_sum3A_788 = vector.multi_reduction <add>, %mul3A_786, %reduce_sum3A_787 [1] : vector<1x128xf32> to vector<1xf32>
      %broadcast_in_dim3A_789 = vector.shape_cast %reduce_sum3A_788 : vector<1xf32> to vector<1x1xf32>
      %mul3A_790 = vector.broadcast %broadcast_in_dim3A_789 : vector<1x1xf32> to vector<1x128xf32>
      %mul3A_791 = arith.mulf %mul3A_790, %slice3A_778 : vector<1x128xf32>
      %sub3A_792 = arith.constant 1.000000e+00 : f32
      %sub3A_793 = vector.broadcast %sub3A_792 : f32 to vector<1x128xf32>
      %sub3A_794 = arith.subf %sub3A_793, %mul3A_791 : vector<1x128xf32>
      %mul3A_795 = arith.mulf %mul3A_773, %sub3A_794 : vector<1x128xf32>
      %mul3A_796 = arith.constant 8 : i32
      %mul3A_797 = arith.muli %scan3A_723, %mul3A_796 : i32
      %add3A_798 = arith.constant 3 : i32
      %add3A_799 = arith.addi %mul3A_797, %add3A_798 : i32
      %slice3A_800 = vector.extract_strided_slice %get3A_731 {offsets = [3, 0], sizes = [1, 128], strides = [1, 1]} : vector<8x128xf32> to vector<1x128xf32>
      %eq3A_801 = vector.broadcast %add3A_799 : i32 to vector<1x128xi32>
      %eq3A_802 = arith.cmpi eq, %iota3A_475, %eq3A_801 : vector<1x128xi32>
      %jit3A_803 = arith.constant 1.000000e+00 : f32
      %jit3A_804 = arith.constant 0.000000e+00 : f32
      %broadcast_in_dim3A_805 = vector.broadcast %jit3A_803 : f32 to vector<1x128xf32>
      %broadcast_in_dim3A_806 = vector.broadcast %jit3A_804 : f32 to vector<1x128xf32>
      %select_n3A_807 = arith.select %eq3A_802, %broadcast_in_dim3A_805, %broadcast_in_dim3A_806 : vector<1x128xi1>, vector<1x128xf32>
      %mul3A_808 = arith.mulf %mul3A_795, %select_n3A_807 : vector<1x128xf32>
      %reduce_sum3A_809 = arith.constant dense<0.000000e+00> : vector<1xf32>
      %reduce_sum3A_810 = vector.multi_reduction <add>, %mul3A_808, %reduce_sum3A_809 [1] : vector<1x128xf32> to vector<1xf32>
      %broadcast_in_dim3A_811 = vector.shape_cast %reduce_sum3A_810 : vector<1xf32> to vector<1x1xf32>
      %mul3A_812 = vector.broadcast %broadcast_in_dim3A_811 : vector<1x1xf32> to vector<1x128xf32>
      %mul3A_813 = arith.mulf %mul3A_812, %slice3A_800 : vector<1x128xf32>
      %sub3A_814 = arith.constant 1.000000e+00 : f32
      %sub3A_815 = vector.broadcast %sub3A_814 : f32 to vector<1x128xf32>
      %sub3A_816 = arith.subf %sub3A_815, %mul3A_813 : vector<1x128xf32>
      %mul3A_817 = arith.mulf %mul3A_795, %sub3A_816 : vector<1x128xf32>
      %mul3A_818 = arith.constant 8 : i32
      %mul3A_819 = arith.muli %scan3A_723, %mul3A_818 : i32
      %add3A_820 = arith.constant 4 : i32
      %add3A_821 = arith.addi %mul3A_819, %add3A_820 : i32
      %slice3A_822 = vector.extract_strided_slice %get3A_731 {offsets = [4, 0], sizes = [1, 128], strides = [1, 1]} : vector<8x128xf32> to vector<1x128xf32>
      %eq3A_823 = vector.broadcast %add3A_821 : i32 to vector<1x128xi32>
      %eq3A_824 = arith.cmpi eq, %iota3A_475, %eq3A_823 : vector<1x128xi32>
      %jit3A_825 = arith.constant 1.000000e+00 : f32
      %jit3A_826 = arith.constant 0.000000e+00 : f32
      %broadcast_in_dim3A_827 = vector.broadcast %jit3A_825 : f32 to vector<1x128xf32>
      %broadcast_in_dim3A_828 = vector.broadcast %jit3A_826 : f32 to vector<1x128xf32>
      %select_n3A_829 = arith.select %eq3A_824, %broadcast_in_dim3A_827, %broadcast_in_dim3A_828 : vector<1x128xi1>, vector<1x128xf32>
      %mul3A_830 = arith.mulf %mul3A_817, %select_n3A_829 : vector<1x128xf32>
      %reduce_sum3A_831 = arith.constant dense<0.000000e+00> : vector<1xf32>
      %reduce_sum3A_832 = vector.multi_reduction <add>, %mul3A_830, %reduce_sum3A_831 [1] : vector<1x128xf32> to vector<1xf32>
      %broadcast_in_dim3A_833 = vector.shape_cast %reduce_sum3A_832 : vector<1xf32> to vector<1x1xf32>
      %mul3A_834 = vector.broadcast %broadcast_in_dim3A_833 : vector<1x1xf32> to vector<1x128xf32>
      %mul3A_835 = arith.mulf %mul3A_834, %slice3A_822 : vector<1x128xf32>
      %sub3A_836 = arith.constant 1.000000e+00 : f32
      %sub3A_837 = vector.broadcast %sub3A_836 : f32 to vector<1x128xf32>
      %sub3A_838 = arith.subf %sub3A_837, %mul3A_835 : vector<1x128xf32>
      %mul3A_839 = arith.mulf %mul3A_817, %sub3A_838 : vector<1x128xf32>
      %mul3A_840 = arith.constant 8 : i32
      %mul3A_841 = arith.muli %scan3A_723, %mul3A_840 : i32
      %add3A_842 = arith.constant 5 : i32
      %add3A_843 = arith.addi %mul3A_841, %add3A_842 : i32
      %slice3A_844 = vector.extract_strided_slice %get3A_731 {offsets = [5, 0], sizes = [1, 128], strides = [1, 1]} : vector<8x128xf32> to vector<1x128xf32>
      %eq3A_845 = vector.broadcast %add3A_843 : i32 to vector<1x128xi32>
      %eq3A_846 = arith.cmpi eq, %iota3A_475, %eq3A_845 : vector<1x128xi32>
      %jit3A_847 = arith.constant 1.000000e+00 : f32
      %jit3A_848 = arith.constant 0.000000e+00 : f32
      %broadcast_in_dim3A_849 = vector.broadcast %jit3A_847 : f32 to vector<1x128xf32>
      %broadcast_in_dim3A_850 = vector.broadcast %jit3A_848 : f32 to vector<1x128xf32>
      %select_n3A_851 = arith.select %eq3A_846, %broadcast_in_dim3A_849, %broadcast_in_dim3A_850 : vector<1x128xi1>, vector<1x128xf32>
      %mul3A_852 = arith.mulf %mul3A_839, %select_n3A_851 : vector<1x128xf32>
      %reduce_sum3A_853 = arith.constant dense<0.000000e+00> : vector<1xf32>
      %reduce_sum3A_854 = vector.multi_reduction <add>, %mul3A_852, %reduce_sum3A_853 [1] : vector<1x128xf32> to vector<1xf32>
      %broadcast_in_dim3A_855 = vector.shape_cast %reduce_sum3A_854 : vector<1xf32> to vector<1x1xf32>
      %mul3A_856 = vector.broadcast %broadcast_in_dim3A_855 : vector<1x1xf32> to vector<1x128xf32>
      %mul3A_857 = arith.mulf %mul3A_856, %slice3A_844 : vector<1x128xf32>
      %sub3A_858 = arith.constant 1.000000e+00 : f32
      %sub3A_859 = vector.broadcast %sub3A_858 : f32 to vector<1x128xf32>
      %sub3A_860 = arith.subf %sub3A_859, %mul3A_857 : vector<1x128xf32>
      %mul3A_861 = arith.mulf %mul3A_839, %sub3A_860 : vector<1x128xf32>
      %mul3A_862 = arith.constant 8 : i32
      %mul3A_863 = arith.muli %scan3A_723, %mul3A_862 : i32
      %add3A_864 = arith.constant 6 : i32
      %add3A_865 = arith.addi %mul3A_863, %add3A_864 : i32
      %slice3A_866 = vector.extract_strided_slice %get3A_731 {offsets = [6, 0], sizes = [1, 128], strides = [1, 1]} : vector<8x128xf32> to vector<1x128xf32>
      %eq3A_867 = vector.broadcast %add3A_865 : i32 to vector<1x128xi32>
      %eq3A_868 = arith.cmpi eq, %iota3A_475, %eq3A_867 : vector<1x128xi32>
      %jit3A_869 = arith.constant 1.000000e+00 : f32
      %jit3A_870 = arith.constant 0.000000e+00 : f32
      %broadcast_in_dim3A_871 = vector.broadcast %jit3A_869 : f32 to vector<1x128xf32>
      %broadcast_in_dim3A_872 = vector.broadcast %jit3A_870 : f32 to vector<1x128xf32>
      %select_n3A_873 = arith.select %eq3A_868, %broadcast_in_dim3A_871, %broadcast_in_dim3A_872 : vector<1x128xi1>, vector<1x128xf32>
      %mul3A_874 = arith.mulf %mul3A_861, %select_n3A_873 : vector<1x128xf32>
      %reduce_sum3A_875 = arith.constant dense<0.000000e+00> : vector<1xf32>
      %reduce_sum3A_876 = vector.multi_reduction <add>, %mul3A_874, %reduce_sum3A_875 [1] : vector<1x128xf32> to vector<1xf32>
      %broadcast_in_dim3A_877 = vector.shape_cast %reduce_sum3A_876 : vector<1xf32> to vector<1x1xf32>
      %mul3A_878 = vector.broadcast %broadcast_in_dim3A_877 : vector<1x1xf32> to vector<1x128xf32>
      %mul3A_879 = arith.mulf %mul3A_878, %slice3A_866 : vector<1x128xf32>
      %sub3A_880 = arith.constant 1.000000e+00 : f32
      %sub3A_881 = vector.broadcast %sub3A_880 : f32 to vector<1x128xf32>
      %sub3A_882 = arith.subf %sub3A_881, %mul3A_879 : vector<1x128xf32>
      %mul3A_883 = arith.mulf %mul3A_861, %sub3A_882 : vector<1x128xf32>
      %mul3A_884 = arith.constant 8 : i32
      %mul3A_885 = arith.muli %scan3A_723, %mul3A_884 : i32
      %add3A_886 = arith.constant 7 : i32
      %add3A_887 = arith.addi %mul3A_885, %add3A_886 : i32
      %slice3A_888 = vector.extract_strided_slice %get3A_731 {offsets = [7, 0], sizes = [1, 128], strides = [1, 1]} : vector<8x128xf32> to vector<1x128xf32>
      %eq3A_889 = vector.broadcast %add3A_887 : i32 to vector<1x128xi32>
      %eq3A_890 = arith.cmpi eq, %iota3A_475, %eq3A_889 : vector<1x128xi32>
      %jit3A_891 = arith.constant 1.000000e+00 : f32
      %jit3A_892 = arith.constant 0.000000e+00 : f32
      %broadcast_in_dim3A_893 = vector.broadcast %jit3A_891 : f32 to vector<1x128xf32>
      %broadcast_in_dim3A_894 = vector.broadcast %jit3A_892 : f32 to vector<1x128xf32>
      %select_n3A_895 = arith.select %eq3A_890, %broadcast_in_dim3A_893, %broadcast_in_dim3A_894 : vector<1x128xi1>, vector<1x128xf32>
      %mul3A_896 = arith.mulf %mul3A_883, %select_n3A_895 : vector<1x128xf32>
      %reduce_sum3A_897 = arith.constant dense<0.000000e+00> : vector<1xf32>
      %reduce_sum3A_898 = vector.multi_reduction <add>, %mul3A_896, %reduce_sum3A_897 [1] : vector<1x128xf32> to vector<1xf32>
      %broadcast_in_dim3A_899 = vector.shape_cast %reduce_sum3A_898 : vector<1xf32> to vector<1x1xf32>
      %mul3A_900 = vector.broadcast %broadcast_in_dim3A_899 : vector<1x1xf32> to vector<1x128xf32>
      %mul3A_901 = arith.mulf %mul3A_900, %slice3A_888 : vector<1x128xf32>
      %sub3A_902 = arith.constant 1.000000e+00 : f32
      %sub3A_903 = vector.broadcast %sub3A_902 : f32 to vector<1x128xf32>
      %sub3A_904 = arith.subf %sub3A_903, %mul3A_901 : vector<1x128xf32>
      %mul3A_905 = arith.mulf %mul3A_883, %sub3A_904 : vector<1x128xf32>
      scf.yield %mul3A_905 : vector<1x128xf32>
    }
    %scan3A_542 = arith.constant 16 : i32
    %swap3A_543 = arith.constant 0 : index
    %swap3A_544 = arith.constant 256 : index
    %swap3A_545 = vector.load %arg4[%swap3A_543, %swap3A_544] : memref<8x1024xf32, #tpu.memory_space<vmem>>, vector<1x128xf32>
    tpu.vector_store %arg4[%swap3A_543, %swap3A_544], %scan3A_541 {strides = array<i32>} : memref<8x1024xf32, #tpu.memory_space<vmem>>, vector<1x128xf32>,
    %get3A_546 = arith.constant 256 : index
    %get3A_547 = arith.constant 0 : index
    %get3A_548 = vector.load %arg3[%get3A_546, %get3A_547] : memref<1024x1024xf32, #tpu.memory_space<vmem>>, vector<128x1024xf32>
    %dot_general3A_549 = arith.constant dense<0.000000e+00> : vector<1x1024xf32>
    %dot_general3A_550 = tpu.matmul %scan3A_541, %get3A_548, %dot_general3A_549 {dimension_numbers = #tpu.dot_dimension_numbers<[1], [0], [0], [1], [0, 0, 1, 1], [], []>, precision = #tpu.contract_precision<fp32>, transpose_lhs_hint = false} : vector<1x128xf32>, vector<128x1024xf32>, vector<1x1024xf32> -> vector<1x1024xf32>
    %get3A_551 = arith.constant 0 : index
    %get3A_552 = arith.constant 0 : index
    %get3A_553 = vector.load %arg4[%get3A_551, %get3A_552] : memref<8x1024xf32, #tpu.memory_space<vmem>>, vector<1x1024xf32>
    %min3A_554 = arith.constant 1.000000e+00 : f32
    %min3A_555 = vector.broadcast %min3A_554 : f32 to vector<1x1024xf32>
    %min3A_556 = arith.minimumf %dot_general3A_550, %min3A_555 : vector<1x1024xf32>
    %sub3A_557 = arith.constant 1.000000e+00 : f32
    %sub3A_558 = vector.broadcast %sub3A_557 : f32 to vector<1x1024xf32>
    %sub3A_559 = arith.subf %sub3A_558, %min3A_556 : vector<1x1024xf32>
    %mul3A_560 = arith.mulf %get3A_553, %sub3A_559 : vector<1x1024xf32>
    %swap3A_561 = arith.constant 0 : index
    %swap3A_562 = arith.constant 0 : index
    %swap3A_563 = vector.load %arg4[%swap3A_561, %swap3A_562] : memref<8x1024xf32, #tpu.memory_space<vmem>>, vector<1x1024xf32>
    tpu.vector_store %arg4[%swap3A_561, %swap3A_562], %mul3A_560 {strides = array<i32>} : memref<8x1024xf32, #tpu.memory_space<vmem>>, vector<1x1024xf32>,
    %get3A_564 = arith.constant 0 : index
    %get3A_565 = arith.constant 384 : index
    %get3A_566 = vector.load %arg4[%get3A_564, %get3A_565] : memref<8x1024xf32, #tpu.memory_space<vmem>>, vector<1x128xf32>
    %scan3A_567 = arith.constant 0 : i32
    %scan3A_568 = arith.constant 16 : i32
    %scan3A_569 = arith.addi %scan3A_567, %scan3A_568 : i32
    %scan3A_570 = arith.constant 1 : i32
    %scan3A_571 = scf.for %scan3A_723 = %scan3A_567 to %scan3A_569 step %scan3A_570 iter_args(%scan3A_724 = %get3A_566) -> (vector<1x128xf32>)  : i32 {
      %mul3A_725 = arith.constant 8 : i32
      %mul3A_726 = arith.muli %scan3A_723, %mul3A_725 : i32
      %add3A_727 = arith.constant 384 : i32
      %add3A_728 = arith.addi %add3A_727, %mul3A_726 : i32
      %multiple_of3A = tpu.assume_multiple %add3A_728, 8 : i32
      %get3A_729 = arith.index_cast %multiple_of3A : i32 to index
      %get3A_730 = arith.constant 384 : index
      %get3A_731 = vector.load %arg3[%get3A_729, %get3A_730] : memref<1024x1024xf32, #tpu.memory_space<vmem>>, vector<8x128xf32>
      %mul3A_732 = arith.constant 8 : i32
      %mul3A_733 = arith.muli %scan3A_723, %mul3A_732 : i32
      %add3A_734 = arith.constant 0 : i32
      %add3A_735 = arith.addi %mul3A_733, %add3A_734 : i32
      %slice3A_736 = vector.extract_strided_slice %get3A_731 {offsets = [0, 0], sizes = [1, 128], strides = [1, 1]} : vector<8x128xf32> to vector<1x128xf32>
      %eq3A = vector.broadcast %add3A_735 : i32 to vector<1x128xi32>
      %eq3A_737 = arith.cmpi eq, %iota3A_475, %eq3A : vector<1x128xi32>
      %jit3A_738 = arith.constant 1.000000e+00 : f32
      %jit3A_739 = arith.constant 0.000000e+00 : f32
      %broadcast_in_dim3A_740 = vector.broadcast %jit3A_738 : f32 to vector<1x128xf32>
      %broadcast_in_dim3A_741 = vector.broadcast %jit3A_739 : f32 to vector<1x128xf32>
      %select_n3A_742 = arith.select %eq3A_737, %broadcast_in_dim3A_740, %broadcast_in_dim3A_741 : vector<1x128xi1>, vector<1x128xf32>
      %mul3A_743 = arith.mulf %scan3A_724, %select_n3A_742 : vector<1x128xf32>
      %reduce_sum3A = arith.constant dense<0.000000e+00> : vector<1xf32>
      %reduce_sum3A_744 = vector.multi_reduction <add>, %mul3A_743, %reduce_sum3A [1] : vector<1x128xf32> to vector<1xf32>
      %broadcast_in_dim3A_745 = vector.shape_cast %reduce_sum3A_744 : vector<1xf32> to vector<1x1xf32>
      %mul3A_746 = vector.broadcast %broadcast_in_dim3A_745 : vector<1x1xf32> to vector<1x128xf32>
      %mul3A_747 = arith.mulf %mul3A_746, %slice3A_736 : vector<1x128xf32>
      %sub3A_748 = arith.constant 1.000000e+00 : f32
      %sub3A_749 = vector.broadcast %sub3A_748 : f32 to vector<1x128xf32>
      %sub3A_750 = arith.subf %sub3A_749, %mul3A_747 : vector<1x128xf32>
      %mul3A_751 = arith.mulf %scan3A_724, %sub3A_750 : vector<1x128xf32>
      %mul3A_752 = arith.constant 8 : i32
      %mul3A_753 = arith.muli %scan3A_723, %mul3A_752 : i32
      %add3A_754 = arith.constant 1 : i32
      %add3A_755 = arith.addi %mul3A_753, %add3A_754 : i32
      %slice3A_756 = vector.extract_strided_slice %get3A_731 {offsets = [1, 0], sizes = [1, 128], strides = [1, 1]} : vector<8x128xf32> to vector<1x128xf32>
      %eq3A_757 = vector.broadcast %add3A_755 : i32 to vector<1x128xi32>
      %eq3A_758 = arith.cmpi eq, %iota3A_475, %eq3A_757 : vector<1x128xi32>
      %jit3A_759 = arith.constant 1.000000e+00 : f32
      %jit3A_760 = arith.constant 0.000000e+00 : f32
      %broadcast_in_dim3A_761 = vector.broadcast %jit3A_759 : f32 to vector<1x128xf32>
      %broadcast_in_dim3A_762 = vector.broadcast %jit3A_760 : f32 to vector<1x128xf32>
      %select_n3A_763 = arith.select %eq3A_758, %broadcast_in_dim3A_761, %broadcast_in_dim3A_762 : vector<1x128xi1>, vector<1x128xf32>
      %mul3A_764 = arith.mulf %mul3A_751, %select_n3A_763 : vector<1x128xf32>
      %reduce_sum3A_765 = arith.constant dense<0.000000e+00> : vector<1xf32>
      %reduce_sum3A_766 = vector.multi_reduction <add>, %mul3A_764, %reduce_sum3A_765 [1] : vector<1x128xf32> to vector<1xf32>
      %broadcast_in_dim3A_767 = vector.shape_cast %reduce_sum3A_766 : vector<1xf32> to vector<1x1xf32>
      %mul3A_768 = vector.broadcast %broadcast_in_dim3A_767 : vector<1x1xf32> to vector<1x128xf32>
      %mul3A_769 = arith.mulf %mul3A_768, %slice3A_756 : vector<1x128xf32>
      %sub3A_770 = arith.constant 1.000000e+00 : f32
      %sub3A_771 = vector.broadcast %sub3A_770 : f32 to vector<1x128xf32>
      %sub3A_772 = arith.subf %sub3A_771, %mul3A_769 : vector<1x128xf32>
      %mul3A_773 = arith.mulf %mul3A_751, %sub3A_772 : vector<1x128xf32>
      %mul3A_774 = arith.constant 8 : i32
      %mul3A_775 = arith.muli %scan3A_723, %mul3A_774 : i32
      %add3A_776 = arith.constant 2 : i32
      %add3A_777 = arith.addi %mul3A_775, %add3A_776 : i32
      %slice3A_778 = vector.extract_strided_slice %get3A_731 {offsets = [2, 0], sizes = [1, 128], strides = [1, 1]} : vector<8x128xf32> to vector<1x128xf32>
      %eq3A_779 = vector.broadcast %add3A_777 : i32 to vector<1x128xi32>
      %eq3A_780 = arith.cmpi eq, %iota3A_475, %eq3A_779 : vector<1x128xi32>
      %jit3A_781 = arith.constant 1.000000e+00 : f32
      %jit3A_782 = arith.constant 0.000000e+00 : f32
      %broadcast_in_dim3A_783 = vector.broadcast %jit3A_781 : f32 to vector<1x128xf32>
      %broadcast_in_dim3A_784 = vector.broadcast %jit3A_782 : f32 to vector<1x128xf32>
      %select_n3A_785 = arith.select %eq3A_780, %broadcast_in_dim3A_783, %broadcast_in_dim3A_784 : vector<1x128xi1>, vector<1x128xf32>
      %mul3A_786 = arith.mulf %mul3A_773, %select_n3A_785 : vector<1x128xf32>
      %reduce_sum3A_787 = arith.constant dense<0.000000e+00> : vector<1xf32>
      %reduce_sum3A_788 = vector.multi_reduction <add>, %mul3A_786, %reduce_sum3A_787 [1] : vector<1x128xf32> to vector<1xf32>
      %broadcast_in_dim3A_789 = vector.shape_cast %reduce_sum3A_788 : vector<1xf32> to vector<1x1xf32>
      %mul3A_790 = vector.broadcast %broadcast_in_dim3A_789 : vector<1x1xf32> to vector<1x128xf32>
      %mul3A_791 = arith.mulf %mul3A_790, %slice3A_778 : vector<1x128xf32>
      %sub3A_792 = arith.constant 1.000000e+00 : f32
      %sub3A_793 = vector.broadcast %sub3A_792 : f32 to vector<1x128xf32>
      %sub3A_794 = arith.subf %sub3A_793, %mul3A_791 : vector<1x128xf32>
      %mul3A_795 = arith.mulf %mul3A_773, %sub3A_794 : vector<1x128xf32>
      %mul3A_796 = arith.constant 8 : i32
      %mul3A_797 = arith.muli %scan3A_723, %mul3A_796 : i32
      %add3A_798 = arith.constant 3 : i32
      %add3A_799 = arith.addi %mul3A_797, %add3A_798 : i32
      %slice3A_800 = vector.extract_strided_slice %get3A_731 {offsets = [3, 0], sizes = [1, 128], strides = [1, 1]} : vector<8x128xf32> to vector<1x128xf32>
      %eq3A_801 = vector.broadcast %add3A_799 : i32 to vector<1x128xi32>
      %eq3A_802 = arith.cmpi eq, %iota3A_475, %eq3A_801 : vector<1x128xi32>
      %jit3A_803 = arith.constant 1.000000e+00 : f32
      %jit3A_804 = arith.constant 0.000000e+00 : f32
      %broadcast_in_dim3A_805 = vector.broadcast %jit3A_803 : f32 to vector<1x128xf32>
      %broadcast_in_dim3A_806 = vector.broadcast %jit3A_804 : f32 to vector<1x128xf32>
      %select_n3A_807 = arith.select %eq3A_802, %broadcast_in_dim3A_805, %broadcast_in_dim3A_806 : vector<1x128xi1>, vector<1x128xf32>
      %mul3A_808 = arith.mulf %mul3A_795, %select_n3A_807 : vector<1x128xf32>
      %reduce_sum3A_809 = arith.constant dense<0.000000e+00> : vector<1xf32>
      %reduce_sum3A_810 = vector.multi_reduction <add>, %mul3A_808, %reduce_sum3A_809 [1] : vector<1x128xf32> to vector<1xf32>
      %broadcast_in_dim3A_811 = vector.shape_cast %reduce_sum3A_810 : vector<1xf32> to vector<1x1xf32>
      %mul3A_812 = vector.broadcast %broadcast_in_dim3A_811 : vector<1x1xf32> to vector<1x128xf32>
      %mul3A_813 = arith.mulf %mul3A_812, %slice3A_800 : vector<1x128xf32>
      %sub3A_814 = arith.constant 1.000000e+00 : f32
      %sub3A_815 = vector.broadcast %sub3A_814 : f32 to vector<1x128xf32>
      %sub3A_816 = arith.subf %sub3A_815, %mul3A_813 : vector<1x128xf32>
      %mul3A_817 = arith.mulf %mul3A_795, %sub3A_816 : vector<1x128xf32>
      %mul3A_818 = arith.constant 8 : i32
      %mul3A_819 = arith.muli %scan3A_723, %mul3A_818 : i32
      %add3A_820 = arith.constant 4 : i32
      %add3A_821 = arith.addi %mul3A_819, %add3A_820 : i32
      %slice3A_822 = vector.extract_strided_slice %get3A_731 {offsets = [4, 0], sizes = [1, 128], strides = [1, 1]} : vector<8x128xf32> to vector<1x128xf32>
      %eq3A_823 = vector.broadcast %add3A_821 : i32 to vector<1x128xi32>
      %eq3A_824 = arith.cmpi eq, %iota3A_475, %eq3A_823 : vector<1x128xi32>
      %jit3A_825 = arith.constant 1.000000e+00 : f32
      %jit3A_826 = arith.constant 0.000000e+00 : f32
      %broadcast_in_dim3A_827 = vector.broadcast %jit3A_825 : f32 to vector<1x128xf32>
      %broadcast_in_dim3A_828 = vector.broadcast %jit3A_826 : f32 to vector<1x128xf32>
      %select_n3A_829 = arith.select %eq3A_824, %broadcast_in_dim3A_827, %broadcast_in_dim3A_828 : vector<1x128xi1>, vector<1x128xf32>
      %mul3A_830 = arith.mulf %mul3A_817, %select_n3A_829 : vector<1x128xf32>
      %reduce_sum3A_831 = arith.constant dense<0.000000e+00> : vector<1xf32>
      %reduce_sum3A_832 = vector.multi_reduction <add>, %mul3A_830, %reduce_sum3A_831 [1] : vector<1x128xf32> to vector<1xf32>
      %broadcast_in_dim3A_833 = vector.shape_cast %reduce_sum3A_832 : vector<1xf32> to vector<1x1xf32>
      %mul3A_834 = vector.broadcast %broadcast_in_dim3A_833 : vector<1x1xf32> to vector<1x128xf32>
      %mul3A_835 = arith.mulf %mul3A_834, %slice3A_822 : vector<1x128xf32>
      %sub3A_836 = arith.constant 1.000000e+00 : f32
      %sub3A_837 = vector.broadcast %sub3A_836 : f32 to vector<1x128xf32>
      %sub3A_838 = arith.subf %sub3A_837, %mul3A_835 : vector<1x128xf32>
      %mul3A_839 = arith.mulf %mul3A_817, %sub3A_838 : vector<1x128xf32>
      %mul3A_840 = arith.constant 8 : i32
      %mul3A_841 = arith.muli %scan3A_723, %mul3A_840 : i32
      %add3A_842 = arith.constant 5 : i32
      %add3A_843 = arith.addi %mul3A_841, %add3A_842 : i32
      %slice3A_844 = vector.extract_strided_slice %get3A_731 {offsets = [5, 0], sizes = [1, 128], strides = [1, 1]} : vector<8x128xf32> to vector<1x128xf32>
      %eq3A_845 = vector.broadcast %add3A_843 : i32 to vector<1x128xi32>
      %eq3A_846 = arith.cmpi eq, %iota3A_475, %eq3A_845 : vector<1x128xi32>
      %jit3A_847 = arith.constant 1.000000e+00 : f32
      %jit3A_848 = arith.constant 0.000000e+00 : f32
      %broadcast_in_dim3A_849 = vector.broadcast %jit3A_847 : f32 to vector<1x128xf32>
      %broadcast_in_dim3A_850 = vector.broadcast %jit3A_848 : f32 to vector<1x128xf32>
      %select_n3A_851 = arith.select %eq3A_846, %broadcast_in_dim3A_849, %broadcast_in_dim3A_850 : vector<1x128xi1>, vector<1x128xf32>
      %mul3A_852 = arith.mulf %mul3A_839, %select_n3A_851 : vector<1x128xf32>
      %reduce_sum3A_853 = arith.constant dense<0.000000e+00> : vector<1xf32>
      %reduce_sum3A_854 = vector.multi_reduction <add>, %mul3A_852, %reduce_sum3A_853 [1] : vector<1x128xf32> to vector<1xf32>
      %broadcast_in_dim3A_855 = vector.shape_cast %reduce_sum3A_854 : vector<1xf32> to vector<1x1xf32>
      %mul3A_856 = vector.broadcast %broadcast_in_dim3A_855 : vector<1x1xf32> to vector<1x128xf32>
      %mul3A_857 = arith.mulf %mul3A_856, %slice3A_844 : vector<1x128xf32>
      %sub3A_858 = arith.constant 1.000000e+00 : f32
      %sub3A_859 = vector.broadcast %sub3A_858 : f32 to vector<1x128xf32>
      %sub3A_860 = arith.subf %sub3A_859, %mul3A_857 : vector<1x128xf32>
      %mul3A_861 = arith.mulf %mul3A_839, %sub3A_860 : vector<1x128xf32>
      %mul3A_862 = arith.constant 8 : i32
      %mul3A_863 = arith.muli %scan3A_723, %mul3A_862 : i32
      %add3A_864 = arith.constant 6 : i32
      %add3A_865 = arith.addi %mul3A_863, %add3A_864 : i32
      %slice3A_866 = vector.extract_strided_slice %get3A_731 {offsets = [6, 0], sizes = [1, 128], strides = [1, 1]} : vector<8x128xf32> to vector<1x128xf32>
      %eq3A_867 = vector.broadcast %add3A_865 : i32 to vector<1x128xi32>
      %eq3A_868 = arith.cmpi eq, %iota3A_475, %eq3A_867 : vector<1x128xi32>
      %jit3A_869 = arith.constant 1.000000e+00 : f32
      %jit3A_870 = arith.constant 0.000000e+00 : f32
      %broadcast_in_dim3A_871 = vector.broadcast %jit3A_869 : f32 to vector<1x128xf32>
      %broadcast_in_dim3A_872 = vector.broadcast %jit3A_870 : f32 to vector<1x128xf32>
      %select_n3A_873 = arith.select %eq3A_868, %broadcast_in_dim3A_871, %broadcast_in_dim3A_872 : vector<1x128xi1>, vector<1x128xf32>
      %mul3A_874 = arith.mulf %mul3A_861, %select_n3A_873 : vector<1x128xf32>
      %reduce_sum3A_875 = arith.constant dense<0.000000e+00> : vector<1xf32>
      %reduce_sum3A_876 = vector.multi_reduction <add>, %mul3A_874, %reduce_sum3A_875 [1] : vector<1x128xf32> to vector<1xf32>
      %broadcast_in_dim3A_877 = vector.shape_cast %reduce_sum3A_876 : vector<1xf32> to vector<1x1xf32>
      %mul3A_878 = vector.broadcast %broadcast_in_dim3A_877 : vector<1x1xf32> to vector<1x128xf32>
      %mul3A_879 = arith.mulf %mul3A_878, %slice3A_866 : vector<1x128xf32>
      %sub3A_880 = arith.constant 1.000000e+00 : f32
      %sub3A_881 = vector.broadcast %sub3A_880 : f32 to vector<1x128xf32>
      %sub3A_882 = arith.subf %sub3A_881, %mul3A_879 : vector<1x128xf32>
      %mul3A_883 = arith.mulf %mul3A_861, %sub3A_882 : vector<1x128xf32>
      %mul3A_884 = arith.constant 8 : i32
      %mul3A_885 = arith.muli %scan3A_723, %mul3A_884 : i32
      %add3A_886 = arith.constant 7 : i32
      %add3A_887 = arith.addi %mul3A_885, %add3A_886 : i32
      %slice3A_888 = vector.extract_strided_slice %get3A_731 {offsets = [7, 0], sizes = [1, 128], strides = [1, 1]} : vector<8x128xf32> to vector<1x128xf32>
      %eq3A_889 = vector.broadcast %add3A_887 : i32 to vector<1x128xi32>
      %eq3A_890 = arith.cmpi eq, %iota3A_475, %eq3A_889 : vector<1x128xi32>
      %jit3A_891 = arith.constant 1.000000e+00 : f32
      %jit3A_892 = arith.constant 0.000000e+00 : f32
      %broadcast_in_dim3A_893 = vector.broadcast %jit3A_891 : f32 to vector<1x128xf32>
      %broadcast_in_dim3A_894 = vector.broadcast %jit3A_892 : f32 to vector<1x128xf32>
      %select_n3A_895 = arith.select %eq3A_890, %broadcast_in_dim3A_893, %broadcast_in_dim3A_894 : vector<1x128xi1>, vector<1x128xf32>
      %mul3A_896 = arith.mulf %mul3A_883, %select_n3A_895 : vector<1x128xf32>
      %reduce_sum3A_897 = arith.constant dense<0.000000e+00> : vector<1xf32>
      %reduce_sum3A_898 = vector.multi_reduction <add>, %mul3A_896, %reduce_sum3A_897 [1] : vector<1x128xf32> to vector<1xf32>
      %broadcast_in_dim3A_899 = vector.shape_cast %reduce_sum3A_898 : vector<1xf32> to vector<1x1xf32>
      %mul3A_900 = vector.broadcast %broadcast_in_dim3A_899 : vector<1x1xf32> to vector<1x128xf32>
      %mul3A_901 = arith.mulf %mul3A_900, %slice3A_888 : vector<1x128xf32>
      %sub3A_902 = arith.constant 1.000000e+00 : f32
      %sub3A_903 = vector.broadcast %sub3A_902 : f32 to vector<1x128xf32>
      %sub3A_904 = arith.subf %sub3A_903, %mul3A_901 : vector<1x128xf32>
      %mul3A_905 = arith.mulf %mul3A_883, %sub3A_904 : vector<1x128xf32>
      scf.yield %mul3A_905 : vector<1x128xf32>
    }
    %scan3A_572 = arith.constant 16 : i32
    %swap3A_573 = arith.constant 0 : index
    %swap3A_574 = arith.constant 384 : index
    %swap3A_575 = vector.load %arg4[%swap3A_573, %swap3A_574] : memref<8x1024xf32, #tpu.memory_space<vmem>>, vector<1x128xf32>
    tpu.vector_store %arg4[%swap3A_573, %swap3A_574], %scan3A_571 {strides = array<i32>} : memref<8x1024xf32, #tpu.memory_space<vmem>>, vector<1x128xf32>,
    %get3A_576 = arith.constant 384 : index
    %get3A_577 = arith.constant 0 : index
    %get3A_578 = vector.load %arg3[%get3A_576, %get3A_577] : memref<1024x1024xf32, #tpu.memory_space<vmem>>, vector<128x1024xf32>
    %dot_general3A_579 = arith.constant dense<0.000000e+00> : vector<1x1024xf32>
    %dot_general3A_580 = tpu.matmul %scan3A_571, %get3A_578, %dot_general3A_579 {dimension_numbers = #tpu.dot_dimension_numbers<[1], [0], [0], [1], [0, 0, 1, 1], [], []>, precision = #tpu.contract_precision<fp32>, transpose_lhs_hint = false} : vector<1x128xf32>, vector<128x1024xf32>, vector<1x1024xf32> -> vector<1x1024xf32>
    %get3A_581 = arith.constant 0 : index
    %get3A_582 = arith.constant 0 : index
    %get3A_583 = vector.load %arg4[%get3A_581, %get3A_582] : memref<8x1024xf32, #tpu.memory_space<vmem>>, vector<1x1024xf32>
    %min3A_584 = arith.constant 1.000000e+00 : f32
    %min3A_585 = vector.broadcast %min3A_584 : f32 to vector<1x1024xf32>
    %min3A_586 = arith.minimumf %dot_general3A_580, %min3A_585 : vector<1x1024xf32>
    %sub3A_587 = arith.constant 1.000000e+00 : f32
    %sub3A_588 = vector.broadcast %sub3A_587 : f32 to vector<1x1024xf32>
    %sub3A_589 = arith.subf %sub3A_588, %min3A_586 : vector<1x1024xf32>
    %mul3A_590 = arith.mulf %get3A_583, %sub3A_589 : vector<1x1024xf32>
    %swap3A_591 = arith.constant 0 : index
    %swap3A_592 = arith.constant 0 : index
    %swap3A_593 = vector.load %arg4[%swap3A_591, %swap3A_592] : memref<8x1024xf32, #tpu.memory_space<vmem>>, vector<1x1024xf32>
    tpu.vector_store %arg4[%swap3A_591, %swap3A_592], %mul3A_590 {strides = array<i32>} : memref<8x1024xf32, #tpu.memory_space<vmem>>, vector<1x1024xf32>,
    %get3A_594 = arith.constant 0 : index
    %get3A_595 = arith.constant 512 : index
    %get3A_596 = vector.load %arg4[%get3A_594, %get3A_595] : memref<8x1024xf32, #tpu.memory_space<vmem>>, vector<1x128xf32>
    %scan3A_597 = arith.constant 0 : i32
    %scan3A_598 = arith.constant 16 : i32
    %scan3A_599 = arith.addi %scan3A_597, %scan3A_598 : i32
    %scan3A_600 = arith.constant 1 : i32
    %scan3A_601 = scf.for %scan3A_723 = %scan3A_597 to %scan3A_599 step %scan3A_600 iter_args(%scan3A_724 = %get3A_596) -> (vector<1x128xf32>)  : i32 {
      %mul3A_725 = arith.constant 8 : i32
      %mul3A_726 = arith.muli %scan3A_723, %mul3A_725 : i32
      %add3A_727 = arith.constant 512 : i32
      %add3A_728 = arith.addi %add3A_727, %mul3A_726 : i32
      %multiple_of3A = tpu.assume_multiple %add3A_728, 8 : i32
      %get3A_729 = arith.index_cast %multiple_of3A : i32 to index
      %get3A_730 = arith.constant 512 : index
      %get3A_731 = vector.load %arg3[%get3A_729, %get3A_730] : memref<1024x1024xf32, #tpu.memory_space<vmem>>, vector<8x128xf32>
      %mul3A_732 = arith.constant 8 : i32
      %mul3A_733 = arith.muli %scan3A_723, %mul3A_732 : i32
      %add3A_734 = arith.constant 0 : i32
      %add3A_735 = arith.addi %mul3A_733, %add3A_734 : i32
      %slice3A_736 = vector.extract_strided_slice %get3A_731 {offsets = [0, 0], sizes = [1, 128], strides = [1, 1]} : vector<8x128xf32> to vector<1x128xf32>
      %eq3A = vector.broadcast %add3A_735 : i32 to vector<1x128xi32>
      %eq3A_737 = arith.cmpi eq, %iota3A_475, %eq3A : vector<1x128xi32>
      %jit3A_738 = arith.constant 1.000000e+00 : f32
      %jit3A_739 = arith.constant 0.000000e+00 : f32
      %broadcast_in_dim3A_740 = vector.broadcast %jit3A_738 : f32 to vector<1x128xf32>
      %broadcast_in_dim3A_741 = vector.broadcast %jit3A_739 : f32 to vector<1x128xf32>
      %select_n3A_742 = arith.select %eq3A_737, %broadcast_in_dim3A_740, %broadcast_in_dim3A_741 : vector<1x128xi1>, vector<1x128xf32>
      %mul3A_743 = arith.mulf %scan3A_724, %select_n3A_742 : vector<1x128xf32>
      %reduce_sum3A = arith.constant dense<0.000000e+00> : vector<1xf32>
      %reduce_sum3A_744 = vector.multi_reduction <add>, %mul3A_743, %reduce_sum3A [1] : vector<1x128xf32> to vector<1xf32>
      %broadcast_in_dim3A_745 = vector.shape_cast %reduce_sum3A_744 : vector<1xf32> to vector<1x1xf32>
      %mul3A_746 = vector.broadcast %broadcast_in_dim3A_745 : vector<1x1xf32> to vector<1x128xf32>
      %mul3A_747 = arith.mulf %mul3A_746, %slice3A_736 : vector<1x128xf32>
      %sub3A_748 = arith.constant 1.000000e+00 : f32
      %sub3A_749 = vector.broadcast %sub3A_748 : f32 to vector<1x128xf32>
      %sub3A_750 = arith.subf %sub3A_749, %mul3A_747 : vector<1x128xf32>
      %mul3A_751 = arith.mulf %scan3A_724, %sub3A_750 : vector<1x128xf32>
      %mul3A_752 = arith.constant 8 : i32
      %mul3A_753 = arith.muli %scan3A_723, %mul3A_752 : i32
      %add3A_754 = arith.constant 1 : i32
      %add3A_755 = arith.addi %mul3A_753, %add3A_754 : i32
      %slice3A_756 = vector.extract_strided_slice %get3A_731 {offsets = [1, 0], sizes = [1, 128], strides = [1, 1]} : vector<8x128xf32> to vector<1x128xf32>
      %eq3A_757 = vector.broadcast %add3A_755 : i32 to vector<1x128xi32>
      %eq3A_758 = arith.cmpi eq, %iota3A_475, %eq3A_757 : vector<1x128xi32>
      %jit3A_759 = arith.constant 1.000000e+00 : f32
      %jit3A_760 = arith.constant 0.000000e+00 : f32
      %broadcast_in_dim3A_761 = vector.broadcast %jit3A_759 : f32 to vector<1x128xf32>
      %broadcast_in_dim3A_762 = vector.broadcast %jit3A_760 : f32 to vector<1x128xf32>
      %select_n3A_763 = arith.select %eq3A_758, %broadcast_in_dim3A_761, %broadcast_in_dim3A_762 : vector<1x128xi1>, vector<1x128xf32>
      %mul3A_764 = arith.mulf %mul3A_751, %select_n3A_763 : vector<1x128xf32>
      %reduce_sum3A_765 = arith.constant dense<0.000000e+00> : vector<1xf32>
      %reduce_sum3A_766 = vector.multi_reduction <add>, %mul3A_764, %reduce_sum3A_765 [1] : vector<1x128xf32> to vector<1xf32>
      %broadcast_in_dim3A_767 = vector.shape_cast %reduce_sum3A_766 : vector<1xf32> to vector<1x1xf32>
      %mul3A_768 = vector.broadcast %broadcast_in_dim3A_767 : vector<1x1xf32> to vector<1x128xf32>
      %mul3A_769 = arith.mulf %mul3A_768, %slice3A_756 : vector<1x128xf32>
      %sub3A_770 = arith.constant 1.000000e+00 : f32
      %sub3A_771 = vector.broadcast %sub3A_770 : f32 to vector<1x128xf32>
      %sub3A_772 = arith.subf %sub3A_771, %mul3A_769 : vector<1x128xf32>
      %mul3A_773 = arith.mulf %mul3A_751, %sub3A_772 : vector<1x128xf32>
      %mul3A_774 = arith.constant 8 : i32
      %mul3A_775 = arith.muli %scan3A_723, %mul3A_774 : i32
      %add3A_776 = arith.constant 2 : i32
      %add3A_777 = arith.addi %mul3A_775, %add3A_776 : i32
      %slice3A_778 = vector.extract_strided_slice %get3A_731 {offsets = [2, 0], sizes = [1, 128], strides = [1, 1]} : vector<8x128xf32> to vector<1x128xf32>
      %eq3A_779 = vector.broadcast %add3A_777 : i32 to vector<1x128xi32>
      %eq3A_780 = arith.cmpi eq, %iota3A_475, %eq3A_779 : vector<1x128xi32>
      %jit3A_781 = arith.constant 1.000000e+00 : f32
      %jit3A_782 = arith.constant 0.000000e+00 : f32
      %broadcast_in_dim3A_783 = vector.broadcast %jit3A_781 : f32 to vector<1x128xf32>
      %broadcast_in_dim3A_784 = vector.broadcast %jit3A_782 : f32 to vector<1x128xf32>
      %select_n3A_785 = arith.select %eq3A_780, %broadcast_in_dim3A_783, %broadcast_in_dim3A_784 : vector<1x128xi1>, vector<1x128xf32>
      %mul3A_786 = arith.mulf %mul3A_773, %select_n3A_785 : vector<1x128xf32>
      %reduce_sum3A_787 = arith.constant dense<0.000000e+00> : vector<1xf32>
      %reduce_sum3A_788 = vector.multi_reduction <add>, %mul3A_786, %reduce_sum3A_787 [1] : vector<1x128xf32> to vector<1xf32>
      %broadcast_in_dim3A_789 = vector.shape_cast %reduce_sum3A_788 : vector<1xf32> to vector<1x1xf32>
      %mul3A_790 = vector.broadcast %broadcast_in_dim3A_789 : vector<1x1xf32> to vector<1x128xf32>
      %mul3A_791 = arith.mulf %mul3A_790, %slice3A_778 : vector<1x128xf32>
      %sub3A_792 = arith.constant 1.000000e+00 : f32
      %sub3A_793 = vector.broadcast %sub3A_792 : f32 to vector<1x128xf32>
      %sub3A_794 = arith.subf %sub3A_793, %mul3A_791 : vector<1x128xf32>
      %mul3A_795 = arith.mulf %mul3A_773, %sub3A_794 : vector<1x128xf32>
      %mul3A_796 = arith.constant 8 : i32
      %mul3A_797 = arith.muli %scan3A_723, %mul3A_796 : i32
      %add3A_798 = arith.constant 3 : i32
      %add3A_799 = arith.addi %mul3A_797, %add3A_798 : i32
      %slice3A_800 = vector.extract_strided_slice %get3A_731 {offsets = [3, 0], sizes = [1, 128], strides = [1, 1]} : vector<8x128xf32> to vector<1x128xf32>
      %eq3A_801 = vector.broadcast %add3A_799 : i32 to vector<1x128xi32>
      %eq3A_802 = arith.cmpi eq, %iota3A_475, %eq3A_801 : vector<1x128xi32>
      %jit3A_803 = arith.constant 1.000000e+00 : f32
      %jit3A_804 = arith.constant 0.000000e+00 : f32
      %broadcast_in_dim3A_805 = vector.broadcast %jit3A_803 : f32 to vector<1x128xf32>
      %broadcast_in_dim3A_806 = vector.broadcast %jit3A_804 : f32 to vector<1x128xf32>
      %select_n3A_807 = arith.select %eq3A_802, %broadcast_in_dim3A_805, %broadcast_in_dim3A_806 : vector<1x128xi1>, vector<1x128xf32>
      %mul3A_808 = arith.mulf %mul3A_795, %select_n3A_807 : vector<1x128xf32>
      %reduce_sum3A_809 = arith.constant dense<0.000000e+00> : vector<1xf32>
      %reduce_sum3A_810 = vector.multi_reduction <add>, %mul3A_808, %reduce_sum3A_809 [1] : vector<1x128xf32> to vector<1xf32>
      %broadcast_in_dim3A_811 = vector.shape_cast %reduce_sum3A_810 : vector<1xf32> to vector<1x1xf32>
      %mul3A_812 = vector.broadcast %broadcast_in_dim3A_811 : vector<1x1xf32> to vector<1x128xf32>
      %mul3A_813 = arith.mulf %mul3A_812, %slice3A_800 : vector<1x128xf32>
      %sub3A_814 = arith.constant 1.000000e+00 : f32
      %sub3A_815 = vector.broadcast %sub3A_814 : f32 to vector<1x128xf32>
      %sub3A_816 = arith.subf %sub3A_815, %mul3A_813 : vector<1x128xf32>
      %mul3A_817 = arith.mulf %mul3A_795, %sub3A_816 : vector<1x128xf32>
      %mul3A_818 = arith.constant 8 : i32
      %mul3A_819 = arith.muli %scan3A_723, %mul3A_818 : i32
      %add3A_820 = arith.constant 4 : i32
      %add3A_821 = arith.addi %mul3A_819, %add3A_820 : i32
      %slice3A_822 = vector.extract_strided_slice %get3A_731 {offsets = [4, 0], sizes = [1, 128], strides = [1, 1]} : vector<8x128xf32> to vector<1x128xf32>
      %eq3A_823 = vector.broadcast %add3A_821 : i32 to vector<1x128xi32>
      %eq3A_824 = arith.cmpi eq, %iota3A_475, %eq3A_823 : vector<1x128xi32>
      %jit3A_825 = arith.constant 1.000000e+00 : f32
      %jit3A_826 = arith.constant 0.000000e+00 : f32
      %broadcast_in_dim3A_827 = vector.broadcast %jit3A_825 : f32 to vector<1x128xf32>
      %broadcast_in_dim3A_828 = vector.broadcast %jit3A_826 : f32 to vector<1x128xf32>
      %select_n3A_829 = arith.select %eq3A_824, %broadcast_in_dim3A_827, %broadcast_in_dim3A_828 : vector<1x128xi1>, vector<1x128xf32>
      %mul3A_830 = arith.mulf %mul3A_817, %select_n3A_829 : vector<1x128xf32>
      %reduce_sum3A_831 = arith.constant dense<0.000000e+00> : vector<1xf32>
      %reduce_sum3A_832 = vector.multi_reduction <add>, %mul3A_830, %reduce_sum3A_831 [1] : vector<1x128xf32> to vector<1xf32>
      %broadcast_in_dim3A_833 = vector.shape_cast %reduce_sum3A_832 : vector<1xf32> to vector<1x1xf32>
      %mul3A_834 = vector.broadcast %broadcast_in_dim3A_833 : vector<1x1xf32> to vector<1x128xf32>
      %mul3A_835 = arith.mulf %mul3A_834, %slice3A_822 : vector<1x128xf32>
      %sub3A_836 = arith.constant 1.000000e+00 : f32
      %sub3A_837 = vector.broadcast %sub3A_836 : f32 to vector<1x128xf32>
      %sub3A_838 = arith.subf %sub3A_837, %mul3A_835 : vector<1x128xf32>
      %mul3A_839 = arith.mulf %mul3A_817, %sub3A_838 : vector<1x128xf32>
      %mul3A_840 = arith.constant 8 : i32
      %mul3A_841 = arith.muli %scan3A_723, %mul3A_840 : i32
      %add3A_842 = arith.constant 5 : i32
      %add3A_843 = arith.addi %mul3A_841, %add3A_842 : i32
      %slice3A_844 = vector.extract_strided_slice %get3A_731 {offsets = [5, 0], sizes = [1, 128], strides = [1, 1]} : vector<8x128xf32> to vector<1x128xf32>
      %eq3A_845 = vector.broadcast %add3A_843 : i32 to vector<1x128xi32>
      %eq3A_846 = arith.cmpi eq, %iota3A_475, %eq3A_845 : vector<1x128xi32>
      %jit3A_847 = arith.constant 1.000000e+00 : f32
      %jit3A_848 = arith.constant 0.000000e+00 : f32
      %broadcast_in_dim3A_849 = vector.broadcast %jit3A_847 : f32 to vector<1x128xf32>
      %broadcast_in_dim3A_850 = vector.broadcast %jit3A_848 : f32 to vector<1x128xf32>
      %select_n3A_851 = arith.select %eq3A_846, %broadcast_in_dim3A_849, %broadcast_in_dim3A_850 : vector<1x128xi1>, vector<1x128xf32>
      %mul3A_852 = arith.mulf %mul3A_839, %select_n3A_851 : vector<1x128xf32>
      %reduce_sum3A_853 = arith.constant dense<0.000000e+00> : vector<1xf32>
      %reduce_sum3A_854 = vector.multi_reduction <add>, %mul3A_852, %reduce_sum3A_853 [1] : vector<1x128xf32> to vector<1xf32>
      %broadcast_in_dim3A_855 = vector.shape_cast %reduce_sum3A_854 : vector<1xf32> to vector<1x1xf32>
      %mul3A_856 = vector.broadcast %broadcast_in_dim3A_855 : vector<1x1xf32> to vector<1x128xf32>
      %mul3A_857 = arith.mulf %mul3A_856, %slice3A_844 : vector<1x128xf32>
      %sub3A_858 = arith.constant 1.000000e+00 : f32
      %sub3A_859 = vector.broadcast %sub3A_858 : f32 to vector<1x128xf32>
      %sub3A_860 = arith.subf %sub3A_859, %mul3A_857 : vector<1x128xf32>
      %mul3A_861 = arith.mulf %mul3A_839, %sub3A_860 : vector<1x128xf32>
      %mul3A_862 = arith.constant 8 : i32
      %mul3A_863 = arith.muli %scan3A_723, %mul3A_862 : i32
      %add3A_864 = arith.constant 6 : i32
      %add3A_865 = arith.addi %mul3A_863, %add3A_864 : i32
      %slice3A_866 = vector.extract_strided_slice %get3A_731 {offsets = [6, 0], sizes = [1, 128], strides = [1, 1]} : vector<8x128xf32> to vector<1x128xf32>
      %eq3A_867 = vector.broadcast %add3A_865 : i32 to vector<1x128xi32>
      %eq3A_868 = arith.cmpi eq, %iota3A_475, %eq3A_867 : vector<1x128xi32>
      %jit3A_869 = arith.constant 1.000000e+00 : f32
      %jit3A_870 = arith.constant 0.000000e+00 : f32
      %broadcast_in_dim3A_871 = vector.broadcast %jit3A_869 : f32 to vector<1x128xf32>
      %broadcast_in_dim3A_872 = vector.broadcast %jit3A_870 : f32 to vector<1x128xf32>
      %select_n3A_873 = arith.select %eq3A_868, %broadcast_in_dim3A_871, %broadcast_in_dim3A_872 : vector<1x128xi1>, vector<1x128xf32>
      %mul3A_874 = arith.mulf %mul3A_861, %select_n3A_873 : vector<1x128xf32>
      %reduce_sum3A_875 = arith.constant dense<0.000000e+00> : vector<1xf32>
      %reduce_sum3A_876 = vector.multi_reduction <add>, %mul3A_874, %reduce_sum3A_875 [1] : vector<1x128xf32> to vector<1xf32>
      %broadcast_in_dim3A_877 = vector.shape_cast %reduce_sum3A_876 : vector<1xf32> to vector<1x1xf32>
      %mul3A_878 = vector.broadcast %broadcast_in_dim3A_877 : vector<1x1xf32> to vector<1x128xf32>
      %mul3A_879 = arith.mulf %mul3A_878, %slice3A_866 : vector<1x128xf32>
      %sub3A_880 = arith.constant 1.000000e+00 : f32
      %sub3A_881 = vector.broadcast %sub3A_880 : f32 to vector<1x128xf32>
      %sub3A_882 = arith.subf %sub3A_881, %mul3A_879 : vector<1x128xf32>
      %mul3A_883 = arith.mulf %mul3A_861, %sub3A_882 : vector<1x128xf32>
      %mul3A_884 = arith.constant 8 : i32
      %mul3A_885 = arith.muli %scan3A_723, %mul3A_884 : i32
      %add3A_886 = arith.constant 7 : i32
      %add3A_887 = arith.addi %mul3A_885, %add3A_886 : i32
      %slice3A_888 = vector.extract_strided_slice %get3A_731 {offsets = [7, 0], sizes = [1, 128], strides = [1, 1]} : vector<8x128xf32> to vector<1x128xf32>
      %eq3A_889 = vector.broadcast %add3A_887 : i32 to vector<1x128xi32>
      %eq3A_890 = arith.cmpi eq, %iota3A_475, %eq3A_889 : vector<1x128xi32>
      %jit3A_891 = arith.constant 1.000000e+00 : f32
      %jit3A_892 = arith.constant 0.000000e+00 : f32
      %broadcast_in_dim3A_893 = vector.broadcast %jit3A_891 : f32 to vector<1x128xf32>
      %broadcast_in_dim3A_894 = vector.broadcast %jit3A_892 : f32 to vector<1x128xf32>
      %select_n3A_895 = arith.select %eq3A_890, %broadcast_in_dim3A_893, %broadcast_in_dim3A_894 : vector<1x128xi1>, vector<1x128xf32>
      %mul3A_896 = arith.mulf %mul3A_883, %select_n3A_895 : vector<1x128xf32>
      %reduce_sum3A_897 = arith.constant dense<0.000000e+00> : vector<1xf32>
      %reduce_sum3A_898 = vector.multi_reduction <add>, %mul3A_896, %reduce_sum3A_897 [1] : vector<1x128xf32> to vector<1xf32>
      %broadcast_in_dim3A_899 = vector.shape_cast %reduce_sum3A_898 : vector<1xf32> to vector<1x1xf32>
      %mul3A_900 = vector.broadcast %broadcast_in_dim3A_899 : vector<1x1xf32> to vector<1x128xf32>
      %mul3A_901 = arith.mulf %mul3A_900, %slice3A_888 : vector<1x128xf32>
      %sub3A_902 = arith.constant 1.000000e+00 : f32
      %sub3A_903 = vector.broadcast %sub3A_902 : f32 to vector<1x128xf32>
      %sub3A_904 = arith.subf %sub3A_903, %mul3A_901 : vector<1x128xf32>
      %mul3A_905 = arith.mulf %mul3A_883, %sub3A_904 : vector<1x128xf32>
      scf.yield %mul3A_905 : vector<1x128xf32>
    }
    %scan3A_602 = arith.constant 16 : i32
    %swap3A_603 = arith.constant 0 : index
    %swap3A_604 = arith.constant 512 : index
    %swap3A_605 = vector.load %arg4[%swap3A_603, %swap3A_604] : memref<8x1024xf32, #tpu.memory_space<vmem>>, vector<1x128xf32>
    tpu.vector_store %arg4[%swap3A_603, %swap3A_604], %scan3A_601 {strides = array<i32>} : memref<8x1024xf32, #tpu.memory_space<vmem>>, vector<1x128xf32>,
    %get3A_606 = arith.constant 512 : index
    %get3A_607 = arith.constant 0 : index
    %get3A_608 = vector.load %arg3[%get3A_606, %get3A_607] : memref<1024x1024xf32, #tpu.memory_space<vmem>>, vector<128x1024xf32>
    %dot_general3A_609 = arith.constant dense<0.000000e+00> : vector<1x1024xf32>
    %dot_general3A_610 = tpu.matmul %scan3A_601, %get3A_608, %dot_general3A_609 {dimension_numbers = #tpu.dot_dimension_numbers<[1], [0], [0], [1], [0, 0, 1, 1], [], []>, precision = #tpu.contract_precision<fp32>, transpose_lhs_hint = false} : vector<1x128xf32>, vector<128x1024xf32>, vector<1x1024xf32> -> vector<1x1024xf32>
    %get3A_611 = arith.constant 0 : index
    %get3A_612 = arith.constant 0 : index
    %get3A_613 = vector.load %arg4[%get3A_611, %get3A_612] : memref<8x1024xf32, #tpu.memory_space<vmem>>, vector<1x1024xf32>
    %min3A_614 = arith.constant 1.000000e+00 : f32
    %min3A_615 = vector.broadcast %min3A_614 : f32 to vector<1x1024xf32>
    %min3A_616 = arith.minimumf %dot_general3A_610, %min3A_615 : vector<1x1024xf32>
    %sub3A_617 = arith.constant 1.000000e+00 : f32
    %sub3A_618 = vector.broadcast %sub3A_617 : f32 to vector<1x1024xf32>
    %sub3A_619 = arith.subf %sub3A_618, %min3A_616 : vector<1x1024xf32>
    %mul3A_620 = arith.mulf %get3A_613, %sub3A_619 : vector<1x1024xf32>
    %swap3A_621 = arith.constant 0 : index
    %swap3A_622 = arith.constant 0 : index
    %swap3A_623 = vector.load %arg4[%swap3A_621, %swap3A_622] : memref<8x1024xf32, #tpu.memory_space<vmem>>, vector<1x1024xf32>
    tpu.vector_store %arg4[%swap3A_621, %swap3A_622], %mul3A_620 {strides = array<i32>} : memref<8x1024xf32, #tpu.memory_space<vmem>>, vector<1x1024xf32>,
    %get3A_624 = arith.constant 0 : index
    %get3A_625 = arith.constant 640 : index
    %get3A_626 = vector.load %arg4[%get3A_624, %get3A_625] : memref<8x1024xf32, #tpu.memory_space<vmem>>, vector<1x128xf32>
    %scan3A_627 = arith.constant 0 : i32
    %scan3A_628 = arith.constant 16 : i32
    %scan3A_629 = arith.addi %scan3A_627, %scan3A_628 : i32
    %scan3A_630 = arith.constant 1 : i32
    %scan3A_631 = scf.for %scan3A_723 = %scan3A_627 to %scan3A_629 step %scan3A_630 iter_args(%scan3A_724 = %get3A_626) -> (vector<1x128xf32>)  : i32 {
      %mul3A_725 = arith.constant 8 : i32
      %mul3A_726 = arith.muli %scan3A_723, %mul3A_725 : i32
      %add3A_727 = arith.constant 640 : i32
      %add3A_728 = arith.addi %add3A_727, %mul3A_726 : i32
      %multiple_of3A = tpu.assume_multiple %add3A_728, 8 : i32
      %get3A_729 = arith.index_cast %multiple_of3A : i32 to index
      %get3A_730 = arith.constant 640 : index
      %get3A_731 = vector.load %arg3[%get3A_729, %get3A_730] : memref<1024x1024xf32, #tpu.memory_space<vmem>>, vector<8x128xf32>
      %mul3A_732 = arith.constant 8 : i32
      %mul3A_733 = arith.muli %scan3A_723, %mul3A_732 : i32
      %add3A_734 = arith.constant 0 : i32
      %add3A_735 = arith.addi %mul3A_733, %add3A_734 : i32
      %slice3A_736 = vector.extract_strided_slice %get3A_731 {offsets = [0, 0], sizes = [1, 128], strides = [1, 1]} : vector<8x128xf32> to vector<1x128xf32>
      %eq3A = vector.broadcast %add3A_735 : i32 to vector<1x128xi32>
      %eq3A_737 = arith.cmpi eq, %iota3A_475, %eq3A : vector<1x128xi32>
      %jit3A_738 = arith.constant 1.000000e+00 : f32
      %jit3A_739 = arith.constant 0.000000e+00 : f32
      %broadcast_in_dim3A_740 = vector.broadcast %jit3A_738 : f32 to vector<1x128xf32>
      %broadcast_in_dim3A_741 = vector.broadcast %jit3A_739 : f32 to vector<1x128xf32>
      %select_n3A_742 = arith.select %eq3A_737, %broadcast_in_dim3A_740, %broadcast_in_dim3A_741 : vector<1x128xi1>, vector<1x128xf32>
      %mul3A_743 = arith.mulf %scan3A_724, %select_n3A_742 : vector<1x128xf32>
      %reduce_sum3A = arith.constant dense<0.000000e+00> : vector<1xf32>
      %reduce_sum3A_744 = vector.multi_reduction <add>, %mul3A_743, %reduce_sum3A [1] : vector<1x128xf32> to vector<1xf32>
      %broadcast_in_dim3A_745 = vector.shape_cast %reduce_sum3A_744 : vector<1xf32> to vector<1x1xf32>
      %mul3A_746 = vector.broadcast %broadcast_in_dim3A_745 : vector<1x1xf32> to vector<1x128xf32>
      %mul3A_747 = arith.mulf %mul3A_746, %slice3A_736 : vector<1x128xf32>
      %sub3A_748 = arith.constant 1.000000e+00 : f32
      %sub3A_749 = vector.broadcast %sub3A_748 : f32 to vector<1x128xf32>
      %sub3A_750 = arith.subf %sub3A_749, %mul3A_747 : vector<1x128xf32>
      %mul3A_751 = arith.mulf %scan3A_724, %sub3A_750 : vector<1x128xf32>
      %mul3A_752 = arith.constant 8 : i32
      %mul3A_753 = arith.muli %scan3A_723, %mul3A_752 : i32
      %add3A_754 = arith.constant 1 : i32
      %add3A_755 = arith.addi %mul3A_753, %add3A_754 : i32
      %slice3A_756 = vector.extract_strided_slice %get3A_731 {offsets = [1, 0], sizes = [1, 128], strides = [1, 1]} : vector<8x128xf32> to vector<1x128xf32>
      %eq3A_757 = vector.broadcast %add3A_755 : i32 to vector<1x128xi32>
      %eq3A_758 = arith.cmpi eq, %iota3A_475, %eq3A_757 : vector<1x128xi32>
      %jit3A_759 = arith.constant 1.000000e+00 : f32
      %jit3A_760 = arith.constant 0.000000e+00 : f32
      %broadcast_in_dim3A_761 = vector.broadcast %jit3A_759 : f32 to vector<1x128xf32>
      %broadcast_in_dim3A_762 = vector.broadcast %jit3A_760 : f32 to vector<1x128xf32>
      %select_n3A_763 = arith.select %eq3A_758, %broadcast_in_dim3A_761, %broadcast_in_dim3A_762 : vector<1x128xi1>, vector<1x128xf32>
      %mul3A_764 = arith.mulf %mul3A_751, %select_n3A_763 : vector<1x128xf32>
      %reduce_sum3A_765 = arith.constant dense<0.000000e+00> : vector<1xf32>
      %reduce_sum3A_766 = vector.multi_reduction <add>, %mul3A_764, %reduce_sum3A_765 [1] : vector<1x128xf32> to vector<1xf32>
      %broadcast_in_dim3A_767 = vector.shape_cast %reduce_sum3A_766 : vector<1xf32> to vector<1x1xf32>
      %mul3A_768 = vector.broadcast %broadcast_in_dim3A_767 : vector<1x1xf32> to vector<1x128xf32>
      %mul3A_769 = arith.mulf %mul3A_768, %slice3A_756 : vector<1x128xf32>
      %sub3A_770 = arith.constant 1.000000e+00 : f32
      %sub3A_771 = vector.broadcast %sub3A_770 : f32 to vector<1x128xf32>
      %sub3A_772 = arith.subf %sub3A_771, %mul3A_769 : vector<1x128xf32>
      %mul3A_773 = arith.mulf %mul3A_751, %sub3A_772 : vector<1x128xf32>
      %mul3A_774 = arith.constant 8 : i32
      %mul3A_775 = arith.muli %scan3A_723, %mul3A_774 : i32
      %add3A_776 = arith.constant 2 : i32
      %add3A_777 = arith.addi %mul3A_775, %add3A_776 : i32
      %slice3A_778 = vector.extract_strided_slice %get3A_731 {offsets = [2, 0], sizes = [1, 128], strides = [1, 1]} : vector<8x128xf32> to vector<1x128xf32>
      %eq3A_779 = vector.broadcast %add3A_777 : i32 to vector<1x128xi32>
      %eq3A_780 = arith.cmpi eq, %iota3A_475, %eq3A_779 : vector<1x128xi32>
      %jit3A_781 = arith.constant 1.000000e+00 : f32
      %jit3A_782 = arith.constant 0.000000e+00 : f32
      %broadcast_in_dim3A_783 = vector.broadcast %jit3A_781 : f32 to vector<1x128xf32>
      %broadcast_in_dim3A_784 = vector.broadcast %jit3A_782 : f32 to vector<1x128xf32>
      %select_n3A_785 = arith.select %eq3A_780, %broadcast_in_dim3A_783, %broadcast_in_dim3A_784 : vector<1x128xi1>, vector<1x128xf32>
      %mul3A_786 = arith.mulf %mul3A_773, %select_n3A_785 : vector<1x128xf32>
      %reduce_sum3A_787 = arith.constant dense<0.000000e+00> : vector<1xf32>
      %reduce_sum3A_788 = vector.multi_reduction <add>, %mul3A_786, %reduce_sum3A_787 [1] : vector<1x128xf32> to vector<1xf32>
      %broadcast_in_dim3A_789 = vector.shape_cast %reduce_sum3A_788 : vector<1xf32> to vector<1x1xf32>
      %mul3A_790 = vector.broadcast %broadcast_in_dim3A_789 : vector<1x1xf32> to vector<1x128xf32>
      %mul3A_791 = arith.mulf %mul3A_790, %slice3A_778 : vector<1x128xf32>
      %sub3A_792 = arith.constant 1.000000e+00 : f32
      %sub3A_793 = vector.broadcast %sub3A_792 : f32 to vector<1x128xf32>
      %sub3A_794 = arith.subf %sub3A_793, %mul3A_791 : vector<1x128xf32>
      %mul3A_795 = arith.mulf %mul3A_773, %sub3A_794 : vector<1x128xf32>
      %mul3A_796 = arith.constant 8 : i32
      %mul3A_797 = arith.muli %scan3A_723, %mul3A_796 : i32
      %add3A_798 = arith.constant 3 : i32
      %add3A_799 = arith.addi %mul3A_797, %add3A_798 : i32
      %slice3A_800 = vector.extract_strided_slice %get3A_731 {offsets = [3, 0], sizes = [1, 128], strides = [1, 1]} : vector<8x128xf32> to vector<1x128xf32>
      %eq3A_801 = vector.broadcast %add3A_799 : i32 to vector<1x128xi32>
      %eq3A_802 = arith.cmpi eq, %iota3A_475, %eq3A_801 : vector<1x128xi32>
      %jit3A_803 = arith.constant 1.000000e+00 : f32
      %jit3A_804 = arith.constant 0.000000e+00 : f32
      %broadcast_in_dim3A_805 = vector.broadcast %jit3A_803 : f32 to vector<1x128xf32>
      %broadcast_in_dim3A_806 = vector.broadcast %jit3A_804 : f32 to vector<1x128xf32>
      %select_n3A_807 = arith.select %eq3A_802, %broadcast_in_dim3A_805, %broadcast_in_dim3A_806 : vector<1x128xi1>, vector<1x128xf32>
      %mul3A_808 = arith.mulf %mul3A_795, %select_n3A_807 : vector<1x128xf32>
      %reduce_sum3A_809 = arith.constant dense<0.000000e+00> : vector<1xf32>
      %reduce_sum3A_810 = vector.multi_reduction <add>, %mul3A_808, %reduce_sum3A_809 [1] : vector<1x128xf32> to vector<1xf32>
      %broadcast_in_dim3A_811 = vector.shape_cast %reduce_sum3A_810 : vector<1xf32> to vector<1x1xf32>
      %mul3A_812 = vector.broadcast %broadcast_in_dim3A_811 : vector<1x1xf32> to vector<1x128xf32>
      %mul3A_813 = arith.mulf %mul3A_812, %slice3A_800 : vector<1x128xf32>
      %sub3A_814 = arith.constant 1.000000e+00 : f32
      %sub3A_815 = vector.broadcast %sub3A_814 : f32 to vector<1x128xf32>
      %sub3A_816 = arith.subf %sub3A_815, %mul3A_813 : vector<1x128xf32>
      %mul3A_817 = arith.mulf %mul3A_795, %sub3A_816 : vector<1x128xf32>
      %mul3A_818 = arith.constant 8 : i32
      %mul3A_819 = arith.muli %scan3A_723, %mul3A_818 : i32
      %add3A_820 = arith.constant 4 : i32
      %add3A_821 = arith.addi %mul3A_819, %add3A_820 : i32
      %slice3A_822 = vector.extract_strided_slice %get3A_731 {offsets = [4, 0], sizes = [1, 128], strides = [1, 1]} : vector<8x128xf32> to vector<1x128xf32>
      %eq3A_823 = vector.broadcast %add3A_821 : i32 to vector<1x128xi32>
      %eq3A_824 = arith.cmpi eq, %iota3A_475, %eq3A_823 : vector<1x128xi32>
      %jit3A_825 = arith.constant 1.000000e+00 : f32
      %jit3A_826 = arith.constant 0.000000e+00 : f32
      %broadcast_in_dim3A_827 = vector.broadcast %jit3A_825 : f32 to vector<1x128xf32>
      %broadcast_in_dim3A_828 = vector.broadcast %jit3A_826 : f32 to vector<1x128xf32>
      %select_n3A_829 = arith.select %eq3A_824, %broadcast_in_dim3A_827, %broadcast_in_dim3A_828 : vector<1x128xi1>, vector<1x128xf32>
      %mul3A_830 = arith.mulf %mul3A_817, %select_n3A_829 : vector<1x128xf32>
      %reduce_sum3A_831 = arith.constant dense<0.000000e+00> : vector<1xf32>
      %reduce_sum3A_832 = vector.multi_reduction <add>, %mul3A_830, %reduce_sum3A_831 [1] : vector<1x128xf32> to vector<1xf32>
      %broadcast_in_dim3A_833 = vector.shape_cast %reduce_sum3A_832 : vector<1xf32> to vector<1x1xf32>
      %mul3A_834 = vector.broadcast %broadcast_in_dim3A_833 : vector<1x1xf32> to vector<1x128xf32>
      %mul3A_835 = arith.mulf %mul3A_834, %slice3A_822 : vector<1x128xf32>
      %sub3A_836 = arith.constant 1.000000e+00 : f32
      %sub3A_837 = vector.broadcast %sub3A_836 : f32 to vector<1x128xf32>
      %sub3A_838 = arith.subf %sub3A_837, %mul3A_835 : vector<1x128xf32>
      %mul3A_839 = arith.mulf %mul3A_817, %sub3A_838 : vector<1x128xf32>
      %mul3A_840 = arith.constant 8 : i32
      %mul3A_841 = arith.muli %scan3A_723, %mul3A_840 : i32
      %add3A_842 = arith.constant 5 : i32
      %add3A_843 = arith.addi %mul3A_841, %add3A_842 : i32
      %slice3A_844 = vector.extract_strided_slice %get3A_731 {offsets = [5, 0], sizes = [1, 128], strides = [1, 1]} : vector<8x128xf32> to vector<1x128xf32>
      %eq3A_845 = vector.broadcast %add3A_843 : i32 to vector<1x128xi32>
      %eq3A_846 = arith.cmpi eq, %iota3A_475, %eq3A_845 : vector<1x128xi32>
      %jit3A_847 = arith.constant 1.000000e+00 : f32
      %jit3A_848 = arith.constant 0.000000e+00 : f32
      %broadcast_in_dim3A_849 = vector.broadcast %jit3A_847 : f32 to vector<1x128xf32>
      %broadcast_in_dim3A_850 = vector.broadcast %jit3A_848 : f32 to vector<1x128xf32>
      %select_n3A_851 = arith.select %eq3A_846, %broadcast_in_dim3A_849, %broadcast_in_dim3A_850 : vector<1x128xi1>, vector<1x128xf32>
      %mul3A_852 = arith.mulf %mul3A_839, %select_n3A_851 : vector<1x128xf32>
      %reduce_sum3A_853 = arith.constant dense<0.000000e+00> : vector<1xf32>
      %reduce_sum3A_854 = vector.multi_reduction <add>, %mul3A_852, %reduce_sum3A_853 [1] : vector<1x128xf32> to vector<1xf32>
      %broadcast_in_dim3A_855 = vector.shape_cast %reduce_sum3A_854 : vector<1xf32> to vector<1x1xf32>
      %mul3A_856 = vector.broadcast %broadcast_in_dim3A_855 : vector<1x1xf32> to vector<1x128xf32>
      %mul3A_857 = arith.mulf %mul3A_856, %slice3A_844 : vector<1x128xf32>
      %sub3A_858 = arith.constant 1.000000e+00 : f32
      %sub3A_859 = vector.broadcast %sub3A_858 : f32 to vector<1x128xf32>
      %sub3A_860 = arith.subf %sub3A_859, %mul3A_857 : vector<1x128xf32>
      %mul3A_861 = arith.mulf %mul3A_839, %sub3A_860 : vector<1x128xf32>
      %mul3A_862 = arith.constant 8 : i32
      %mul3A_863 = arith.muli %scan3A_723, %mul3A_862 : i32
      %add3A_864 = arith.constant 6 : i32
      %add3A_865 = arith.addi %mul3A_863, %add3A_864 : i32
      %slice3A_866 = vector.extract_strided_slice %get3A_731 {offsets = [6, 0], sizes = [1, 128], strides = [1, 1]} : vector<8x128xf32> to vector<1x128xf32>
      %eq3A_867 = vector.broadcast %add3A_865 : i32 to vector<1x128xi32>
      %eq3A_868 = arith.cmpi eq, %iota3A_475, %eq3A_867 : vector<1x128xi32>
      %jit3A_869 = arith.constant 1.000000e+00 : f32
      %jit3A_870 = arith.constant 0.000000e+00 : f32
      %broadcast_in_dim3A_871 = vector.broadcast %jit3A_869 : f32 to vector<1x128xf32>
      %broadcast_in_dim3A_872 = vector.broadcast %jit3A_870 : f32 to vector<1x128xf32>
      %select_n3A_873 = arith.select %eq3A_868, %broadcast_in_dim3A_871, %broadcast_in_dim3A_872 : vector<1x128xi1>, vector<1x128xf32>
      %mul3A_874 = arith.mulf %mul3A_861, %select_n3A_873 : vector<1x128xf32>
      %reduce_sum3A_875 = arith.constant dense<0.000000e+00> : vector<1xf32>
      %reduce_sum3A_876 = vector.multi_reduction <add>, %mul3A_874, %reduce_sum3A_875 [1] : vector<1x128xf32> to vector<1xf32>
      %broadcast_in_dim3A_877 = vector.shape_cast %reduce_sum3A_876 : vector<1xf32> to vector<1x1xf32>
      %mul3A_878 = vector.broadcast %broadcast_in_dim3A_877 : vector<1x1xf32> to vector<1x128xf32>
      %mul3A_879 = arith.mulf %mul3A_878, %slice3A_866 : vector<1x128xf32>
      %sub3A_880 = arith.constant 1.000000e+00 : f32
      %sub3A_881 = vector.broadcast %sub3A_880 : f32 to vector<1x128xf32>
      %sub3A_882 = arith.subf %sub3A_881, %mul3A_879 : vector<1x128xf32>
      %mul3A_883 = arith.mulf %mul3A_861, %sub3A_882 : vector<1x128xf32>
      %mul3A_884 = arith.constant 8 : i32
      %mul3A_885 = arith.muli %scan3A_723, %mul3A_884 : i32
      %add3A_886 = arith.constant 7 : i32
      %add3A_887 = arith.addi %mul3A_885, %add3A_886 : i32
      %slice3A_888 = vector.extract_strided_slice %get3A_731 {offsets = [7, 0], sizes = [1, 128], strides = [1, 1]} : vector<8x128xf32> to vector<1x128xf32>
      %eq3A_889 = vector.broadcast %add3A_887 : i32 to vector<1x128xi32>
      %eq3A_890 = arith.cmpi eq, %iota3A_475, %eq3A_889 : vector<1x128xi32>
      %jit3A_891 = arith.constant 1.000000e+00 : f32
      %jit3A_892 = arith.constant 0.000000e+00 : f32
      %broadcast_in_dim3A_893 = vector.broadcast %jit3A_891 : f32 to vector<1x128xf32>
      %broadcast_in_dim3A_894 = vector.broadcast %jit3A_892 : f32 to vector<1x128xf32>
      %select_n3A_895 = arith.select %eq3A_890, %broadcast_in_dim3A_893, %broadcast_in_dim3A_894 : vector<1x128xi1>, vector<1x128xf32>
      %mul3A_896 = arith.mulf %mul3A_883, %select_n3A_895 : vector<1x128xf32>
      %reduce_sum3A_897 = arith.constant dense<0.000000e+00> : vector<1xf32>
      %reduce_sum3A_898 = vector.multi_reduction <add>, %mul3A_896, %reduce_sum3A_897 [1] : vector<1x128xf32> to vector<1xf32>
      %broadcast_in_dim3A_899 = vector.shape_cast %reduce_sum3A_898 : vector<1xf32> to vector<1x1xf32>
      %mul3A_900 = vector.broadcast %broadcast_in_dim3A_899 : vector<1x1xf32> to vector<1x128xf32>
      %mul3A_901 = arith.mulf %mul3A_900, %slice3A_888 : vector<1x128xf32>
      %sub3A_902 = arith.constant 1.000000e+00 : f32
      %sub3A_903 = vector.broadcast %sub3A_902 : f32 to vector<1x128xf32>
      %sub3A_904 = arith.subf %sub3A_903, %mul3A_901 : vector<1x128xf32>
      %mul3A_905 = arith.mulf %mul3A_883, %sub3A_904 : vector<1x128xf32>
      scf.yield %mul3A_905 : vector<1x128xf32>
    }
    %scan3A_632 = arith.constant 16 : i32
    %swap3A_633 = arith.constant 0 : index
    %swap3A_634 = arith.constant 640 : index
    %swap3A_635 = vector.load %arg4[%swap3A_633, %swap3A_634] : memref<8x1024xf32, #tpu.memory_space<vmem>>, vector<1x128xf32>
    tpu.vector_store %arg4[%swap3A_633, %swap3A_634], %scan3A_631 {strides = array<i32>} : memref<8x1024xf32, #tpu.memory_space<vmem>>, vector<1x128xf32>,
    %get3A_636 = arith.constant 640 : index
    %get3A_637 = arith.constant 0 : index
    %get3A_638 = vector.load %arg3[%get3A_636, %get3A_637] : memref<1024x1024xf32, #tpu.memory_space<vmem>>, vector<128x1024xf32>
    %dot_general3A_639 = arith.constant dense<0.000000e+00> : vector<1x1024xf32>
    %dot_general3A_640 = tpu.matmul %scan3A_631, %get3A_638, %dot_general3A_639 {dimension_numbers = #tpu.dot_dimension_numbers<[1], [0], [0], [1], [0, 0, 1, 1], [], []>, precision = #tpu.contract_precision<fp32>, transpose_lhs_hint = false} : vector<1x128xf32>, vector<128x1024xf32>, vector<1x1024xf32> -> vector<1x1024xf32>
    %get3A_641 = arith.constant 0 : index
    %get3A_642 = arith.constant 0 : index
    %get3A_643 = vector.load %arg4[%get3A_641, %get3A_642] : memref<8x1024xf32, #tpu.memory_space<vmem>>, vector<1x1024xf32>
    %min3A_644 = arith.constant 1.000000e+00 : f32
    %min3A_645 = vector.broadcast %min3A_644 : f32 to vector<1x1024xf32>
    %min3A_646 = arith.minimumf %dot_general3A_640, %min3A_645 : vector<1x1024xf32>
    %sub3A_647 = arith.constant 1.000000e+00 : f32
    %sub3A_648 = vector.broadcast %sub3A_647 : f32 to vector<1x1024xf32>
    %sub3A_649 = arith.subf %sub3A_648, %min3A_646 : vector<1x1024xf32>
    %mul3A_650 = arith.mulf %get3A_643, %sub3A_649 : vector<1x1024xf32>
    %swap3A_651 = arith.constant 0 : index
    %swap3A_652 = arith.constant 0 : index
    %swap3A_653 = vector.load %arg4[%swap3A_651, %swap3A_652] : memref<8x1024xf32, #tpu.memory_space<vmem>>, vector<1x1024xf32>
    tpu.vector_store %arg4[%swap3A_651, %swap3A_652], %mul3A_650 {strides = array<i32>} : memref<8x1024xf32, #tpu.memory_space<vmem>>, vector<1x1024xf32>,
    %get3A_654 = arith.constant 0 : index
    %get3A_655 = arith.constant 768 : index
    %get3A_656 = vector.load %arg4[%get3A_654, %get3A_655] : memref<8x1024xf32, #tpu.memory_space<vmem>>, vector<1x128xf32>
    %scan3A_657 = arith.constant 0 : i32
    %scan3A_658 = arith.constant 16 : i32
    %scan3A_659 = arith.addi %scan3A_657, %scan3A_658 : i32
    %scan3A_660 = arith.constant 1 : i32
    %scan3A_661 = scf.for %scan3A_723 = %scan3A_657 to %scan3A_659 step %scan3A_660 iter_args(%scan3A_724 = %get3A_656) -> (vector<1x128xf32>)  : i32 {
      %mul3A_725 = arith.constant 8 : i32
      %mul3A_726 = arith.muli %scan3A_723, %mul3A_725 : i32
      %add3A_727 = arith.constant 768 : i32
      %add3A_728 = arith.addi %add3A_727, %mul3A_726 : i32
      %multiple_of3A = tpu.assume_multiple %add3A_728, 8 : i32
      %get3A_729 = arith.index_cast %multiple_of3A : i32 to index
      %get3A_730 = arith.constant 768 : index
      %get3A_731 = vector.load %arg3[%get3A_729, %get3A_730] : memref<1024x1024xf32, #tpu.memory_space<vmem>>, vector<8x128xf32>
      %mul3A_732 = arith.constant 8 : i32
      %mul3A_733 = arith.muli %scan3A_723, %mul3A_732 : i32
      %add3A_734 = arith.constant 0 : i32
      %add3A_735 = arith.addi %mul3A_733, %add3A_734 : i32
      %slice3A_736 = vector.extract_strided_slice %get3A_731 {offsets = [0, 0], sizes = [1, 128], strides = [1, 1]} : vector<8x128xf32> to vector<1x128xf32>
      %eq3A = vector.broadcast %add3A_735 : i32 to vector<1x128xi32>
      %eq3A_737 = arith.cmpi eq, %iota3A_475, %eq3A : vector<1x128xi32>
      %jit3A_738 = arith.constant 1.000000e+00 : f32
      %jit3A_739 = arith.constant 0.000000e+00 : f32
      %broadcast_in_dim3A_740 = vector.broadcast %jit3A_738 : f32 to vector<1x128xf32>
      %broadcast_in_dim3A_741 = vector.broadcast %jit3A_739 : f32 to vector<1x128xf32>
      %select_n3A_742 = arith.select %eq3A_737, %broadcast_in_dim3A_740, %broadcast_in_dim3A_741 : vector<1x128xi1>, vector<1x128xf32>
      %mul3A_743 = arith.mulf %scan3A_724, %select_n3A_742 : vector<1x128xf32>
      %reduce_sum3A = arith.constant dense<0.000000e+00> : vector<1xf32>
      %reduce_sum3A_744 = vector.multi_reduction <add>, %mul3A_743, %reduce_sum3A [1] : vector<1x128xf32> to vector<1xf32>
      %broadcast_in_dim3A_745 = vector.shape_cast %reduce_sum3A_744 : vector<1xf32> to vector<1x1xf32>
      %mul3A_746 = vector.broadcast %broadcast_in_dim3A_745 : vector<1x1xf32> to vector<1x128xf32>
      %mul3A_747 = arith.mulf %mul3A_746, %slice3A_736 : vector<1x128xf32>
      %sub3A_748 = arith.constant 1.000000e+00 : f32
      %sub3A_749 = vector.broadcast %sub3A_748 : f32 to vector<1x128xf32>
      %sub3A_750 = arith.subf %sub3A_749, %mul3A_747 : vector<1x128xf32>
      %mul3A_751 = arith.mulf %scan3A_724, %sub3A_750 : vector<1x128xf32>
      %mul3A_752 = arith.constant 8 : i32
      %mul3A_753 = arith.muli %scan3A_723, %mul3A_752 : i32
      %add3A_754 = arith.constant 1 : i32
      %add3A_755 = arith.addi %mul3A_753, %add3A_754 : i32
      %slice3A_756 = vector.extract_strided_slice %get3A_731 {offsets = [1, 0], sizes = [1, 128], strides = [1, 1]} : vector<8x128xf32> to vector<1x128xf32>
      %eq3A_757 = vector.broadcast %add3A_755 : i32 to vector<1x128xi32>
      %eq3A_758 = arith.cmpi eq, %iota3A_475, %eq3A_757 : vector<1x128xi32>
      %jit3A_759 = arith.constant 1.000000e+00 : f32
      %jit3A_760 = arith.constant 0.000000e+00 : f32
      %broadcast_in_dim3A_761 = vector.broadcast %jit3A_759 : f32 to vector<1x128xf32>
      %broadcast_in_dim3A_762 = vector.broadcast %jit3A_760 : f32 to vector<1x128xf32>
      %select_n3A_763 = arith.select %eq3A_758, %broadcast_in_dim3A_761, %broadcast_in_dim3A_762 : vector<1x128xi1>, vector<1x128xf32>
      %mul3A_764 = arith.mulf %mul3A_751, %select_n3A_763 : vector<1x128xf32>
      %reduce_sum3A_765 = arith.constant dense<0.000000e+00> : vector<1xf32>
      %reduce_sum3A_766 = vector.multi_reduction <add>, %mul3A_764, %reduce_sum3A_765 [1] : vector<1x128xf32> to vector<1xf32>
      %broadcast_in_dim3A_767 = vector.shape_cast %reduce_sum3A_766 : vector<1xf32> to vector<1x1xf32>
      %mul3A_768 = vector.broadcast %broadcast_in_dim3A_767 : vector<1x1xf32> to vector<1x128xf32>
      %mul3A_769 = arith.mulf %mul3A_768, %slice3A_756 : vector<1x128xf32>
      %sub3A_770 = arith.constant 1.000000e+00 : f32
      %sub3A_771 = vector.broadcast %sub3A_770 : f32 to vector<1x128xf32>
      %sub3A_772 = arith.subf %sub3A_771, %mul3A_769 : vector<1x128xf32>
      %mul3A_773 = arith.mulf %mul3A_751, %sub3A_772 : vector<1x128xf32>
      %mul3A_774 = arith.constant 8 : i32
      %mul3A_775 = arith.muli %scan3A_723, %mul3A_774 : i32
      %add3A_776 = arith.constant 2 : i32
      %add3A_777 = arith.addi %mul3A_775, %add3A_776 : i32
      %slice3A_778 = vector.extract_strided_slice %get3A_731 {offsets = [2, 0], sizes = [1, 128], strides = [1, 1]} : vector<8x128xf32> to vector<1x128xf32>
      %eq3A_779 = vector.broadcast %add3A_777 : i32 to vector<1x128xi32>
      %eq3A_780 = arith.cmpi eq, %iota3A_475, %eq3A_779 : vector<1x128xi32>
      %jit3A_781 = arith.constant 1.000000e+00 : f32
      %jit3A_782 = arith.constant 0.000000e+00 : f32
      %broadcast_in_dim3A_783 = vector.broadcast %jit3A_781 : f32 to vector<1x128xf32>
      %broadcast_in_dim3A_784 = vector.broadcast %jit3A_782 : f32 to vector<1x128xf32>
      %select_n3A_785 = arith.select %eq3A_780, %broadcast_in_dim3A_783, %broadcast_in_dim3A_784 : vector<1x128xi1>, vector<1x128xf32>
      %mul3A_786 = arith.mulf %mul3A_773, %select_n3A_785 : vector<1x128xf32>
      %reduce_sum3A_787 = arith.constant dense<0.000000e+00> : vector<1xf32>
      %reduce_sum3A_788 = vector.multi_reduction <add>, %mul3A_786, %reduce_sum3A_787 [1] : vector<1x128xf32> to vector<1xf32>
      %broadcast_in_dim3A_789 = vector.shape_cast %reduce_sum3A_788 : vector<1xf32> to vector<1x1xf32>
      %mul3A_790 = vector.broadcast %broadcast_in_dim3A_789 : vector<1x1xf32> to vector<1x128xf32>
      %mul3A_791 = arith.mulf %mul3A_790, %slice3A_778 : vector<1x128xf32>
      %sub3A_792 = arith.constant 1.000000e+00 : f32
      %sub3A_793 = vector.broadcast %sub3A_792 : f32 to vector<1x128xf32>
      %sub3A_794 = arith.subf %sub3A_793, %mul3A_791 : vector<1x128xf32>
      %mul3A_795 = arith.mulf %mul3A_773, %sub3A_794 : vector<1x128xf32>
      %mul3A_796 = arith.constant 8 : i32
      %mul3A_797 = arith.muli %scan3A_723, %mul3A_796 : i32
      %add3A_798 = arith.constant 3 : i32
      %add3A_799 = arith.addi %mul3A_797, %add3A_798 : i32
      %slice3A_800 = vector.extract_strided_slice %get3A_731 {offsets = [3, 0], sizes = [1, 128], strides = [1, 1]} : vector<8x128xf32> to vector<1x128xf32>
      %eq3A_801 = vector.broadcast %add3A_799 : i32 to vector<1x128xi32>
      %eq3A_802 = arith.cmpi eq, %iota3A_475, %eq3A_801 : vector<1x128xi32>
      %jit3A_803 = arith.constant 1.000000e+00 : f32
      %jit3A_804 = arith.constant 0.000000e+00 : f32
      %broadcast_in_dim3A_805 = vector.broadcast %jit3A_803 : f32 to vector<1x128xf32>
      %broadcast_in_dim3A_806 = vector.broadcast %jit3A_804 : f32 to vector<1x128xf32>
      %select_n3A_807 = arith.select %eq3A_802, %broadcast_in_dim3A_805, %broadcast_in_dim3A_806 : vector<1x128xi1>, vector<1x128xf32>
      %mul3A_808 = arith.mulf %mul3A_795, %select_n3A_807 : vector<1x128xf32>
      %reduce_sum3A_809 = arith.constant dense<0.000000e+00> : vector<1xf32>
      %reduce_sum3A_810 = vector.multi_reduction <add>, %mul3A_808, %reduce_sum3A_809 [1] : vector<1x128xf32> to vector<1xf32>
      %broadcast_in_dim3A_811 = vector.shape_cast %reduce_sum3A_810 : vector<1xf32> to vector<1x1xf32>
      %mul3A_812 = vector.broadcast %broadcast_in_dim3A_811 : vector<1x1xf32> to vector<1x128xf32>
      %mul3A_813 = arith.mulf %mul3A_812, %slice3A_800 : vector<1x128xf32>
      %sub3A_814 = arith.constant 1.000000e+00 : f32
      %sub3A_815 = vector.broadcast %sub3A_814 : f32 to vector<1x128xf32>
      %sub3A_816 = arith.subf %sub3A_815, %mul3A_813 : vector<1x128xf32>
      %mul3A_817 = arith.mulf %mul3A_795, %sub3A_816 : vector<1x128xf32>
      %mul3A_818 = arith.constant 8 : i32
      %mul3A_819 = arith.muli %scan3A_723, %mul3A_818 : i32
      %add3A_820 = arith.constant 4 : i32
      %add3A_821 = arith.addi %mul3A_819, %add3A_820 : i32
      %slice3A_822 = vector.extract_strided_slice %get3A_731 {offsets = [4, 0], sizes = [1, 128], strides = [1, 1]} : vector<8x128xf32> to vector<1x128xf32>
      %eq3A_823 = vector.broadcast %add3A_821 : i32 to vector<1x128xi32>
      %eq3A_824 = arith.cmpi eq, %iota3A_475, %eq3A_823 : vector<1x128xi32>
      %jit3A_825 = arith.constant 1.000000e+00 : f32
      %jit3A_826 = arith.constant 0.000000e+00 : f32
      %broadcast_in_dim3A_827 = vector.broadcast %jit3A_825 : f32 to vector<1x128xf32>
      %broadcast_in_dim3A_828 = vector.broadcast %jit3A_826 : f32 to vector<1x128xf32>
      %select_n3A_829 = arith.select %eq3A_824, %broadcast_in_dim3A_827, %broadcast_in_dim3A_828 : vector<1x128xi1>, vector<1x128xf32>
      %mul3A_830 = arith.mulf %mul3A_817, %select_n3A_829 : vector<1x128xf32>
      %reduce_sum3A_831 = arith.constant dense<0.000000e+00> : vector<1xf32>
      %reduce_sum3A_832 = vector.multi_reduction <add>, %mul3A_830, %reduce_sum3A_831 [1] : vector<1x128xf32> to vector<1xf32>
      %broadcast_in_dim3A_833 = vector.shape_cast %reduce_sum3A_832 : vector<1xf32> to vector<1x1xf32>
      %mul3A_834 = vector.broadcast %broadcast_in_dim3A_833 : vector<1x1xf32> to vector<1x128xf32>
      %mul3A_835 = arith.mulf %mul3A_834, %slice3A_822 : vector<1x128xf32>
      %sub3A_836 = arith.constant 1.000000e+00 : f32
      %sub3A_837 = vector.broadcast %sub3A_836 : f32 to vector<1x128xf32>
      %sub3A_838 = arith.subf %sub3A_837, %mul3A_835 : vector<1x128xf32>
      %mul3A_839 = arith.mulf %mul3A_817, %sub3A_838 : vector<1x128xf32>
      %mul3A_840 = arith.constant 8 : i32
      %mul3A_841 = arith.muli %scan3A_723, %mul3A_840 : i32
      %add3A_842 = arith.constant 5 : i32
      %add3A_843 = arith.addi %mul3A_841, %add3A_842 : i32
      %slice3A_844 = vector.extract_strided_slice %get3A_731 {offsets = [5, 0], sizes = [1, 128], strides = [1, 1]} : vector<8x128xf32> to vector<1x128xf32>
      %eq3A_845 = vector.broadcast %add3A_843 : i32 to vector<1x128xi32>
      %eq3A_846 = arith.cmpi eq, %iota3A_475, %eq3A_845 : vector<1x128xi32>
      %jit3A_847 = arith.constant 1.000000e+00 : f32
      %jit3A_848 = arith.constant 0.000000e+00 : f32
      %broadcast_in_dim3A_849 = vector.broadcast %jit3A_847 : f32 to vector<1x128xf32>
      %broadcast_in_dim3A_850 = vector.broadcast %jit3A_848 : f32 to vector<1x128xf32>
      %select_n3A_851 = arith.select %eq3A_846, %broadcast_in_dim3A_849, %broadcast_in_dim3A_850 : vector<1x128xi1>, vector<1x128xf32>
      %mul3A_852 = arith.mulf %mul3A_839, %select_n3A_851 : vector<1x128xf32>
      %reduce_sum3A_853 = arith.constant dense<0.000000e+00> : vector<1xf32>
      %reduce_sum3A_854 = vector.multi_reduction <add>, %mul3A_852, %reduce_sum3A_853 [1] : vector<1x128xf32> to vector<1xf32>
      %broadcast_in_dim3A_855 = vector.shape_cast %reduce_sum3A_854 : vector<1xf32> to vector<1x1xf32>
      %mul3A_856 = vector.broadcast %broadcast_in_dim3A_855 : vector<1x1xf32> to vector<1x128xf32>
      %mul3A_857 = arith.mulf %mul3A_856, %slice3A_844 : vector<1x128xf32>
      %sub3A_858 = arith.constant 1.000000e+00 : f32
      %sub3A_859 = vector.broadcast %sub3A_858 : f32 to vector<1x128xf32>
      %sub3A_860 = arith.subf %sub3A_859, %mul3A_857 : vector<1x128xf32>
      %mul3A_861 = arith.mulf %mul3A_839, %sub3A_860 : vector<1x128xf32>
      %mul3A_862 = arith.constant 8 : i32
      %mul3A_863 = arith.muli %scan3A_723, %mul3A_862 : i32
      %add3A_864 = arith.constant 6 : i32
      %add3A_865 = arith.addi %mul3A_863, %add3A_864 : i32
      %slice3A_866 = vector.extract_strided_slice %get3A_731 {offsets = [6, 0], sizes = [1, 128], strides = [1, 1]} : vector<8x128xf32> to vector<1x128xf32>
      %eq3A_867 = vector.broadcast %add3A_865 : i32 to vector<1x128xi32>
      %eq3A_868 = arith.cmpi eq, %iota3A_475, %eq3A_867 : vector<1x128xi32>
      %jit3A_869 = arith.constant 1.000000e+00 : f32
      %jit3A_870 = arith.constant 0.000000e+00 : f32
      %broadcast_in_dim3A_871 = vector.broadcast %jit3A_869 : f32 to vector<1x128xf32>
      %broadcast_in_dim3A_872 = vector.broadcast %jit3A_870 : f32 to vector<1x128xf32>
      %select_n3A_873 = arith.select %eq3A_868, %broadcast_in_dim3A_871, %broadcast_in_dim3A_872 : vector<1x128xi1>, vector<1x128xf32>
      %mul3A_874 = arith.mulf %mul3A_861, %select_n3A_873 : vector<1x128xf32>
      %reduce_sum3A_875 = arith.constant dense<0.000000e+00> : vector<1xf32>
      %reduce_sum3A_876 = vector.multi_reduction <add>, %mul3A_874, %reduce_sum3A_875 [1] : vector<1x128xf32> to vector<1xf32>
      %broadcast_in_dim3A_877 = vector.shape_cast %reduce_sum3A_876 : vector<1xf32> to vector<1x1xf32>
      %mul3A_878 = vector.broadcast %broadcast_in_dim3A_877 : vector<1x1xf32> to vector<1x128xf32>
      %mul3A_879 = arith.mulf %mul3A_878, %slice3A_866 : vector<1x128xf32>
      %sub3A_880 = arith.constant 1.000000e+00 : f32
      %sub3A_881 = vector.broadcast %sub3A_880 : f32 to vector<1x128xf32>
      %sub3A_882 = arith.subf %sub3A_881, %mul3A_879 : vector<1x128xf32>
      %mul3A_883 = arith.mulf %mul3A_861, %sub3A_882 : vector<1x128xf32>
      %mul3A_884 = arith.constant 8 : i32
      %mul3A_885 = arith.muli %scan3A_723, %mul3A_884 : i32
      %add3A_886 = arith.constant 7 : i32
      %add3A_887 = arith.addi %mul3A_885, %add3A_886 : i32
      %slice3A_888 = vector.extract_strided_slice %get3A_731 {offsets = [7, 0], sizes = [1, 128], strides = [1, 1]} : vector<8x128xf32> to vector<1x128xf32>
      %eq3A_889 = vector.broadcast %add3A_887 : i32 to vector<1x128xi32>
      %eq3A_890 = arith.cmpi eq, %iota3A_475, %eq3A_889 : vector<1x128xi32>
      %jit3A_891 = arith.constant 1.000000e+00 : f32
      %jit3A_892 = arith.constant 0.000000e+00 : f32
      %broadcast_in_dim3A_893 = vector.broadcast %jit3A_891 : f32 to vector<1x128xf32>
      %broadcast_in_dim3A_894 = vector.broadcast %jit3A_892 : f32 to vector<1x128xf32>
      %select_n3A_895 = arith.select %eq3A_890, %broadcast_in_dim3A_893, %broadcast_in_dim3A_894 : vector<1x128xi1>, vector<1x128xf32>
      %mul3A_896 = arith.mulf %mul3A_883, %select_n3A_895 : vector<1x128xf32>
      %reduce_sum3A_897 = arith.constant dense<0.000000e+00> : vector<1xf32>
      %reduce_sum3A_898 = vector.multi_reduction <add>, %mul3A_896, %reduce_sum3A_897 [1] : vector<1x128xf32> to vector<1xf32>
      %broadcast_in_dim3A_899 = vector.shape_cast %reduce_sum3A_898 : vector<1xf32> to vector<1x1xf32>
      %mul3A_900 = vector.broadcast %broadcast_in_dim3A_899 : vector<1x1xf32> to vector<1x128xf32>
      %mul3A_901 = arith.mulf %mul3A_900, %slice3A_888 : vector<1x128xf32>
      %sub3A_902 = arith.constant 1.000000e+00 : f32
      %sub3A_903 = vector.broadcast %sub3A_902 : f32 to vector<1x128xf32>
      %sub3A_904 = arith.subf %sub3A_903, %mul3A_901 : vector<1x128xf32>
      %mul3A_905 = arith.mulf %mul3A_883, %sub3A_904 : vector<1x128xf32>
      scf.yield %mul3A_905 : vector<1x128xf32>
    }
    %scan3A_662 = arith.constant 16 : i32
    %swap3A_663 = arith.constant 0 : index
    %swap3A_664 = arith.constant 768 : index
    %swap3A_665 = vector.load %arg4[%swap3A_663, %swap3A_664] : memref<8x1024xf32, #tpu.memory_space<vmem>>, vector<1x128xf32>
    tpu.vector_store %arg4[%swap3A_663, %swap3A_664], %scan3A_661 {strides = array<i32>} : memref<8x1024xf32, #tpu.memory_space<vmem>>, vector<1x128xf32>,
    %get3A_666 = arith.constant 768 : index
    %get3A_667 = arith.constant 0 : index
    %get3A_668 = vector.load %arg3[%get3A_666, %get3A_667] : memref<1024x1024xf32, #tpu.memory_space<vmem>>, vector<128x1024xf32>
    %dot_general3A_669 = arith.constant dense<0.000000e+00> : vector<1x1024xf32>
    %dot_general3A_670 = tpu.matmul %scan3A_661, %get3A_668, %dot_general3A_669 {dimension_numbers = #tpu.dot_dimension_numbers<[1], [0], [0], [1], [0, 0, 1, 1], [], []>, precision = #tpu.contract_precision<fp32>, transpose_lhs_hint = false} : vector<1x128xf32>, vector<128x1024xf32>, vector<1x1024xf32> -> vector<1x1024xf32>
    %get3A_671 = arith.constant 0 : index
    %get3A_672 = arith.constant 0 : index
    %get3A_673 = vector.load %arg4[%get3A_671, %get3A_672] : memref<8x1024xf32, #tpu.memory_space<vmem>>, vector<1x1024xf32>
    %min3A_674 = arith.constant 1.000000e+00 : f32
    %min3A_675 = vector.broadcast %min3A_674 : f32 to vector<1x1024xf32>
    %min3A_676 = arith.minimumf %dot_general3A_670, %min3A_675 : vector<1x1024xf32>
    %sub3A_677 = arith.constant 1.000000e+00 : f32
    %sub3A_678 = vector.broadcast %sub3A_677 : f32 to vector<1x1024xf32>
    %sub3A_679 = arith.subf %sub3A_678, %min3A_676 : vector<1x1024xf32>
    %mul3A_680 = arith.mulf %get3A_673, %sub3A_679 : vector<1x1024xf32>
    %swap3A_681 = arith.constant 0 : index
    %swap3A_682 = arith.constant 0 : index
    %swap3A_683 = vector.load %arg4[%swap3A_681, %swap3A_682] : memref<8x1024xf32, #tpu.memory_space<vmem>>, vector<1x1024xf32>
    tpu.vector_store %arg4[%swap3A_681, %swap3A_682], %mul3A_680 {strides = array<i32>} : memref<8x1024xf32, #tpu.memory_space<vmem>>, vector<1x1024xf32>,
    %get3A_684 = arith.constant 0 : index
    %get3A_685 = arith.constant 896 : index
    %get3A_686 = vector.load %arg4[%get3A_684, %get3A_685] : memref<8x1024xf32, #tpu.memory_space<vmem>>, vector<1x128xf32>
    %scan3A_687 = arith.constant 0 : i32
    %scan3A_688 = arith.constant 16 : i32
    %scan3A_689 = arith.addi %scan3A_687, %scan3A_688 : i32
    %scan3A_690 = arith.constant 1 : i32
    %scan3A_691 = scf.for %scan3A_723 = %scan3A_687 to %scan3A_689 step %scan3A_690 iter_args(%scan3A_724 = %get3A_686) -> (vector<1x128xf32>)  : i32 {
      %mul3A_725 = arith.constant 8 : i32
      %mul3A_726 = arith.muli %scan3A_723, %mul3A_725 : i32
      %add3A_727 = arith.constant 896 : i32
      %add3A_728 = arith.addi %add3A_727, %mul3A_726 : i32
      %multiple_of3A = tpu.assume_multiple %add3A_728, 8 : i32
      %get3A_729 = arith.index_cast %multiple_of3A : i32 to index
      %get3A_730 = arith.constant 896 : index
      %get3A_731 = vector.load %arg3[%get3A_729, %get3A_730] : memref<1024x1024xf32, #tpu.memory_space<vmem>>, vector<8x128xf32>
      %mul3A_732 = arith.constant 8 : i32
      %mul3A_733 = arith.muli %scan3A_723, %mul3A_732 : i32
      %add3A_734 = arith.constant 0 : i32
      %add3A_735 = arith.addi %mul3A_733, %add3A_734 : i32
      %slice3A_736 = vector.extract_strided_slice %get3A_731 {offsets = [0, 0], sizes = [1, 128], strides = [1, 1]} : vector<8x128xf32> to vector<1x128xf32>
      %eq3A = vector.broadcast %add3A_735 : i32 to vector<1x128xi32>
      %eq3A_737 = arith.cmpi eq, %iota3A_475, %eq3A : vector<1x128xi32>
      %jit3A_738 = arith.constant 1.000000e+00 : f32
      %jit3A_739 = arith.constant 0.000000e+00 : f32
      %broadcast_in_dim3A_740 = vector.broadcast %jit3A_738 : f32 to vector<1x128xf32>
      %broadcast_in_dim3A_741 = vector.broadcast %jit3A_739 : f32 to vector<1x128xf32>
      %select_n3A_742 = arith.select %eq3A_737, %broadcast_in_dim3A_740, %broadcast_in_dim3A_741 : vector<1x128xi1>, vector<1x128xf32>
      %mul3A_743 = arith.mulf %scan3A_724, %select_n3A_742 : vector<1x128xf32>
      %reduce_sum3A = arith.constant dense<0.000000e+00> : vector<1xf32>
      %reduce_sum3A_744 = vector.multi_reduction <add>, %mul3A_743, %reduce_sum3A [1] : vector<1x128xf32> to vector<1xf32>
      %broadcast_in_dim3A_745 = vector.shape_cast %reduce_sum3A_744 : vector<1xf32> to vector<1x1xf32>
      %mul3A_746 = vector.broadcast %broadcast_in_dim3A_745 : vector<1x1xf32> to vector<1x128xf32>
      %mul3A_747 = arith.mulf %mul3A_746, %slice3A_736 : vector<1x128xf32>
      %sub3A_748 = arith.constant 1.000000e+00 : f32
      %sub3A_749 = vector.broadcast %sub3A_748 : f32 to vector<1x128xf32>
      %sub3A_750 = arith.subf %sub3A_749, %mul3A_747 : vector<1x128xf32>
      %mul3A_751 = arith.mulf %scan3A_724, %sub3A_750 : vector<1x128xf32>
      %mul3A_752 = arith.constant 8 : i32
      %mul3A_753 = arith.muli %scan3A_723, %mul3A_752 : i32
      %add3A_754 = arith.constant 1 : i32
      %add3A_755 = arith.addi %mul3A_753, %add3A_754 : i32
      %slice3A_756 = vector.extract_strided_slice %get3A_731 {offsets = [1, 0], sizes = [1, 128], strides = [1, 1]} : vector<8x128xf32> to vector<1x128xf32>
      %eq3A_757 = vector.broadcast %add3A_755 : i32 to vector<1x128xi32>
      %eq3A_758 = arith.cmpi eq, %iota3A_475, %eq3A_757 : vector<1x128xi32>
      %jit3A_759 = arith.constant 1.000000e+00 : f32
      %jit3A_760 = arith.constant 0.000000e+00 : f32
      %broadcast_in_dim3A_761 = vector.broadcast %jit3A_759 : f32 to vector<1x128xf32>
      %broadcast_in_dim3A_762 = vector.broadcast %jit3A_760 : f32 to vector<1x128xf32>
      %select_n3A_763 = arith.select %eq3A_758, %broadcast_in_dim3A_761, %broadcast_in_dim3A_762 : vector<1x128xi1>, vector<1x128xf32>
      %mul3A_764 = arith.mulf %mul3A_751, %select_n3A_763 : vector<1x128xf32>
      %reduce_sum3A_765 = arith.constant dense<0.000000e+00> : vector<1xf32>
      %reduce_sum3A_766 = vector.multi_reduction <add>, %mul3A_764, %reduce_sum3A_765 [1] : vector<1x128xf32> to vector<1xf32>
      %broadcast_in_dim3A_767 = vector.shape_cast %reduce_sum3A_766 : vector<1xf32> to vector<1x1xf32>
      %mul3A_768 = vector.broadcast %broadcast_in_dim3A_767 : vector<1x1xf32> to vector<1x128xf32>
      %mul3A_769 = arith.mulf %mul3A_768, %slice3A_756 : vector<1x128xf32>
      %sub3A_770 = arith.constant 1.000000e+00 : f32
      %sub3A_771 = vector.broadcast %sub3A_770 : f32 to vector<1x128xf32>
      %sub3A_772 = arith.subf %sub3A_771, %mul3A_769 : vector<1x128xf32>
      %mul3A_773 = arith.mulf %mul3A_751, %sub3A_772 : vector<1x128xf32>
      %mul3A_774 = arith.constant 8 : i32
      %mul3A_775 = arith.muli %scan3A_723, %mul3A_774 : i32
      %add3A_776 = arith.constant 2 : i32
      %add3A_777 = arith.addi %mul3A_775, %add3A_776 : i32
      %slice3A_778 = vector.extract_strided_slice %get3A_731 {offsets = [2, 0], sizes = [1, 128], strides = [1, 1]} : vector<8x128xf32> to vector<1x128xf32>
      %eq3A_779 = vector.broadcast %add3A_777 : i32 to vector<1x128xi32>
      %eq3A_780 = arith.cmpi eq, %iota3A_475, %eq3A_779 : vector<1x128xi32>
      %jit3A_781 = arith.constant 1.000000e+00 : f32
      %jit3A_782 = arith.constant 0.000000e+00 : f32
      %broadcast_in_dim3A_783 = vector.broadcast %jit3A_781 : f32 to vector<1x128xf32>
      %broadcast_in_dim3A_784 = vector.broadcast %jit3A_782 : f32 to vector<1x128xf32>
      %select_n3A_785 = arith.select %eq3A_780, %broadcast_in_dim3A_783, %broadcast_in_dim3A_784 : vector<1x128xi1>, vector<1x128xf32>
      %mul3A_786 = arith.mulf %mul3A_773, %select_n3A_785 : vector<1x128xf32>
      %reduce_sum3A_787 = arith.constant dense<0.000000e+00> : vector<1xf32>
      %reduce_sum3A_788 = vector.multi_reduction <add>, %mul3A_786, %reduce_sum3A_787 [1] : vector<1x128xf32> to vector<1xf32>
      %broadcast_in_dim3A_789 = vector.shape_cast %reduce_sum3A_788 : vector<1xf32> to vector<1x1xf32>
      %mul3A_790 = vector.broadcast %broadcast_in_dim3A_789 : vector<1x1xf32> to vector<1x128xf32>
      %mul3A_791 = arith.mulf %mul3A_790, %slice3A_778 : vector<1x128xf32>
      %sub3A_792 = arith.constant 1.000000e+00 : f32
      %sub3A_793 = vector.broadcast %sub3A_792 : f32 to vector<1x128xf32>
      %sub3A_794 = arith.subf %sub3A_793, %mul3A_791 : vector<1x128xf32>
      %mul3A_795 = arith.mulf %mul3A_773, %sub3A_794 : vector<1x128xf32>
      %mul3A_796 = arith.constant 8 : i32
      %mul3A_797 = arith.muli %scan3A_723, %mul3A_796 : i32
      %add3A_798 = arith.constant 3 : i32
      %add3A_799 = arith.addi %mul3A_797, %add3A_798 : i32
      %slice3A_800 = vector.extract_strided_slice %get3A_731 {offsets = [3, 0], sizes = [1, 128], strides = [1, 1]} : vector<8x128xf32> to vector<1x128xf32>
      %eq3A_801 = vector.broadcast %add3A_799 : i32 to vector<1x128xi32>
      %eq3A_802 = arith.cmpi eq, %iota3A_475, %eq3A_801 : vector<1x128xi32>
      %jit3A_803 = arith.constant 1.000000e+00 : f32
      %jit3A_804 = arith.constant 0.000000e+00 : f32
      %broadcast_in_dim3A_805 = vector.broadcast %jit3A_803 : f32 to vector<1x128xf32>
      %broadcast_in_dim3A_806 = vector.broadcast %jit3A_804 : f32 to vector<1x128xf32>
      %select_n3A_807 = arith.select %eq3A_802, %broadcast_in_dim3A_805, %broadcast_in_dim3A_806 : vector<1x128xi1>, vector<1x128xf32>
      %mul3A_808 = arith.mulf %mul3A_795, %select_n3A_807 : vector<1x128xf32>
      %reduce_sum3A_809 = arith.constant dense<0.000000e+00> : vector<1xf32>
      %reduce_sum3A_810 = vector.multi_reduction <add>, %mul3A_808, %reduce_sum3A_809 [1] : vector<1x128xf32> to vector<1xf32>
      %broadcast_in_dim3A_811 = vector.shape_cast %reduce_sum3A_810 : vector<1xf32> to vector<1x1xf32>
      %mul3A_812 = vector.broadcast %broadcast_in_dim3A_811 : vector<1x1xf32> to vector<1x128xf32>
      %mul3A_813 = arith.mulf %mul3A_812, %slice3A_800 : vector<1x128xf32>
      %sub3A_814 = arith.constant 1.000000e+00 : f32
      %sub3A_815 = vector.broadcast %sub3A_814 : f32 to vector<1x128xf32>
      %sub3A_816 = arith.subf %sub3A_815, %mul3A_813 : vector<1x128xf32>
      %mul3A_817 = arith.mulf %mul3A_795, %sub3A_816 : vector<1x128xf32>
      %mul3A_818 = arith.constant 8 : i32
      %mul3A_819 = arith.muli %scan3A_723, %mul3A_818 : i32
      %add3A_820 = arith.constant 4 : i32
      %add3A_821 = arith.addi %mul3A_819, %add3A_820 : i32
      %slice3A_822 = vector.extract_strided_slice %get3A_731 {offsets = [4, 0], sizes = [1, 128], strides = [1, 1]} : vector<8x128xf32> to vector<1x128xf32>
      %eq3A_823 = vector.broadcast %add3A_821 : i32 to vector<1x128xi32>
      %eq3A_824 = arith.cmpi eq, %iota3A_475, %eq3A_823 : vector<1x128xi32>
      %jit3A_825 = arith.constant 1.000000e+00 : f32
      %jit3A_826 = arith.constant 0.000000e+00 : f32
      %broadcast_in_dim3A_827 = vector.broadcast %jit3A_825 : f32 to vector<1x128xf32>
      %broadcast_in_dim3A_828 = vector.broadcast %jit3A_826 : f32 to vector<1x128xf32>
      %select_n3A_829 = arith.select %eq3A_824, %broadcast_in_dim3A_827, %broadcast_in_dim3A_828 : vector<1x128xi1>, vector<1x128xf32>
      %mul3A_830 = arith.mulf %mul3A_817, %select_n3A_829 : vector<1x128xf32>
      %reduce_sum3A_831 = arith.constant dense<0.000000e+00> : vector<1xf32>
      %reduce_sum3A_832 = vector.multi_reduction <add>, %mul3A_830, %reduce_sum3A_831 [1] : vector<1x128xf32> to vector<1xf32>
      %broadcast_in_dim3A_833 = vector.shape_cast %reduce_sum3A_832 : vector<1xf32> to vector<1x1xf32>
      %mul3A_834 = vector.broadcast %broadcast_in_dim3A_833 : vector<1x1xf32> to vector<1x128xf32>
      %mul3A_835 = arith.mulf %mul3A_834, %slice3A_822 : vector<1x128xf32>
      %sub3A_836 = arith.constant 1.000000e+00 : f32
      %sub3A_837 = vector.broadcast %sub3A_836 : f32 to vector<1x128xf32>
      %sub3A_838 = arith.subf %sub3A_837, %mul3A_835 : vector<1x128xf32>
      %mul3A_839 = arith.mulf %mul3A_817, %sub3A_838 : vector<1x128xf32>
      %mul3A_840 = arith.constant 8 : i32
      %mul3A_841 = arith.muli %scan3A_723, %mul3A_840 : i32
      %add3A_842 = arith.constant 5 : i32
      %add3A_843 = arith.addi %mul3A_841, %add3A_842 : i32
      %slice3A_844 = vector.extract_strided_slice %get3A_731 {offsets = [5, 0], sizes = [1, 128], strides = [1, 1]} : vector<8x128xf32> to vector<1x128xf32>
      %eq3A_845 = vector.broadcast %add3A_843 : i32 to vector<1x128xi32>
      %eq3A_846 = arith.cmpi eq, %iota3A_475, %eq3A_845 : vector<1x128xi32>
      %jit3A_847 = arith.constant 1.000000e+00 : f32
      %jit3A_848 = arith.constant 0.000000e+00 : f32
      %broadcast_in_dim3A_849 = vector.broadcast %jit3A_847 : f32 to vector<1x128xf32>
      %broadcast_in_dim3A_850 = vector.broadcast %jit3A_848 : f32 to vector<1x128xf32>
      %select_n3A_851 = arith.select %eq3A_846, %broadcast_in_dim3A_849, %broadcast_in_dim3A_850 : vector<1x128xi1>, vector<1x128xf32>
      %mul3A_852 = arith.mulf %mul3A_839, %select_n3A_851 : vector<1x128xf32>
      %reduce_sum3A_853 = arith.constant dense<0.000000e+00> : vector<1xf32>
      %reduce_sum3A_854 = vector.multi_reduction <add>, %mul3A_852, %reduce_sum3A_853 [1] : vector<1x128xf32> to vector<1xf32>
      %broadcast_in_dim3A_855 = vector.shape_cast %reduce_sum3A_854 : vector<1xf32> to vector<1x1xf32>
      %mul3A_856 = vector.broadcast %broadcast_in_dim3A_855 : vector<1x1xf32> to vector<1x128xf32>
      %mul3A_857 = arith.mulf %mul3A_856, %slice3A_844 : vector<1x128xf32>
      %sub3A_858 = arith.constant 1.000000e+00 : f32
      %sub3A_859 = vector.broadcast %sub3A_858 : f32 to vector<1x128xf32>
      %sub3A_860 = arith.subf %sub3A_859, %mul3A_857 : vector<1x128xf32>
      %mul3A_861 = arith.mulf %mul3A_839, %sub3A_860 : vector<1x128xf32>
      %mul3A_862 = arith.constant 8 : i32
      %mul3A_863 = arith.muli %scan3A_723, %mul3A_862 : i32
      %add3A_864 = arith.constant 6 : i32
      %add3A_865 = arith.addi %mul3A_863, %add3A_864 : i32
      %slice3A_866 = vector.extract_strided_slice %get3A_731 {offsets = [6, 0], sizes = [1, 128], strides = [1, 1]} : vector<8x128xf32> to vector<1x128xf32>
      %eq3A_867 = vector.broadcast %add3A_865 : i32 to vector<1x128xi32>
      %eq3A_868 = arith.cmpi eq, %iota3A_475, %eq3A_867 : vector<1x128xi32>
      %jit3A_869 = arith.constant 1.000000e+00 : f32
      %jit3A_870 = arith.constant 0.000000e+00 : f32
      %broadcast_in_dim3A_871 = vector.broadcast %jit3A_869 : f32 to vector<1x128xf32>
      %broadcast_in_dim3A_872 = vector.broadcast %jit3A_870 : f32 to vector<1x128xf32>
      %select_n3A_873 = arith.select %eq3A_868, %broadcast_in_dim3A_871, %broadcast_in_dim3A_872 : vector<1x128xi1>, vector<1x128xf32>
      %mul3A_874 = arith.mulf %mul3A_861, %select_n3A_873 : vector<1x128xf32>
      %reduce_sum3A_875 = arith.constant dense<0.000000e+00> : vector<1xf32>
      %reduce_sum3A_876 = vector.multi_reduction <add>, %mul3A_874, %reduce_sum3A_875 [1] : vector<1x128xf32> to vector<1xf32>
      %broadcast_in_dim3A_877 = vector.shape_cast %reduce_sum3A_876 : vector<1xf32> to vector<1x1xf32>
      %mul3A_878 = vector.broadcast %broadcast_in_dim3A_877 : vector<1x1xf32> to vector<1x128xf32>
      %mul3A_879 = arith.mulf %mul3A_878, %slice3A_866 : vector<1x128xf32>
      %sub3A_880 = arith.constant 1.000000e+00 : f32
      %sub3A_881 = vector.broadcast %sub3A_880 : f32 to vector<1x128xf32>
      %sub3A_882 = arith.subf %sub3A_881, %mul3A_879 : vector<1x128xf32>
      %mul3A_883 = arith.mulf %mul3A_861, %sub3A_882 : vector<1x128xf32>
      %mul3A_884 = arith.constant 8 : i32
      %mul3A_885 = arith.muli %scan3A_723, %mul3A_884 : i32
      %add3A_886 = arith.constant 7 : i32
      %add3A_887 = arith.addi %mul3A_885, %add3A_886 : i32
      %slice3A_888 = vector.extract_strided_slice %get3A_731 {offsets = [7, 0], sizes = [1, 128], strides = [1, 1]} : vector<8x128xf32> to vector<1x128xf32>
      %eq3A_889 = vector.broadcast %add3A_887 : i32 to vector<1x128xi32>
      %eq3A_890 = arith.cmpi eq, %iota3A_475, %eq3A_889 : vector<1x128xi32>
      %jit3A_891 = arith.constant 1.000000e+00 : f32
      %jit3A_892 = arith.constant 0.000000e+00 : f32
      %broadcast_in_dim3A_893 = vector.broadcast %jit3A_891 : f32 to vector<1x128xf32>
      %broadcast_in_dim3A_894 = vector.broadcast %jit3A_892 : f32 to vector<1x128xf32>
      %select_n3A_895 = arith.select %eq3A_890, %broadcast_in_dim3A_893, %broadcast_in_dim3A_894 : vector<1x128xi1>, vector<1x128xf32>
      %mul3A_896 = arith.mulf %mul3A_883, %select_n3A_895 : vector<1x128xf32>
      %reduce_sum3A_897 = arith.constant dense<0.000000e+00> : vector<1xf32>
      %reduce_sum3A_898 = vector.multi_reduction <add>, %mul3A_896, %reduce_sum3A_897 [1] : vector<1x128xf32> to vector<1xf32>
      %broadcast_in_dim3A_899 = vector.shape_cast %reduce_sum3A_898 : vector<1xf32> to vector<1x1xf32>
      %mul3A_900 = vector.broadcast %broadcast_in_dim3A_899 : vector<1x1xf32> to vector<1x128xf32>
      %mul3A_901 = arith.mulf %mul3A_900, %slice3A_888 : vector<1x128xf32>
      %sub3A_902 = arith.constant 1.000000e+00 : f32
      %sub3A_903 = vector.broadcast %sub3A_902 : f32 to vector<1x128xf32>
      %sub3A_904 = arith.subf %sub3A_903, %mul3A_901 : vector<1x128xf32>
      %mul3A_905 = arith.mulf %mul3A_883, %sub3A_904 : vector<1x128xf32>
      scf.yield %mul3A_905 : vector<1x128xf32>
    }
    %scan3A_692 = arith.constant 16 : i32
    %swap3A_693 = arith.constant 0 : index
    %swap3A_694 = arith.constant 896 : index
    %swap3A_695 = vector.load %arg4[%swap3A_693, %swap3A_694] : memref<8x1024xf32, #tpu.memory_space<vmem>>, vector<1x128xf32>
    tpu.vector_store %arg4[%swap3A_693, %swap3A_694], %scan3A_691 {strides = array<i32>} : memref<8x1024xf32, #tpu.memory_space<vmem>>, vector<1x128xf32>,
    %get3A_696 = arith.constant 896 : index
    %get3A_697 = arith.constant 0 : index
    %get3A_698 = vector.load %arg3[%get3A_696, %get3A_697] : memref<1024x1024xf32, #tpu.memory_space<vmem>>, vector<128x1024xf32>
    %dot_general3A_699 = arith.constant dense<0.000000e+00> : vector<1x1024xf32>
    %dot_general3A_700 = tpu.matmul %scan3A_691, %get3A_698, %dot_general3A_699 {dimension_numbers = #tpu.dot_dimension_numbers<[1], [0], [0], [1], [0, 0, 1, 1], [], []>, precision = #tpu.contract_precision<fp32>, transpose_lhs_hint = false} : vector<1x128xf32>, vector<128x1024xf32>, vector<1x1024xf32> -> vector<1x1024xf32>
    %get3A_701 = arith.constant 0 : index
    %get3A_702 = arith.constant 0 : index
    %get3A_703 = vector.load %arg4[%get3A_701, %get3A_702] : memref<8x1024xf32, #tpu.memory_space<vmem>>, vector<1x1024xf32>
    %min3A_704 = arith.constant 1.000000e+00 : f32
    %min3A_705 = vector.broadcast %min3A_704 : f32 to vector<1x1024xf32>
    %min3A_706 = arith.minimumf %dot_general3A_700, %min3A_705 : vector<1x1024xf32>
    %sub3A_707 = arith.constant 1.000000e+00 : f32
    %sub3A_708 = vector.broadcast %sub3A_707 : f32 to vector<1x1024xf32>
    %sub3A_709 = arith.subf %sub3A_708, %min3A_706 : vector<1x1024xf32>
    %mul3A_710 = arith.mulf %get3A_703, %sub3A_709 : vector<1x1024xf32>
    %swap3A_711 = arith.constant 0 : index
    %swap3A_712 = arith.constant 0 : index
    %swap3A_713 = vector.load %arg4[%swap3A_711, %swap3A_712] : memref<8x1024xf32, #tpu.memory_space<vmem>>, vector<1x1024xf32>
    tpu.vector_store %arg4[%swap3A_711, %swap3A_712], %mul3A_710 {strides = array<i32>} : memref<8x1024xf32, #tpu.memory_space<vmem>>, vector<1x1024xf32>,
    %get3A_714 = arith.constant 0 : index
    %get3A_715 = arith.constant 0 : index
    %get3A_716 = vector.load %arg4[%get3A_714, %get3A_715] : memref<8x1024xf32, #tpu.memory_space<vmem>>, vector<1x1024xf32>
    %swap3A_717 = arith.constant 0 : index
    %swap3A_718 = arith.constant 0 : index
    %swap3A_719 = arith.constant 0 : index
    %swap3A_720 = vector.load %arg2[%swap3A_717, %swap3A_718, %swap3A_719] : memref<1x1x1024xf32, #tpu.memory_space<vmem>>, vector<1x1x1024xf32>
    %swap3A_721 = vector.shape_cast %swap3A_720 : vector<1x1x1024xf32> to vector<1x1024xf32>
    %swap3A_722 = vector.shape_cast %get3A_716 : vector<1x1024xf32> to vector<1x1x1024xf32>
    tpu.vector_store %arg2[%swap3A_717, %swap3A_718, %swap3A_719], %swap3A_722 {strides = array<i32>} : memref<1x1x1024xf32, #tpu.memory_space<vmem>>, vector<1x1x1024xf32>,
    return
  }
  func.func @transform_0(%arg0: i32) -> (i32, i32, i32) {
    %c0_i32 = arith.constant 0 : i32
    %c0_i32_0 = arith.constant 0 : i32
    %c0_i32_1 = arith.constant 0 : i32
    return %arg0, %c0_i32, %c0_i32_0 : i32, i32, i32
  }
  func.func @transform_1(%arg0: i32) -> (i32, i32, i32) {
    %c0_i32 = arith.constant 0 : i32
    %c0_i32_0 = arith.constant 0 : i32
    %c0_i32_1 = arith.constant 0 : i32
    return %arg0, %c0_i32, %c0_i32_0 : i32, i32, i32
  }
}

</mosaic_0001>

<sc_bundles>
// kernel: gather_offload_async_start.1
scs
__scs_entry_jumppad:
0x0: {  	(pc) =	sbr.rel $0x88, $3  }
0x1: {  	(tag) =	ssettag $0x0;
	lr =	simm.s32 $0x1  }
0x2: {  	[smem:$0x3F9E] =	sst lr;
	_ =	strace $0xD0000000  }
0x3: {  	_ = 	snop  }
0x4: {  	_ = 	snop  }
0x5: {  	_ = 	snop  }
0x6: {  	_ = 	snop  }
0x7: {  	_ = 	snop  }
__scs_overlays_trampoline_lowered:
0x8: {  	[smem:$0x3FAD] =	sst s0  }
0x9: {  	[smem:$0x3FAE] =	sst s1  }
0xa: {  	[smem:$0x3FAF] =	sst s2  }
0xb: {  	[smem:$0x3FB0] =	sst s3  }
0xc: {  	[smem:$0x3FB1] =	sst s4  }
0xd: {  	[smem:$0x3FB2] =	sst s5  }
0xe: {  	[smem:$0x3FB3] =	sst s6  }
0xf: {  	[smem:$0x3FB4] =	sst s7  }
0x10: {  	[smem:$0x3FB5] =	sst s8  }
0x11: {  	[smem:$0x3FB6] =	sst s9;
	s0 =	simm.s32 @!p0 $0x0  }
0x12: {  	s1 =	sld [smem:$0x3F9C];
	s0 =	simm.s32 @p0 $0x1  }
0x13: {  	[smem:$0x3FB7] =	sst s0;
	s0 =	simm.s32 @!p1 $0x0  }
0x14: {  	s2 =	sld [smem:$0x3F9B];
	s0 =	simm.s32 @p1 $0x1  }
0x15: {  	[smem:$0x3FB8] =	sst s0;
	s0 =	simm.s32 @!p2 $0x0  }
0x16: {  	s3 =	sld [smem:$0x3FDB];
	s0 =	simm.s32 @p2 $0x1  }
0x17: {  	s4 =	simm.s32 $0x1BF5;
	[smem:$0x3FBA] =	sst s0  }
0x18: {  	s0 =	sld [smem:$0x3F9D];
	_ =	swait.ge [sflag:s4], $0x0  }
0x19: {  	s7 =	sld [smem:$0x3F9E]  }
0x1a: {  	s8 =	sadd.s32 $0xFFFFE003, lr  }
0x1b: {  	s9 =	sadd.s32 $0xFFFFFEF7, lr;
	s5 =	simm.s32 $0xFFFFFFFF;
	p2 =	slt.u32 s8, $0xFFFFF086  }
0x1c: {  	p1 =	slt.u32 s9, $0xF7A;
	s5 =	simm.s32 @!p2 $0x0  }
0x1d: {  	s5 =	simm.s32 @p1 $0x1;
	p0 =	seq.s32 s7, s2  }
0x1e: {  	s7 =	smul.u32 @!p0 $0xF7A, s2;
	p2 =	seq.s32 @!p0 s5, $0x0  }
0x1f: {  	s9 =	smul.u32 $0xF7A, s1;
	s8 =	simm.s32 @!p0 $0x1BF5;
	p2 =	por !p2, p0  }
0x20: {  	[sflag:s8] =	ssyncset.s32 @!p0 $0xFFFFF086;
	s6 =	sadd.s32 @!p0 s3, s7;
	s7 =	simm.s32 @!p0 $0x108  }
0x21: {  	s3 =	sadd.s32 s3, s9;
	s6 =	sadd.s32 @!p0 $0x88, s6;
	s7 =	simm.s32 @p2 $0x1082  }
0x22: {  	[simem:s7], [sflag:s8] =	dma.local @!p0 [hbm:s6], $0xF7A  }
0x23: {  	s9 =	sor.u32 $0xD0000000, s2;
	s6 =	simm.s32 $0x108;
	_ =	swait.ge @!p0 [sflag:s8], $0x0  }
0x24: {  	s3 =	sadd.s32 $0x88, s3;
	s6 =	simm.s32 @!p1 $0x1082;
	[sflag:s4] =	ssyncset.s32 $0xFFFFF086  }
0x25: {  	[simem:s6], [sflag:s4] =	dma.local [hbm:s3], $0xF7A  }
0x26: {  	[smem:$0x3F9E] =	sst s1;
	(tag) =	ssettag s2;
	_ =	strace s9  }
0x27: {  	s1 =	sld [smem:$0x3FAE]  }
0x28: {  	s2 =	sld [smem:$0x3FAF]  }
0x29: {  	s4 =	sld [smem:$0x3FB1]  }
0x2a: {  	p0 =	seq.s32 s5, $0x0;
	s5 =	sld [smem:$0x3FB2]  }
0x2b: {  	s6 =	sld [smem:$0x3FB3]  }
0x2c: {  	s7 =	sld [smem:$0x3FB4]  }
0x2d: {  	s3 =	simm.s32 $0x108;
	s8 =	sld [smem:$0x3FB5]  }
0x2e: {  	s3 =	simm.s32 @!p0 $0x1082;
	s9 =	sld [smem:$0x3FB6]  }
0x2f: {  	lr =	sadd.s32 s0, s3;
	s0 =	sld [smem:$0x3FAD]  }
0x30: {  	s3 =	sld [smem:$0x3FB0]  }
0x31: {  	[smem:$0x3FB9] =	sst s10  }
0x32: {  	s10 =	sld [smem:$0x3FB7];
	_ =	sdelay $0x3  }
0x33: {  	p0 =	seq.s32 s10, $0x1;
	s10 =	sld [smem:$0x3FB9];
	_ =	sdelay $0x3  }
0x34: {  	[smem:$0x3FB9] =	sst s10  }
0x35: {  	s10 =	sld [smem:$0x3FB8];
	_ =	sdelay $0x3  }
0x36: {  	p1 =	seq.s32 s10, $0x1;
	s10 =	sld [smem:$0x3FB9];
	_ =	sdelay $0x3  }
0x37: {  	[smem:$0x3FB9] =	sst s10  }
0x38: {  	s10 =	sld [smem:$0x3FBA]  }
0x39: {  	_ = 	snop;
	(pc) =	sbr.ind lr, $3  }
0x3a: {  	_ = 	snop  }
0x3b: {  	_ = 	snop  }
0x3c: {  	p2 =	seq.s32 s10, $0x1;
	s10 =	sld [smem:$0x3FB9]  }
0x3d: {  	_ =	shalt  }
0x3e: {  	_ =	shalt  }
0x3f: {  	_ =	shalt  }
0x40: {  	_ =	shalt  }
0x41: {  	_ =	shalt  }
0x42: {  	_ =	shalt  }
0x43: {  	_ =	shalt  }
0x44: {  	_ =	shalt  }
0x45: {  	_ =	shalt  }
0x46: {  	_ =	shalt  }
0x47: {  	_ =	shalt  }
0x48: {  	_ =	shalt  }
0x49: {  	_ =	shalt  }
0x4a: {  	_ =	shalt  }
0x4b: {  	_ =	shalt  }
0x4c: {  	_ =	shalt  }
0x4d: {  	_ =	shalt  }
0x4e: {  	_ =	shalt  }
0x4f: {  	_ =	shalt  }
0x50: {  	_ =	shalt  }
0x51: {  	_ =	shalt  }
0x52: {  	_ =	shalt  }
0x53: {  	_ =	shalt  }
0x54: {  	_ =	shalt  }
0x55: {  	_ =	shalt  }
0x56: {  	_ =	shalt  }
0x57: {  	_ =	shalt  }
0x58: {  	_ =	shalt  }
0x59: {  	_ =	shalt  }
0x5a: {  	_ =	shalt  }
0x5b: {  	_ =	shalt  }
0x5c: {  	_ =	shalt  }
0x5d: {  	_ =	shalt  }
0x5e: {  	_ =	shalt  }
0x5f: {  	_ =	shalt  }
0x60: {  	_ =	shalt  }
0x61: {  	_ =	shalt  }
0x62: {  	_ =	shalt  }
0x63: {  	_ =	shalt  }
0x64: {  	_ =	shalt  }
0x65: {  	_ =	shalt  }
0x66: {  	_ =	shalt  }
0x67: {  	_ =	shalt  }
0x68: {  	_ =	shalt  }
0x69: {  	_ =	shalt  }
0x6a: {  	_ =	shalt  }
0x6b: {  	_ =	shalt  }
0x6c: {  	_ =	shalt  }
0x6d: {  	_ =	shalt  }
0x6e: {  	_ =	shalt  }
0x6f: {  	_ =	shalt  }
0x70: {  	_ =	shalt  }
0x71: {  	_ =	shalt  }
0x72: {  	_ =	shalt  }
0x73: {  	_ =	shalt  }
0x74: {  	_ =	shalt  }
0x75: {  	_ =	shalt  }
0x76: {  	_ =	shalt  }
0x77: {  	_ =	shalt  }
0x78: {  	_ =	shalt  }
0x79: {  	_ =	shalt  }
0x7a: {  	_ =	shalt  }
0x7b: {  	_ =	shalt  }
0x7c: {  	_ =	shalt  }
0x7d: {  	_ =	shalt  }
0x7e: {  	_ =	shalt  }
0x7f: {  	_ =	shalt  }
0x80: {  	_ =	shalt  }
0x81: {  	_ =	shalt  }
0x82: {  	_ =	shalt  }
0x83: {  	_ =	shalt  }
0x84: {  	_ =	shalt  }
0x85: {  	_ =	shalt  }
0x86: {  	_ =	shalt  }
0x87: {  	_ =	shalt  }
.Lfunc_end0:
.L_simem_size_0:
called_computation.1_lowered:
.L_overlay_start_0:
0x88: {  	s2 =	sld [smem:$0x3FD9]  }
0x89: {  	s3 =	sld [smem:$0x3FFE];
	_ =	sdelay $0x1  }
0x8a: {  	s1 =	srdreg.scid  }
0x8b: {  	s0 =	sand.u32 $0x1, s1  }
0x8c: {  	s17 =	sshll.u32 s0, $0xA;
	s2 =	sadd.s32 s3, s2  }
0x8d: {  	s2 =	sadd.s32 s2, s17  }
0x8e: {  	[smem:$0x3FC5] =	sst s2  }
0x8f: {  	_ = 	snop  }
0x90: {  	s2 =	sld [smem:$0x3FC7];
	(tm) =	ssettm $0x1  }
0x91: {  	s18 =	sld [smem:$0x3FFB];
	_ =	sdelay $0x3  }
0x92: {  	_ =	strace s18  }
0x93: {  	s3 =	sld [smem:$0x3FFC];
	_ =	sdelay $0x3  }
0x94: {  	_ =	strace s3  }
0x95: {  	s3 =	sld [smem:$0x3FFD];
	_ =	sdelay $0x3  }
0x96: {  	_ =	strace s3  }
0x97: {  	_ =	strace $0x8FFFFFFF  }
0x98: {  	s19 =	sld [smem:$0x3FDB];
	_ =	sdelay $0x1  }
0x99: {  	s4 =	simm.s32 $_scs_section_size  }
0x9a: {  	s5 =	simm.s32 $_size__tile_overlayer_lowered;
	s6 =	simm.s32 $_tile_overlayer_lowered  }
0x9b: {  	s22 =	simm.s32 $0x1BFF;
	s21 =	sshll.u32 s6, $0x1;
	s3 =	sadd.s32 s4, s19  }
0x9c: {  	s7 =	simm.s32 $0x0;
	s20 =	sshll.u32 s5, $0x1;
	s5 =	sadd.s32 s21, s3  }
0x9d: {  	[timem:s7], [sflag:s22] =	dma.local [hbm:s5], s20  }
0x9e: {  	_ =	swait.ge [sflag:s22], s20  }
0x9f: {  	s4 =	ssub.s32 $0x0, s20;
	[sflag:s22] =	ssyncset.done $0x0  }
0xa0: {  	[sflag:s22] =	ssyncadd.s32 s4;
	_ =	sdelay $0x1  }
0xa1: {  	s23 =	simm.s32 $0x1B8B  }
0xa2: {  	_ =	swait.ge [sflag:s23], $0x1  }
0xa3: {  	[sflag:s23] =	ssyncset.done $0x0  }
0xa4: {  	s25 =	simm.s32 $0x1B8E;
	s24 =	sld [smem:$0x3FFE];
	[sflag:s23] =	ssyncadd.s32 $0xFFFFFFFF  }
0xa5: {  	s26 =	simm.s32 $execute0_lowered;
	[smem:$0x3FD2] =	sst s25  }
0xa6: {  	s5 =	sshll.u32 s26, $0x1;
	_ =	strace $0x80000046;
	[dreg:$0x1] =	wrdreg $0xFFFFFFFF  }
0xa7: {  	s28 =	simm.s32 $_size_execute0_lowered;
	s3 =	sadd.s32 s3, s5;
	[dreg:$0x0] =	wrdreg $0x0  }
0xa8: {  	s5 =	sshll.u32 s28, $0x1;
	[dreg:$0x2] =	wrdreg s3  }
0xa9: {  	[dreg:$0x3] =	wrdreg s5  }
0xaa: {  	[dreg:$0x4] =	wrdreg $0xC0  }
0xab: {  	_ =	task [dreg:s7], $0x5FFFF  }
0xac: {  	[dreg:$0x1] =	wrdreg $0xFFFFFFFF  }
0xad: {  	[dreg:$0x0] =	wrdreg $0x60  }
0xae: {  	[dreg:$0x2] =	wrdreg s2  }
0xaf: {  	[dreg:$0x3] =	wrdreg s24  }
0xb0: {  	[dreg:$0x4] =	wrdreg $0x9  }
0xb1: {  	_ =	task.clear_ibuf [dreg:s7], $0x5FFFF;
	_ =	strace $0x90000046  }
0xb2: {  	s29 =	simm.s32 $0x9;
	_ =	strace $0x80000048  }
0xb3: {  	_ =	swait.ge [sflag:s29], $0x1  }
0xb4: {  	[sflag:s29] =	ssyncadd.s32 $0xFFFFFFFF  }
0xb5: {  	_ =	strace $0x90000048  }
0xb6: {  	_ =	sfence  }
0xb7: {  	s30 =	sld [smem:$0x0];
	_ =	sdelay $0x2  }
0xb8: {  	s31 =	sshll.u32 s1, $0xD;
	s1 =	sshrl.u32 s1, $0x2  }
0xb9: {  	s3 =	sand.u32 $0x4000, s31;
	s1 =	sadd.s32 s1, s30  }
0xba: {  	s0 =	sor.u32 s3, s0;
	s1 =	sshll.u32 s1, $0x11  }
0xbb: {  	s0 =	sor.u32 s1, s0  }
0xbc: {  	s0 =	sadd.s32 $0x8F2B, s0  }
0xbd: {  	[sflag:s0] =	ssyncadd.remote.s32 $0x1  }
0xbe: {  	_ =	sfence.sel $0xFFFF  }
0xbf: {  	[dreg:$0x0] =	wrdreg $0xFFFFFFFF;
	(pc) =	sbr.abs _section_cstart, $3  }
0xc0: {  	[dreg:$0x1] =	wrdreg $0xFFFFFFFF  }
0xc1: {  	_ =	task.clear_ibuf [dreg:s7], $0x2FFFF;
	_ =	strace $0x9FFFFFFF  }
0xc2: {  	(tm) =	ssettm $0x7FFFFFFF  }
0xc3: {  	_ =	shalt  }
tec
execute0_lowered:
.L_overlay_start_1:
0x0: {  	(tag) =	ssettag $0x1  }
0x1: {  	s2 =	rddreg [dreg:$0x0]  }
0x2: {  	s0 =	stileid.u32;
	s1 =	srdreg.scid  }
0x3: {  	s3 =	rddreg [dreg:$0x1];
	s8 =	simm.s32 $0x1;
	s9 =	simm.s32 $0x3  }
0x4: {  	s10 =	simm.s32 $0x0;
	s4 =	sand.u32 $0x1, s1;
	s5 =	sshll.u32 s0, $0x1  }
0x5: {  	s13 =	simm.s32 $0x0;
	s12 =	simm.s32 $0x0;
	s6 =	sor.u32 s5, s4  }
0x6: {  	s1 =	rddreg [dreg:$0x2];
	_ =	strace $0x80000047;
	s4 =	smul.u32 $0x50, s6  }
0x7: {  	s5 =	simm.s32 $0x1;
	p0 =	slt.u32 s6, $0x13;
	s6 =	simm.s32 $0xA00  }
.Ltmp0:
0x8: {  	s6 =	simm.s32 @!p0 $0x0;
	s7 =	ssub.s32 $0xFA0, s4;
	(pc) =	sbr.rel .LBB2_1-.Ltmp0, $4  }
0x9: {  	s8 =	simm.s32 @!p0 $0x0;
	p0 =	sne.s32 s7, s6;
	s7 =	simm.s32 $0x1  }
0xa: {  	[sflag:s5] =	ssyncpa.u1 $0x0;
	s6 =	simm.s32 $0x2;
	s7 =	simm.s32 @!p0 $0x0  }
0xb: {  	s11 =	smov.u32 s4;
	[sflag:s6] =	ssyncpa.u1 $0x0;
	s7 =	sadd.s32 s8, s7  }
0xc: {  	vm0 =	vmmov $0xffff;
	s8 =	sadd.s32 $0x138A00, s3;
	[sflag:s9] =	ssyncpa.u1 $0x0;
	s9 =	sadd.s32 $0x1, s7  }
.LBB2_4:
0xd: {  	vm1 =	veq.s32 v4, $0x80000000;
	v56 =	vand.u32 $0x3, v4;
	v6 =	vand.u32 $0x7FFF, v6  }
0xe: {  	v2 =	vor.u32 v2, v5;
	v59 =	vshrl.u32 v1, $0x2;
	v60 =	vand.u32 $0x3, v1  }
0xf: {  	v4 =	vsel vm1, $0xFFFFFFFF, v56;
	v6 =	vsel vm1, $0xFFFFFFFF, v6;
	v2 =	vor.u32 v3, v2  }
0x10: {  	vm1 =	veq.s32 v1, $0x80000000;
	v5 =	vand.u32 $0x7FFF, v59;
	v7 =	vshrl.u32 v4, $0x2  }
0x11: {  	v57 =	vshll.u32 v6, $0x2;
	v4 =	vshll.u32 v4, $0x7;
	v1 =	vsel vm1, $0xFFFFFFFF, v60  }
0x12: {  	v5 =	vsel vm1, $0xFFFFFFFF, v5;
	v6 =	vand.u32 $0x7F, v6;
	v7 =	vmul.u32 $0x13A00, v7  }
0x13: {  	v58 =	vand.u32 $0xFFFFFE00, v57;
	v4 =	vand.u32 $0x180, v4;
	v61 =	vshrl.u32 v1, $0x2  }
0x14: {  	v62 =	vshll.u32 v5, $0x2;
	v3 =	vadd.s32 v7, v58;
	v7 =	vmul.u32 $0x13A00, v61  }
0x15: {  	v1 =	vshll.u32 v1, $0x7;
	v3 =	vor.u32 v4, v3;
	v4 =	vand.u32 $0xFFFFFE00, v62  }
0x16: {  	v1 =	vand.u32 $0x180, v1;
	v3 =	vor.u32 v6, v3;
	v4 =	vadd.s32 v7, v4  }
0x17: {  	[tilespmem:s16], [sflag:$0x1] =	stream.indirect_vreg.gather [hbm4b:s2+s10], $0x1, v0, vm0, $0x4038;
	v63 =	vand.u32 $0x7F, v5;
	v1 =	vor.u32 v1, v4;
	[tilespmem:$0x140] =	vst v63  }
0x18: {  	s15 =	sadd.s32 $0x10, s15;
	(ifvalue) =	ssetifvalue $0x7FFFFFFF;
	v0 =	vor.u32 v63, v1  }
0x19: {  	[tilespmem:s15], [sflag:$0x1] =	stream.indirect_vreg.gather [hbm4b:s2+s10], $0x1, v2, vm0, $0x4038;
	[tilespmem:$0x140] =	vst v63  }
0x1a: {  	s15 =	sadd.s32 $0x10, s15;
	(ifvalue) =	ssetifvalue $0x7FFFFFFF  }
0x1b: {  	[tilespmem:s15], [sflag:$0x1] =	stream.indirect_vreg.gather [hbm4b:s2+s10], $0x1, v3, vm0, $0x4038;
	[tilespmem:$0x140] =	vst v63  }
0x1c: {  	s15 =	sadd.s32 $0x10, s15;
	(ifvalue) =	ssetifvalue $0x7FFFFFFF  }
0x1d: {  	[tilespmem:s15], [sflag:$0x1] =	stream.indirect_vreg.gather [hbm4b:s2+s10], $0x1, v0, vm0, $0x4038;
	[tilespmem:$0x140] =	vst v63  }
0x1e: {  	_ =	swait.ge [sflag:s5], $0x50  }
0x1f: {  	s30 =	sshrl.u32 s13, $0x3;
	[sflag:s5] =	ssyncset.done $0x0  }
0x20: {  	s31 =	sand.u32 $0x7, s13;
	s15 =	sadd.s32 s8, s30;
	[sflag:s5] =	ssyncadd.s32 $0xFFFFFFB0  }
0x21: {  	[hbm4b:s15+s31] =	stream.linear.scatter [tilespmem:s14], [sflag:$0x3], $0x50, $0x38;
	[tilespmem:$0x140] =	vst v63  }
.LBB2_5:
0x22: {  	s15 =	sadd.s32 $0xA00, s11  }
0x23: {  	p1 =	sgt.s32 s15, $0xF9F  }
0x24: {  	s15 =	smov.u32 @p1 s4;
	p1 =	sne.s32 s12, s9  }
.Ltmp1:
0x25: {  	p0 =	slt.u32 s12, $0x2;
	(pc) =	sbr.rel @!p1 .LBB2_6-.Ltmp1, $4  }
0x26: {  	s14 =	simm.s32 @!p0 $0x3  }
0x27: {  	_ =	swait.ge @!p0 [sflag:s14], $0x50  }
0x28: {  	s16 =	sadd.s32 $0x1, s12;
	s13 =	smov.u32 s11;
	[sflag:s14] =	ssyncset.done @!p0 $0x0  }
0x29: {  	s12 =	smov.u32 s16;
	s11 =	smov.u32 s15;
	[sflag:s14] =	ssyncadd.s32 @!p0 $0xFFFFFFB0  }
.LBB2_1:
0x2a: {  	p0 =	sge.u32 s12, s7  }
0x2b: {  	s14 =	sxor.u32 @!p0 $0x1, s12  }
0x2c: {  	s14 =	smul.u32 @!p0 $0x140, s14  }
0x2d: {  	s31 =	sadd.s32 $0xFFFFFFFF, s12;
	s15 =	sshrl.u32 @!p0 s11, $0x3  }
0x2e: {  	s16 =	sand.u32 @!p0 $0x7, s11;
	s15 =	sadd.s32 @!p0 s3, s15;
	s14 =	sshra.s32 @!p0 s14, $0x2  }
0x2f: {  	[tilespmem:s14], [sflag:$0x2] =	stream.linear.gather @!p0 [hbm4b:s15+s16], $0x50, $0x38;
	[tilespmem:$0x140] =	vst v63  }
0x30: {  	p0 =	sge.u32 s31, s7  }
.Ltmp2:
0x31: {  	_ = 	snop;
	(pc) =	sbr.rel @p0 .LBB2_5-.Ltmp2, $1  }
0x32: {  	_ =	sdelay $0x3  }
0x33: {  	s14 =	sand.u32 $0x1, s12  }
0x34: {  	_ =	swait.ge [sflag:s6], $0x50;
	p0 =	seq.s32 s14, $0x1;
	s14 =	simm.s32 $0x50  }
0x35: {  	[sflag:s6] =	ssyncset.done $0x0;
	s14 =	simm.s32 @!p0 $0x0  }
0x36: {  	[sflag:s6] =	ssyncadd.s32 $0xFFFFFFB0;
	(ifvalue) =	ssetifvalue $0x7FFFFFFF;
	v0 =	vld.msk [tilespmem:s14+$0x0 ss:$0x1], $0xffff  }
0x37: {  	s15 =	sadd.s32 $0x10, s14  }
0x38: {  	v1 =	vld.msk [tilespmem:s15+$0x0 ss:$0x1], $0xffff;
	_ =	sdelay $0x2  }
0x39: {  	v2 =	vshrl.u32 v0, $0x2  }
0x3a: {  	vm1 =	veq.s32 v0, $0x80000000;
	v0 =	vand.u32 $0x3, v0;
	v2 =	vand.u32 $0x7FFF, v2  }
0x3b: {  	v0 =	vsel vm1, $0xFFFFFFFF, v0;
	v6 =	vshrl.u32 v1, $0x2;
	v2 =	vsel vm1, $0xFFFFFFFF, v2  }
0x3c: {  	v3 =	vshrl.u32 v0, $0x2;
	v0 =	vshll.u32 v0, $0x7;
	vm1 =	veq.s32 v1, $0x80000000  }
0x3d: {  	s15 =	sadd.s32 $0x10, s15;
	v1 =	vand.u32 $0x3, v1;
	v4 =	vshll.u32 v2, $0x2;
	v3 =	vmul.u32 $0x13A00, v3  }
0x3e: {  	v0 =	vand.u32 $0x180, v0;
	v7 =	vand.u32 $0x7F, v2;
	v5 =	vand.u32 $0xFFFFFE00, v4;
	v4 =	vld.msk [tilespmem:s15+$0x0 ss:$0x1], $0xffff  }
0x3f: {  	v1 =	vsel vm1, $0xFFFFFFFF, v1;
	v2 =	vadd.s32 v3, v5;
	v3 =	vand.u32 $0x7FFF, v6  }
0x40: {  	v3 =	vsel vm1, $0xFFFFFFFF, v3;
	v0 =	vor.u32 v0, v2;
	v2 =	vshrl.u32 v1, $0x2  }
0x41: {  	v1 =	vshll.u32 v1, $0x7;
	v5 =	vshll.u32 v3, $0x2;
	v8 =	vmul.u32 $0x13A00, v2  }
0x42: {  	s18 =	simm.s32 $0x30;
	s14 =	sor.u32 $0xA0, s14;
	s17 =	sadd.s32 $0x10, s15;
	v2 =	vand.u32 $0x180, v1;
	v0 =	vor.u32 v7, v0;
	v5 =	vand.u32 $0xFFFFFE00, v5  }
0x43: {  	s16 =	smov.u32 s14;
	s15 =	smov.u32 s14;
	v1 =	vld.msk [tilespmem:s17+$0x0 ss:$0x1], $0xffff;
	v3 =	vand.u32 $0x7F, v3;
	(ifvalue) =	ssetifvalue $0x7FFFFFFF;
	v6 =	vshrl.u32 v4, $0x2;
	v5 =	vadd.s32 v8, v5  }
.LBB2_3:
0x44: {  	s18 =	sadd.s32 $0x10, s18  }
0x45: {  	vm1 =	veq.s32 v4, $0x80000000;
	v4 =	vand.u32 $0x3, v4;
	v6 =	vand.u32 $0x7FFF, v6;
	s15 =	sadd.s32 $0x10, s15;
	p0 =	slt.u32 s18, $0x40  }
.Ltmp3:
0x46: {  	v5 =	vor.u32 v2, v5;
	v4 =	vsel vm1, $0xFFFFFFFF, v4;
	v7 =	vsel vm1, $0xFFFFFFFF, v6;
	(pc) =	sbr.rel @p0 .LBB2_3-.Ltmp3, $4  }
0x47: {  	v2 =	vshrl.u32 v4, $0x2;
	v6 =	vshll.u32 v7, $0x2;
	v4 =	vshll.u32 v4, $0x7;
	[tilespmem:s16], [sflag:$0x1] =	stream.indirect_vreg.gather [hbm4b:s2+s10], $0x1, v0, vm0, $0x4038;
	[tilespmem:$0x140] =	vst v63  }
0x48: {  	v0 =	vor.u32 v3, v5;
	s16 =	smov.u32 s15;
	v8 =	vmul.u32 $0x13A00, v2;
	v2 =	vand.u32 $0x180, v4  }
0x49: {  	s17 =	sadd.s32 $0x10, s17;
	v9 =	vand.u32 $0xFFFFFE00, v6  }
0x4a: {  	v3 =	vand.u32 $0x7F, v7;
	v6 =	vshrl.u32 v1, $0x2;
	v5 =	vadd.s32 v8, v9;
	(ifvalue) =	ssetifvalue $0x7FFFFFFF;
	v4 =	vmovc v1;
	v1 =	vld.msk [tilespmem:s17+$0x0 ss:$0x1], $0xffff  }
.Ltmp4:
0x4b: {  	_ = 	snop;
	(pc) =	sbr.rel .LBB2_4-.Ltmp4, $1  }
0x4c: {  	_ =	sdelay $0x3  }
.LBB2_6:
0x4d: {  	_ =	sfence.sel $0x180000  }
0x4e: {  	s2 =	simm.s32 $0x2;
	[bflag:$0x0] =	sbarrier.arrive $0xFFFF  }
0x4f: {  	s30 =	simm.s32 $0x3;
	[sflag:s2] =	ssyncpa.u1 $0x1  }
0x50: {  	s31 =	simm.s32 $0x1;
	[sflag:s30] =	ssyncpa.u1 $0x1  }
0x51: {  	[sflag:s31] =	ssyncpa.u1 $0x1  }
0x52: {  	p0 =	sne.s32 s0, $0x0;
	_ =	strace $0x90000047  }
0x53: {  	s0 =	sadd.s32 @!p0 $0x100000, s1;
	[bflag:$0x2] =	sbarrier.arrive $0xFFFF  }
0x54: {  	[sflag:s0] =	ssyncadd.tile.s32 @!p0 $0x1;
	_ =	shalt  }
.Lfunc_end2:
_tile_overlayer_lowered:
.L_overlay_start_2:
0x55: {  	(tag) =	ssettag $0x2  }
0x56: {  	s0 =	rddreg [dreg:$0x0];
	s2 =	stileid.u32  }
0x57: {  	s1 =	rddreg [dreg:$0x1];
	p0 =	sne.s32 s2, $0x0  }
0x58: {  	s3 =	rddreg [dreg:$0x2];
	[bflag:$0x3] =	sbarrier.arrive $0xFFFF;
	s2 =	simm.s32 @!p0 $0x1C01  }
0x59: {  	[timem:s3], [sflag:s2] =	dma.local @!p0 [hbm:s0], s1  }
0x5a: {  	s0 =	simm.s32 @!p0 $0x1  }
0x5b: {  	_ =	swait.ge @!p0 [sflag:s0], s1  }
0x5c: {  	s1 =	ssub.s32 @!p0 $0x0, s1;
	[sflag:s0] =	ssyncset.done @!p0 $0x0  }
0x5d: {  	[sflag:s0] =	ssyncadd.s32 @!p0 s1  }
0x5e: {  	[bflag:$0x3] =	sbarrier.arrive $0xFFFF  }
0x5f: {  	_ =	shalt  }

// kernel: gather_offload_async_start
scs
__scs_entry_jumppad:
0x0: {  	(pc) =	sbr.rel $0x88, $3  }
0x1: {  	(tag) =	ssettag $0x0;
	lr =	simm.s32 $0x1  }
0x2: {  	[smem:$0x3F9E] =	sst lr;
	_ =	strace $0xD0000000  }
0x3: {  	_ = 	snop  }
0x4: {  	_ = 	snop  }
0x5: {  	_ = 	snop  }
0x6: {  	_ = 	snop  }
0x7: {  	_ = 	snop  }
__scs_overlays_trampoline_lowered:
0x8: {  	[smem:$0x3FAD] =	sst s0  }
0x9: {  	[smem:$0x3FAE] =	sst s1  }
0xa: {  	[smem:$0x3FAF] =	sst s2  }
0xb: {  	[smem:$0x3FB0] =	sst s3  }
0xc: {  	[smem:$0x3FB1] =	sst s4  }
0xd: {  	[smem:$0x3FB2] =	sst s5  }
0xe: {  	[smem:$0x3FB3] =	sst s6  }
0xf: {  	[smem:$0x3FB4] =	sst s7  }
0x10: {  	[smem:$0x3FB5] =	sst s8  }
0x11: {  	[smem:$0x3FB6] =	sst s9;
	s0 =	simm.s32 @!p0 $0x0  }
0x12: {  	s1 =	sld [smem:$0x3F9C];
	s0 =	simm.s32 @p0 $0x1  }
0x13: {  	[smem:$0x3FB7] =	sst s0;
	s0 =	simm.s32 @!p1 $0x0  }
0x14: {  	s2 =	sld [smem:$0x3F9B];
	s0 =	simm.s32 @p1 $0x1  }
0x15: {  	[smem:$0x3FB8] =	sst s0;
	s0 =	simm.s32 @!p2 $0x0  }
0x16: {  	s3 =	sld [smem:$0x3FDB];
	s0 =	simm.s32 @p2 $0x1  }
0x17: {  	s4 =	simm.s32 $0x1BF5;
	[smem:$0x3FBA] =	sst s0  }
0x18: {  	s0 =	sld [smem:$0x3F9D];
	_ =	swait.ge [sflag:s4], $0x0  }
0x19: {  	s7 =	sld [smem:$0x3F9E]  }
0x1a: {  	s8 =	sadd.s32 $0xFFFFE003, lr  }
0x1b: {  	s9 =	sadd.s32 $0xFFFFFEF7, lr;
	s5 =	simm.s32 $0xFFFFFFFF;
	p2 =	slt.u32 s8, $0xFFFFF086  }
0x1c: {  	p1 =	slt.u32 s9, $0xF7A;
	s5 =	simm.s32 @!p2 $0x0  }
0x1d: {  	s5 =	simm.s32 @p1 $0x1;
	p0 =	seq.s32 s7, s2  }
0x1e: {  	s7 =	smul.u32 @!p0 $0xF7A, s2;
	p2 =	seq.s32 @!p0 s5, $0x0  }
0x1f: {  	s9 =	smul.u32 $0xF7A, s1;
	s8 =	simm.s32 @!p0 $0x1BF5;
	p2 =	por !p2, p0  }
0x20: {  	[sflag:s8] =	ssyncset.s32 @!p0 $0xFFFFF086;
	s6 =	sadd.s32 @!p0 s3, s7;
	s7 =	simm.s32 @!p0 $0x108  }
0x21: {  	s3 =	sadd.s32 s3, s9;
	s6 =	sadd.s32 @!p0 $0x88, s6;
	s7 =	simm.s32 @p2 $0x1082  }
0x22: {  	[simem:s7], [sflag:s8] =	dma.local @!p0 [hbm:s6], $0xF7A  }
0x23: {  	s9 =	sor.u32 $0xD0000000, s2;
	s6 =	simm.s32 $0x108;
	_ =	swait.ge @!p0 [sflag:s8], $0x0  }
0x24: {  	s3 =	sadd.s32 $0x88, s3;
	s6 =	simm.s32 @!p1 $0x1082;
	[sflag:s4] =	ssyncset.s32 $0xFFFFF086  }
0x25: {  	[simem:s6], [sflag:s4] =	dma.local [hbm:s3], $0xF7A  }
0x26: {  	[smem:$0x3F9E] =	sst s1;
	(tag) =	ssettag s2;
	_ =	strace s9  }
0x27: {  	s1 =	sld [smem:$0x3FAE]  }
0x28: {  	s2 =	sld [smem:$0x3FAF]  }
0x29: {  	s4 =	sld [smem:$0x3FB1]  }
0x2a: {  	p0 =	seq.s32 s5, $0x0;
	s5 =	sld [smem:$0x3FB2]  }
0x2b: {  	s6 =	sld [smem:$0x3FB3]  }
0x2c: {  	s7 =	sld [smem:$0x3FB4]  }
0x2d: {  	s3 =	simm.s32 $0x108;
	s8 =	sld [smem:$0x3FB5]  }
0x2e: {  	s3 =	simm.s32 @!p0 $0x1082;
	s9 =	sld [smem:$0x3FB6]  }
0x2f: {  	lr =	sadd.s32 s0, s3;
	s0 =	sld [smem:$0x3FAD]  }
0x30: {  	s3 =	sld [smem:$0x3FB0]  }
0x31: {  	[smem:$0x3FB9] =	sst s10  }
0x32: {  	s10 =	sld [smem:$0x3FB7];
	_ =	sdelay $0x3  }
0x33: {  	p0 =	seq.s32 s10, $0x1;
	s10 =	sld [smem:$0x3FB9];
	_ =	sdelay $0x3  }
0x34: {  	[smem:$0x3FB9] =	sst s10  }
0x35: {  	s10 =	sld [smem:$0x3FB8];
	_ =	sdelay $0x3  }
0x36: {  	p1 =	seq.s32 s10, $0x1;
	s10 =	sld [smem:$0x3FB9];
	_ =	sdelay $0x3  }
0x37: {  	[smem:$0x3FB9] =	sst s10  }
0x38: {  	s10 =	sld [smem:$0x3FBA]  }
0x39: {  	_ = 	snop;
	(pc) =	sbr.ind lr, $3  }
0x3a: {  	_ = 	snop  }
0x3b: {  	_ = 	snop  }
0x3c: {  	p2 =	seq.s32 s10, $0x1;
	s10 =	sld [smem:$0x3FB9]  }
0x3d: {  	_ =	shalt  }
0x3e: {  	_ =	shalt  }
0x3f: {  	_ =	shalt  }
0x40: {  	_ =	shalt  }
0x41: {  	_ =	shalt  }
0x42: {  	_ =	shalt  }
0x43: {  	_ =	shalt  }
0x44: {  	_ =	shalt  }
0x45: {  	_ =	shalt  }
0x46: {  	_ =	shalt  }
0x47: {  	_ =	shalt  }
0x48: {  	_ =	shalt  }
0x49: {  	_ =	shalt  }
0x4a: {  	_ =	shalt  }
0x4b: {  	_ =	shalt  }
0x4c: {  	_ =	shalt  }
0x4d: {  	_ =	shalt  }
0x4e: {  	_ =	shalt  }
0x4f: {  	_ =	shalt  }
0x50: {  	_ =	shalt  }
0x51: {  	_ =	shalt  }
0x52: {  	_ =	shalt  }
0x53: {  	_ =	shalt  }
0x54: {  	_ =	shalt  }
0x55: {  	_ =	shalt  }
0x56: {  	_ =	shalt  }
0x57: {  	_ =	shalt  }
0x58: {  	_ =	shalt  }
0x59: {  	_ =	shalt  }
0x5a: {  	_ =	shalt  }
0x5b: {  	_ =	shalt  }
0x5c: {  	_ =	shalt  }
0x5d: {  	_ =	shalt  }
0x5e: {  	_ =	shalt  }
0x5f: {  	_ =	shalt  }
0x60: {  	_ =	shalt  }
0x61: {  	_ =	shalt  }
0x62: {  	_ =	shalt  }
0x63: {  	_ =	shalt  }
0x64: {  	_ =	shalt  }
0x65: {  	_ =	shalt  }
0x66: {  	_ =	shalt  }
0x67: {  	_ =	shalt  }
0x68: {  	_ =	shalt  }
0x69: {  	_ =	shalt  }
0x6a: {  	_ =	shalt  }
0x6b: {  	_ =	shalt  }
0x6c: {  	_ =	shalt  }
0x6d: {  	_ =	shalt  }
0x6e: {  	_ =	shalt  }
0x6f: {  	_ =	shalt  }
0x70: {  	_ =	shalt  }
0x71: {  	_ =	shalt  }
0x72: {  	_ =	shalt  }
0x73: {  	_ =	shalt  }
0x74: {  	_ =	shalt  }
0x75: {  	_ =	shalt  }
0x76: {  	_ =	shalt  }
0x77: {  	_ =	shalt  }
0x78: {  	_ =	shalt  }
0x79: {  	_ =	shalt  }
0x7a: {  	_ =	shalt  }
0x7b: {  	_ =	shalt  }
0x7c: {  	_ =	shalt  }
0x7d: {  	_ =	shalt  }
0x7e: {  	_ =	shalt  }
0x7f: {  	_ =	shalt  }
0x80: {  	_ =	shalt  }
0x81: {  	_ =	shalt  }
0x82: {  	_ =	shalt  }
0x83: {  	_ =	shalt  }
0x84: {  	_ =	shalt  }
0x85: {  	_ =	shalt  }
0x86: {  	_ =	shalt  }
0x87: {  	_ =	shalt  }
.Lfunc_end0:
.L_simem_size_0:
called_computation_lowered:
.L_overlay_start_0:
0x88: {  	s2 =	sld [smem:$0x3FD9]  }
0x89: {  	s3 =	sld [smem:$0x3FFE];
	_ =	sdelay $0x1  }
0x8a: {  	s1 =	srdreg.scid  }
0x8b: {  	s0 =	sand.u32 $0x1, s1  }
0x8c: {  	s16 =	sshll.u32 s0, $0xA;
	s2 =	sadd.s32 s3, s2  }
0x8d: {  	s2 =	sadd.s32 s2, s16  }
0x8e: {  	[smem:$0x3FC5] =	sst s2  }
0x8f: {  	_ = 	snop  }
0x90: {  	(tm) =	ssettm $0x1  }
0x91: {  	s17 =	sld [smem:$0x3FFB];
	_ =	sdelay $0x3  }
0x92: {  	_ =	strace s17  }
0x93: {  	s2 =	sld [smem:$0x3FFC];
	_ =	sdelay $0x3  }
0x94: {  	_ =	strace s2  }
0x95: {  	s2 =	sld [smem:$0x3FFD];
	_ =	sdelay $0x3  }
0x96: {  	_ =	strace s2  }
0x97: {  	_ =	strace $0x8FFFFFFF  }
0x98: {  	s18 =	sld [smem:$0x3FDB];
	_ =	sdelay $0x1  }
0x99: {  	s19 =	simm.s32 $_scs_section_size  }
0x9a: {  	s4 =	simm.s32 $_size__tile_overlayer_lowered;
	s5 =	simm.s32 $_tile_overlayer_lowered  }
0x9b: {  	s22 =	simm.s32 $0x1BFF;
	s21 =	sshll.u32 s5, $0x1;
	s2 =	sadd.s32 s19, s18  }
0x9c: {  	s6 =	simm.s32 $0x0;
	s20 =	sshll.u32 s4, $0x1;
	s4 =	sadd.s32 s21, s2  }
0x9d: {  	[timem:s6], [sflag:s22] =	dma.local [hbm:s4], s20  }
0x9e: {  	_ =	swait.ge [sflag:s22], s20  }
0x9f: {  	s3 =	ssub.s32 $0x0, s20;
	[sflag:s22] =	ssyncset.done $0x0  }
0xa0: {  	[sflag:s22] =	ssyncadd.s32 s3;
	_ =	sdelay $0x1  }
0xa1: {  	s23 =	simm.s32 $0x1B8B  }
0xa2: {  	_ =	swait.ge [sflag:s23], $0x1  }
0xa3: {  	[sflag:s23] =	ssyncset.done $0x0  }
0xa4: {  	s25 =	simm.s32 $0x1B8E;
	s24 =	sld [smem:$0x3FFE];
	[sflag:s23] =	ssyncadd.s32 $0xFFFFFFFF  }
0xa5: {  	s26 =	simm.s32 $execute0_lowered;
	[smem:$0x3FD2] =	sst s25  }
0xa6: {  	s4 =	sshll.u32 s26, $0x1;
	_ =	strace $0x80000049;
	[dreg:$0x1] =	wrdreg $0xFFFFFFFF  }
0xa7: {  	s28 =	simm.s32 $_size_execute0_lowered;
	s2 =	sadd.s32 s2, s4;
	[dreg:$0x0] =	wrdreg $0x0  }
0xa8: {  	s4 =	sshll.u32 s28, $0x1;
	[dreg:$0x2] =	wrdreg s2  }
0xa9: {  	[dreg:$0x3] =	wrdreg s4  }
0xaa: {  	[dreg:$0x4] =	wrdreg $0xC0  }
0xab: {  	_ =	task [dreg:s6], $0x5FFFF  }
0xac: {  	[dreg:$0x1] =	wrdreg $0xFFFFFFFF  }
0xad: {  	[dreg:$0x0] =	wrdreg $0x60  }
0xae: {  	[dreg:$0x2] =	wrdreg s24  }
0xaf: {  	[dreg:$0x3] =	wrdreg $0x9  }
0xb0: {  	_ =	task.clear_ibuf [dreg:s6], $0x4FFFF;
	_ =	strace $0x90000049  }
0xb1: {  	s29 =	simm.s32 $0x9;
	_ =	strace $0x8000004B  }
0xb2: {  	_ =	swait.ge [sflag:s29], $0x1  }
0xb3: {  	[sflag:s29] =	ssyncadd.s32 $0xFFFFFFFF  }
0xb4: {  	_ =	strace $0x9000004B  }
0xb5: {  	_ =	sfence  }
0xb6: {  	s30 =	sld [smem:$0x0];
	_ =	sdelay $0x2  }
0xb7: {  	s31 =	sshll.u32 s1, $0xD;
	s1 =	sshrl.u32 s1, $0x2  }
0xb8: {  	s3 =	sand.u32 $0x4000, s31;
	s1 =	sadd.s32 s1, s30  }
0xb9: {  	s0 =	sor.u32 s3, s0;
	s1 =	sshll.u32 s1, $0x11  }
0xba: {  	s0 =	sor.u32 s1, s0  }
0xbb: {  	s0 =	sadd.s32 $0x8F2B, s0  }
0xbc: {  	[sflag:s0] =	ssyncadd.remote.s32 $0x1  }
0xbd: {  	_ =	sfence.sel $0xFFFF  }
0xbe: {  	[dreg:$0x0] =	wrdreg $0xFFFFFFFF;
	(pc) =	sbr.abs _section_cstart, $3  }
0xbf: {  	[dreg:$0x1] =	wrdreg $0xFFFFFFFF  }
0xc0: {  	_ =	task.clear_ibuf [dreg:s6], $0x2FFFF;
	_ =	strace $0x9FFFFFFF  }
0xc1: {  	(tm) =	ssettm $0x7FFFFFFF  }
tec
execute0_lowered:
.L_overlay_start_1:
0x0: {  	(tag) =	ssettag $0x1  }
0x1: {  	s0 =	srdreg.scid  }
0x2: {  	s1 =	sshll.u32 s0, $0x4  }
0x3: {  	s0 =	stileid.u32;
	s1 =	sand.u32 $0x10, s1  }
0x4: {  	s1 =	sor.u32 s0, s1  }
0x5: {  	s2 =	smin.u32 s1, $0x12  }
0x6: {  	s2 =	sadd.s32 s1, s2  }
0x7: {  	p0 =	slt.u32 s1, $0x12;
	s1 =	simm.s32 $0xA0;
	s2 =	smul.u32 $0x50, s2  }
0x8: {  	s1 =	simm.s32 @!p0 $0x50  }
0x9: {  	s1 =	sadd.s32 s1, s2  }
0xa: {  	s3 =	smin.u32 s1, $0xFA0  }
0xb: {  	s7 =	ssub.s32 s3, s2  }
0xc: {  	p0 =	sgt.s32 s7, $0x0  }
0xd: {  	s7 =	simm.s32 @!p0 $0x0  }
0xe: {  	s31 =	smul.u32 $0xCCCD, s7  }
0xf: {  	s4 =	rddreg [dreg:$0x0];
	s6 =	simm.s32 $0x1  }
0x10: {  	s10 =	simm.s32 $0x3;
	s13 =	simm.s32 $0x0;
	s8 =	sshrl.u32 s31, $0x16  }
0x11: {  	s12 =	simm.s32 $0x0;
	s5 =	sadd.s32 $0x200, s4;
	s9 =	smul.u32 $0x50, s8  }
.Ltmp0:
0x12: {  	s11 =	smov.u32 s2;
	s1 =	rddreg [dreg:$0x1];
	(pc) =	sbr.rel .LBB2_1-.Ltmp0, $4  }
0x13: {  	_ =	strace $0x8000004A;
	p0 =	sne.s32 s7, s9;
	s9 =	simm.s32 $0x1  }
0x14: {  	[sflag:s6] =	ssyncpa.u1 $0x0;
	s7 =	simm.s32 $0x2;
	s9 =	simm.s32 @!p0 $0x0  }
0x15: {  	[sflag:s7] =	ssyncpa.u1 $0x0;
	p0 =	por $0x0, $0x0;
	s8 =	sadd.s32 s8, s9  }
0x16: {  	vm0 =	vmmov $0xff;
	vm1 =	vcmask $0x3F20;
	s9 =	sadd.s32 $0x138A00, s4;
	[sflag:s10] =	ssyncpa.u1 $0x0;
	s10 =	sadd.s32 $0x1, s8  }
.LBB2_6:
0x17: {  	[hbm:s17] =	stream.linear.scatter [tilespmem:s14], [sflag:$0x3], $0x400, $0x38;
	[tilespmem:$0x50A0] =	vst v63  }
.LBB2_7:
0x18: {  	s13 =	sadd.s32 $0x50, s11  }
0x19: {  	s15 =	smov.u32 s2;
	p2 =	slt.s32 s13, s3  }
0x1a: {  	s15 =	smov.u32 @p2 s13;
	p2 =	sne.s32 s12, s10  }
.Ltmp1:
0x1b: {  	p1 =	slt.u32 s12, $0x2;
	(pc) =	sbr.rel @!p2 .LBB2_8-.Ltmp1, $4  }
0x1c: {  	s14 =	simm.s32 @!p1 $0x3  }
0x1d: {  	s16 =	sadd.s32 $0x1, s12;
	_ =	swait.ge @!p1 [sflag:s14], $0x2800  }
0x1e: {  	p0 =	por !p0, !p0;
	s13 =	smov.u32 s11;
	[sflag:s14] =	ssyncset.done @!p1 $0x0  }
0x1f: {  	s12 =	smov.u32 s16;
	s11 =	smov.u32 s15;
	[sflag:s14] =	ssyncadd.s32 @!p1 $0xFFFFD800  }
.LBB2_1:
0x20: {  	p1 =	sge.u32 s12, s8  }
0x21: {  	s14 =	sxor.u32 @!p1 $0xFFFFFFFF, s12  }
0x22: {  	s14 =	sand.u32 @!p1 $0x1, s14  }
0x23: {  	s14 =	smul.u32 @!p1 $0x140, s14  }
0x24: {  	s31 =	sadd.s32 $0xFFFFFFFF, s12;
	s15 =	sshrl.u32 @!p1 s11, $0x3  }
0x25: {  	s16 =	sand.u32 @!p1 $0x7, s11;
	s15 =	sadd.s32 @!p1 s4, s15;
	s14 =	sshrl.u32 @!p1 s14, $0x2  }
0x26: {  	[tilespmem:s14], [sflag:$0x2] =	stream.linear.gather @!p1 [hbm4b:s15+s16], $0x50, $0x38;
	[tilespmem:$0x50A0] =	vst v63  }
0x27: {  	p1 =	sge.u32 s31, s8  }
.Ltmp2:
0x28: {  	_ = 	snop;
	(pc) =	sbr.rel @p1 .LBB2_7-.Ltmp2, $1  }
0x29: {  	_ =	sdelay $0x3  }
0x2a: {  	s14 =	simm.s32 $0x1  }
0x2b: {  	s14 =	simm.s32 @!p0 $0x0  }
0x2c: {  	s15 =	smul.u32 $0x140, s14  }
0x2d: {  	_ =	swait.ge [sflag:s7], $0x50  }
0x2e: {  	[sflag:s7] =	ssyncset.done $0x0;
	s16 =	sshrl.u32 s15, $0x2  }
0x2f: {  	[sflag:s7] =	ssyncadd.s32 $0xFFFFFFB0;
	s15 =	sadd.s32 $0x0, s16  }
0x30: {  	v0 =	vld.msk [tilespmem:s15+$0x0 ss:$0x1], $0xffff;
	_ =	sdelay $0x4  }
0x31: {  	v1 =	vand.u32 $0x3, v0;
	v2 =	vshll.u32 v0, $0x5  }
0x32: {  	vm2 =	veq.s32 v0, $0x80000000;
	v0 =	vmul.u32 $0x271000, v1;
	v1 =	vand.u32 $0x3FFF80, v2  }
0x33: {  	v1 =	vsel vm2, $0xFFFFFF80, v1  }
0x34: {  	v0 =	vsel vm2, $0xFFD8F000, v0;
	v2 =	vand.u32 $0xFFFFFC00, v1  }
0x35: {  	v1 =	vand.u32 $0x380, v1;
	v0 =	vadd.s32 v0, v2  }
0x36: {  	v0 =	vor.u32 v1, v0  }
0x37: {  	v0 =	vshrl.u32 v0, $0x3  }
0x38: {  	s14 =	smul.u32 $0xA000, s14;
	_ =	sdelay $0x1  }
0x39: {  	s14 =	sshrl.u32 s14, $0x2  }
0x3a: {  	s14 =	sor.u32 $0xA0, s14  }
0x3b: {  	[tilespmem:s14], [sflag:$0x1] =	stream.indirect_vreg.gather [hbm:s5], $0x80, v0, vm0, $0x38;
	[tilespmem:$0x50A0] =	vst v63  }
0x3c: {  	s17 =	sadd.s32 $0x10, s16;
	s15 =	sadd.s32 $0x400, s14  }
0x3d: {  	[tilespmem:s15], [sflag:$0x1] =	stream.indirect_vreg.gather [hbm:s5], $0x80, v0, vm1, $0x38;
	[tilespmem:$0x50A0] =	vst v63  }
0x3e: {  	s18 =	simm.s32 $0x80;
	v0 =	vld.msk [tilespmem:s17+$0x0 ss:$0x1], $0xffff;
	s17 =	smov.u32 s14  }
.LBB2_3:
0x3f: {  	p1 =	sne.s32 s18, $0x100;
	_ =	sdelay $0x4  }
0x40: {  	v1 =	vand.u32 $0x3, v0;
	v2 =	vshll.u32 v0, $0x5  }
0x41: {  	vm2 =	veq.s32 v0, $0x80000000;
	v0 =	vmul.u32 $0x271000, v1;
	v1 =	vand.u32 $0x3FFF80, v2  }
0x42: {  	v1 =	vsel vm2, $0xFFFFFF80, v1  }
0x43: {  	v0 =	vsel vm2, $0xFFD8F000, v0;
	v2 =	vand.u32 $0xFFFFFC00, v1  }
0x44: {  	v1 =	vand.u32 $0x380, v1;
	v0 =	vadd.s32 v0, v2  }
0x45: {  	v0 =	vor.u32 v1, v0  }
0x46: {  	v0 =	vshrl.u32 v0, $0x3;
	_ =	sdelay $0x3  }
.Ltmp3:
0x47: {  	s19 =	sshra.s32 s18, $0x2;
	s17 =	sadd.s32 $0x800, s17;
	(pc) =	sbr.rel @p1 .LBB2_3-.Ltmp3, $4  }
0x48: {  	[tilespmem:s17], [sflag:$0x1] =	stream.indirect_vreg.gather [hbm:s5], $0x80, v0, vm0, $0x38;
	[tilespmem:$0x50A0] =	vst v63  }
0x49: {  	s19 =	sadd.s32 s19, s16;
	s20 =	sadd.s32 $0x400, s17  }
0x4a: {  	[tilespmem:s20], [sflag:$0x1] =	stream.indirect_vreg.gather [hbm:s5], $0x80, v0, vm1, $0x38;
	[tilespmem:$0x50A0] =	vst v63  }
0x4b: {  	s18 =	sadd.s32 $0x40, s18;
	v0 =	vld.msk [tilespmem:s19+$0x0 ss:$0x1], $0xffff  }
0x4c: {  	_ =	sdelay $0x3  }
0x4d: {  	v1 =	vand.u32 $0x3, v0;
	v2 =	vshll.u32 v0, $0x5  }
0x4e: {  	vm2 =	veq.s32 v0, $0x80000000;
	v61 =	vmul.u32 $0x271000, v1;
	v62 =	vand.u32 $0x3FFF80, v2  }
0x4f: {  	v1 =	vsel vm2, $0xFFFFFF80, v62  }
0x50: {  	v0 =	vsel vm2, $0xFFD8F000, v61;
	v63 =	vand.u32 $0xFFFFFC00, v1  }
0x51: {  	v1 =	vand.u32 $0x380, v1;
	v0 =	vadd.s32 v0, v63  }
0x52: {  	v0 =	vor.u32 v1, v0  }
0x53: {  	v0 =	vshrl.u32 v0, $0x3;
	_ =	sdelay $0x3  }
0x54: {  	s16 =	sadd.s32 $0x800, s17  }
0x55: {  	[tilespmem:s16], [sflag:$0x1] =	stream.indirect_vreg.gather [hbm:s5], $0x80, v0, vm0, $0x38;
	[tilespmem:$0x50A0] =	vst v63  }
0x56: {  	s16 =	sadd.s32 $0x400, s16  }
0x57: {  	[tilespmem:s16], [sflag:$0x1] =	stream.indirect_vreg.gather [hbm:s5], $0x80, v0, vm1, $0x38;
	[tilespmem:$0x50A0] =	vst v63  }
0x58: {  	s13 =	sshll.u32 s13, $0x4;
	_ =	swait.ge [sflag:s6], $0x2800  }
0x59: {  	s13 =	sadd.s32 s13, s9;
	[sflag:s6] =	ssyncset.done $0x0  }
0x5a: {  	s17 =	sadd.s32 $0x0, s13;
	s16 =	simm.s32 $0x80;
	[sflag:s6] =	ssyncadd.s32 $0xFFFFD800  }
.LBB2_5:
0x5b: {  	[hbm:s17] =	stream.linear.scatter [tilespmem:s14], [sflag:$0x3], $0x400, $0x38;
	[tilespmem:$0x50A0] =	vst v63  }
0x5c: {  	s17 =	smov.u32 s16;
	s14 =	smov.u32 s15;
	p1 =	sne.s32 s16, $0x480  }
.Ltmp4:
0x5d: {  	s16 =	sadd.s32 $0x80, s16;
	(pc) =	sbr.rel @p1 .LBB2_5-.Ltmp4, $2  }
0x5e: {  	_ =	sdelay $0x2  }
0x5f: {  	s15 =	sadd.s32 $0x400, s15;
	s17 =	sadd.s32 s17, s13  }
.Ltmp5:
0x60: {  	_ = 	snop;
	(pc) =	sbr.rel .LBB2_6-.Ltmp5, $1  }
0x61: {  	_ =	sdelay $0x3  }
.LBB2_8:
0x62: {  	_ =	sfence.sel $0x180000  }
0x63: {  	s2 =	simm.s32 $0x2;
	[bflag:$0x0] =	sbarrier.arrive $0xFFFF  }
0x64: {  	s30 =	simm.s32 $0x3;
	[sflag:s2] =	ssyncpa.u1 $0x1  }
0x65: {  	s31 =	simm.s32 $0x1;
	[sflag:s30] =	ssyncpa.u1 $0x1  }
0x66: {  	[sflag:s31] =	ssyncpa.u1 $0x1  }
0x67: {  	p0 =	sne.s32 s0, $0x0;
	_ =	strace $0x9000004A  }
0x68: {  	s0 =	sadd.s32 @!p0 $0x100000, s1;
	[bflag:$0x2] =	sbarrier.arrive $0xFFFF  }
0x69: {  	[sflag:s0] =	ssyncadd.tile.s32 @!p0 $0x1;
	_ =	shalt  }
.Lfunc_end2:
_tile_overlayer_lowered:
.L_overlay_start_2:
0x6a: {  	(tag) =	ssettag $0x2  }
0x6b: {  	s0 =	rddreg [dreg:$0x0];
	s2 =	stileid.u32  }
0x6c: {  	s1 =	rddreg [dreg:$0x1];
	p0 =	sne.s32 s2, $0x0  }
0x6d: {  	s3 =	rddreg [dreg:$0x2];
	[bflag:$0x3] =	sbarrier.arrive $0xFFFF;
	s2 =	simm.s32 @!p0 $0x1C01  }
0x6e: {  	[timem:s3], [sflag:s2] =	dma.local @!p0 [hbm:s0], s1  }
0x6f: {  	s0 =	simm.s32 @!p0 $0x1  }
0x70: {  	_ =	swait.ge @!p0 [sflag:s0], s1  }
0x71: {  	s1 =	ssub.s32 @!p0 $0x0, s1;
	[sflag:s0] =	ssyncset.done @!p0 $0x0  }
0x72: {  	[sflag:s0] =	ssyncadd.s32 @!p0 s1  }
0x73: {  	[bflag:$0x3] =	sbarrier.arrive $0xFFFF  }
0x74: {  	_ =	shalt  }

</sc_bundles>
